<compile_context>
chip_gen: v7x
topology: tpu7x:2x2x1
jax: 0.10.2.dev20260603
libtpu: 0.0.44.dev20260713+nightly
codegen_flags: <defaults>
</compile_context>

<pallas_src>
import functools

import jax
import jax.numpy as jnp
from jax import lax
from jax.experimental import pallas as pl
from jax.experimental.pallas import tpu as pltpu
from jax.experimental.pallas import tpu_sc as plsc

N = 10000
E = 320000
D = 128
DE = 16

NC = 2
NS = 16
NW = NC * NS
CHUNK = 125
NSLAB = 2
ES = E // NSLAB
E_PER_W = ES // NW
KW = E_PER_W // CHUNK
NCHUNK = ES // CHUNK
NPAD = 10240
ROWS_PER_TILE = NPAD // NS


def _proj_body(x_ref, w_ref, ps_ref, pd_ref):
    acc = jnp.dot(x_ref[...], w_ref[...], preferred_element_type=jnp.float32)
    ps_ref[...] = acc[:, :DE]
    pd_ref[...] = acc[:, DE:]


def _node_proj(node_attr, w_sd):
    blk = 1000
    return pl.pallas_call(
        _proj_body,
        grid=(N // blk,),
        in_specs=[
            pl.BlockSpec((blk, D), lambda i: (i, 0)),
            pl.BlockSpec((D, 2 * DE), lambda i: (0, 0)),
        ],
        out_specs=[
            pl.BlockSpec((blk, DE), lambda i: (i, 0)),
            pl.BlockSpec((blk, DE), lambda i: (i, 0)),
        ],
        out_shape=[
            jax.ShapeDtypeStruct((N, DE), jnp.float32),
            jax.ShapeDtypeStruct((N, DE), jnp.float32),
        ],
    )(node_attr, w_sd)


def _pe_body(ea_ref, w_ref, b_ref, out_ref):
    out_ref[...] = (
        jnp.dot(ea_ref[...], w_ref[...], preferred_element_type=jnp.float32)
        + b_ref[...]
    )


def _edge_proj(ea128, w_blk, be_tiled):
    blk = 2000
    rows = ea128.shape[0]
    return pl.pallas_call(
        _pe_body,
        grid=(rows // blk,),
        in_specs=[
            pl.BlockSpec((blk, D), lambda i: (i, 0)),
            pl.BlockSpec((D, D), lambda i: (0, 0)),
            pl.BlockSpec((1, D), lambda i: (0, 0)),
        ],
        out_specs=pl.BlockSpec((blk, D), lambda i: (i, 0)),
        out_shape=jax.ShapeDtypeStruct((rows, D), jnp.float32),
    )(ea128, w_blk, be_tiled.reshape(1, D))


def _sc_body(sidx, psrc, pdst, pe2d, row2, col2, eout2d, agg_hbm,
             ridx_all, cidx_all, src_v, dst_v, acc_v, eo_v, zbuf, agg_sh,
             gsem0, gsem1, psem0, psem1, asem0, asem1,
             osem0, osem1, ssem0, ssem1):
    c = lax.axis_index("c")
    s = lax.axis_index("s")
    wid = s * NC + c
    gsem = (gsem0, gsem1)
    psem = (psem0, psem1)
    asem = (asem0, asem1)
    osem = (osem0, osem1)
    ssem = (ssem0, ssem1)

    def zero_row(i, carry):
        zbuf[i, :] = jnp.zeros((DE,), jnp.float32)
        return carry

    lax.fori_loop(0, ROWS_PER_TILE, zero_row, 0)
    pltpu.sync_copy(zbuf, agg_sh.at[pl.ds(s * ROWS_PER_TILE, ROWS_PER_TILE)])

    cbase = sidx * NCHUNK + wid * KW
    pltpu.sync_copy(row2.at[pl.ds(cbase, KW)], ridx_all)
    pltpu.sync_copy(col2.at[pl.ds(cbase, KW)], cidx_all)
    plsc.subcore_barrier()

    ebase = wid * E_PER_W
    gbase = sidx * ES + ebase

    def issue_loads(j, b):
        pltpu.async_copy(pe2d.at[pl.ds(gbase + j * CHUNK, CHUNK)], acc_v.at[b],
                         psem[b])
        pltpu.async_copy(psrc.at[ridx_all.at[j]], src_v.at[b], gsem[b])
        pltpu.async_copy(pdst.at[cidx_all.at[j]], dst_v.at[b], asem[b])

    def wait_loads(j, b):
        pltpu.make_async_copy(pe2d.at[pl.ds(gbase + j * CHUNK, CHUNK)],
                              acc_v.at[b], psem[b]).wait()
        pltpu.make_async_copy(psrc.at[ridx_all.at[j]], src_v.at[b], gsem[b]).wait()
        pltpu.make_async_copy(pdst.at[cidx_all.at[j]], dst_v.at[b],
                              asem[b]).wait()

    def issue_stores(j, b):
        pltpu.async_copy(eo_v.at[b],
                         eout2d.at[pl.ds(ebase + j * CHUNK, CHUNK)], osem[b])
        pltpu.async_copy(eo_v.at[b], agg_sh.at[cidx_all.at[j]], ssem[b], add=True)

    def wait_stores(j, b):
        pltpu.make_async_copy(
            eo_v.at[b], eout2d.at[pl.ds(ebase + j * CHUNK, CHUNK)], osem[b]
        ).wait()
        pltpu.make_async_copy(eo_v.at[b], agg_sh.at[cidx_all.at[j]], ssem[b]).wait()

    issue_loads(0, 0)

    def outer(i, carry):
        for b in (0, 1):
            j = 2 * i + b

            @pl.when(j + 1 < KW)
            def _():
                issue_loads(j + 1, 1 - b)

            wait_loads(j, b)

            @pl.when(j >= 2)
            def _():
                wait_stores(j - 2, b)

            def fuse_row(r, rc):
                eo_v[b, r, :] = jnp.maximum(
                    acc_v[b, r, :] + src_v[b, r, :] + dst_v[b, r, :], 0.0
                )
                return rc

            lax.fori_loop(0, CHUNK, fuse_row, 0, unroll=5)
            issue_stores(j, b)
        return carry

    lax.fori_loop(0, KW // 2, outer, 0)
    wait_stores(KW - 2, 0)
    wait_stores(KW - 1, 1)
    plsc.subcore_barrier()
    sl = pl.ds(s * ROWS_PER_TILE, ROWS_PER_TILE)
    pltpu.sync_copy(agg_sh.at[sl], agg_hbm.at[c].at[sl])


def _sc_edges(psrc, pdst, pe2d, row2, col2, sidx):
    mesh = plsc.VectorSubcoreMesh(core_axis_name="c", subcore_axis_name="s")
    f = pl.kernel(
        functools.partial(_sc_body, sidx),
        out_type=(
            jax.ShapeDtypeStruct((ES, DE), jnp.float32),
            jax.ShapeDtypeStruct((NC, NPAD, DE), jnp.float32),
        ),
        mesh=mesh,
        compiler_params=pltpu.CompilerParams(use_tc_tiling_on_sc=False),
        scratch_types=[
            pltpu.VMEM((KW, CHUNK), jnp.int32),
            pltpu.VMEM((KW, CHUNK), jnp.int32),
            pltpu.VMEM((2, CHUNK, DE), jnp.float32),
            pltpu.VMEM((2, CHUNK, DE), jnp.float32),
            pltpu.VMEM((2, CHUNK, DE), jnp.float32),
            pltpu.VMEM((2, CHUNK, DE), jnp.float32),
            pltpu.VMEM((ROWS_PER_TILE, DE), jnp.float32),
            pltpu.VMEM_SHARED((NPAD, DE), jnp.float32),
        ] + [pltpu.SemaphoreType.DMA] * 10,
    )
    return f(psrc, pdst, pe2d, row2, col2)


def _vout_body(x_ref, agg0_ref, agg1_ref, w1_ref, w2_ref, b_ref, o_ref):
    a = agg0_ref[0] + agg0_ref[1] + agg1_ref[0] + agg1_ref[1]
    acc = jnp.dot(x_ref[...], w1_ref[...], preferred_element_type=jnp.float32)
    acc = acc + jnp.dot(a, w2_ref[...], preferred_element_type=jnp.float32)
    o_ref[...] = jnp.maximum(acc + b_ref[...], 0.0)


def _node_update(node_attr, agg0, agg1, w1, w2, bv):
    blk = 1000
    return pl.pallas_call(
        _vout_body,
        grid=(N // blk,),
        in_specs=[
            pl.BlockSpec((blk, D), lambda i: (i, 0)),
            pl.BlockSpec((NC, blk, DE), lambda i: (0, i, 0)),
            pl.BlockSpec((NC, blk, DE), lambda i: (0, i, 0)),
            pl.BlockSpec((D, D), lambda i: (0, 0)),
            pl.BlockSpec((DE, D), lambda i: (0, 0)),
            pl.BlockSpec((1, D), lambda i: (0, 0)),
        ],
        out_specs=pl.BlockSpec((blk, D), lambda i: (i, 0)),
        out_shape=jax.ShapeDtypeStruct((N, D), jnp.float32),
    )(node_attr, agg0, agg1, w1, w2, bv.reshape(1, D))


def kernel(node_attr, connectivity, edge_attr, u, We, be, Wv, bv):
    w_sd = jnp.concatenate([We[:D], We[D:2 * D]], axis=1)
    w_blk = jnp.kron(jnp.eye(8, dtype=jnp.float32), We[2 * D:])
    be_tiled = jnp.tile(be, 8)

    psrc, pdst = _node_proj(node_attr, w_sd)
    row2 = connectivity[0].reshape(NSLAB * NCHUNK, CHUNK)
    col2 = connectivity[1].reshape(NSLAB * NCHUNK, CHUNK)
    pe128 = _edge_proj(edge_attr.reshape(E // 8, D), w_blk, be_tiled)
    pe2d = pe128.reshape(E, DE)
    e_outs = []
    aggs = []
    for sidx in range(NSLAB):
        e_out_s, agg_s = _sc_edges(psrc, pdst, pe2d, row2, col2, sidx)
        e_outs.append(e_out_s)
        aggs.append(agg_s)
    e_out = jnp.concatenate(e_outs, axis=0)
    v_out = _node_update(node_attr, aggs[0], aggs[1], Wv[:D], Wv[D:], bv)
    global_attr = jnp.zeros_like(u)
    return (v_out, e_out, global_attr)

# --- scband reference (transcript-rebuilt; emitter-appended) ---
"""Pipeline reference for scband-graph-encoder-27908697489909 (READ-ONLY COPY).

The authoritative reference and input builder live on the scoring server;
editing this copy changes nothing except your own understanding.
"""

import jax, jax.numpy as jnp
import numpy as np

N = 10000
E = 320000
D = 128
DE = 16


def setup_inputs(seed: int = 0) -> dict:
    key = jax.random.key(seed)
    ks = jax.random.split(key, 8)
    node_attr = jax.random.normal(ks[0], (N, D), dtype=jnp.float32)
    connectivity = jax.random.randint(ks[1], (2, E), 0, N)
    edge_attr = jax.random.normal(ks[2], (E, DE), dtype=jnp.float32)
    u = jax.random.normal(ks[3], (1, D), dtype=jnp.float32)
    We = jax.random.normal(ks[4], (2 * D + DE, DE), dtype=jnp.float32) / np.sqrt(2 * D + DE)
    be = jnp.zeros((DE,), dtype=jnp.float32)
    Wv = jax.random.normal(ks[5], (D + DE, D), dtype=jnp.float32) / np.sqrt(D + DE)
    bv = jnp.zeros((D,), dtype=jnp.float32)
    return {"node_attr": node_attr, "connectivity": connectivity, "edge_attr": edge_attr, "u": u, "We": We, "be": be, "Wv": Wv, "bv": bv}


def reference(node_attr, connectivity, edge_attr, u, We, be, Wv, bv):
    # GraphEncoder.forward_helper:
    # row, col = connectivity; edge_model(node_attr[row], node_attr[col], edge_attr, ...)
    row = connectivity[0]
    col = connectivity[1]
    src = jnp.take(node_attr, row, axis=0)          # gather: [E, D]
    dst = jnp.take(node_attr, col, axis=0)          # gather: [E, D]
    e_in = jnp.concatenate([src, dst, edge_attr], axis=-1)
    e_out = jax.nn.relu(e_in @ We + be)             # edge model output: [E, DE]
    # node_model: scatter-add edge messages to receiver nodes, then update
    agg = jax.ops.segment_sum(e_out, col, num_segments=node_attr.shape[0])  # [N, DE]
    v_in = jnp.concatenate([node_attr, agg], axis=-1)
    v_out = jax.nn.relu(v_in @ Wv + bv)             # [N, D]
    # global_model is None -> global_attr = zeros_like(u)
    global_attr = jnp.zeros_like(u)
    return (v_out, e_out, global_attr)

if __name__ == "__main__":
    import jax
    _d = setup_inputs()
    print(jax.jit(kernel)(*tuple(_d.values())))

</pallas_src>

<mosaic_0001>
#map = affine_map<(d0, d1) -> (0, 0)>
#map1 = affine_map<(d0, d1) -> (0, 0, 0)>
module attributes {stable_mosaic.version = 14 : i64} {
  func.func @_sc_body(%arg0: i32, %arg1: i32, %arg2: memref<10000x16xf32, #tpu.memory_space<hbm>>, %arg3: memref<10000x16xf32, #tpu.memory_space<hbm>>, %arg4: memref<320000x16xf32, #tpu.memory_space<hbm>>, %arg5: memref<2560x125xi32, #tpu.memory_space<hbm>>, %arg6: memref<2560x125xi32, #tpu.memory_space<hbm>>, %arg7: memref<160000x16xf32, #tpu.memory_space<hbm>>, %arg8: memref<2x10240x16xf32, #tpu.memory_space<hbm>>, %arg9: memref<40x125xi32, #tpu.memory_space<vmem>>, %arg10: memref<40x125xi32, #tpu.memory_space<vmem>>, %arg11: memref<2x125x16xf32, #tpu.memory_space<vmem>>, %arg12: memref<2x125x16xf32, #tpu.memory_space<vmem>>, %arg13: memref<2x125x16xf32, #tpu.memory_space<vmem>>, %arg14: memref<2x125x16xf32, #tpu.memory_space<vmem>>, %arg15: memref<640x16xf32, #tpu.memory_space<vmem>>, %arg16: memref<10240x16xf32, #tpu.memory_space<vmem_shared>>, %arg17: memref<!tpu.dma_semaphore, #tpu.memory_space<semaphore_mem>>, %arg18: memref<!tpu.dma_semaphore, #tpu.memory_space<semaphore_mem>>, %arg19: memref<!tpu.dma_semaphore, #tpu.memory_space<semaphore_mem>>, %arg20: memref<!tpu.dma_semaphore, #tpu.memory_space<semaphore_mem>>, %arg21: memref<!tpu.dma_semaphore, #tpu.memory_space<semaphore_mem>>, %arg22: memref<!tpu.dma_semaphore, #tpu.memory_space<semaphore_mem>>, %arg23: memref<!tpu.dma_semaphore, #tpu.memory_space<semaphore_mem>>, %arg24: memref<!tpu.dma_semaphore, #tpu.memory_space<semaphore_mem>>, %arg25: memref<!tpu.dma_semaphore, #tpu.memory_space<semaphore_mem>>, %arg26: memref<!tpu.dma_semaphore, #tpu.memory_space<semaphore_mem>>) attributes {dimension_semantics = [#tpu.dimension_semantics<core_parallel>, #tpu.dimension_semantics<subcore_parallel>], iteration_bounds = array<i64: 2, 16>, scalar_prefetch = 0 : i64, scratch_operands = 18 : i64, tpu.core_type = #tpu.core_type<sc_vector_subcore>, window_params = [{transform_indices = #map}, {transform_indices = #map}, {transform_indices = #map}, {transform_indices = #map}, {transform_indices = #map}, {transform_indices = #map}, {transform_indices = #map1}]} {
    %mul3A = arith.constant 2 : i32
    %mul3A_0 = arith.muli %arg1, %mul3A : i32
    %add3A = arith.addi %mul3A_0, %arg0 : i32
    %scan3A = arith.constant 0 : i32
    %scan3A_1 = arith.constant 0 : i32
    %scan3A_2 = arith.constant 640 : i32
    %scan3A_3 = arith.addi %scan3A_1, %scan3A_2 : i32
    %scan3A_4 = arith.constant 1 : i32
    scf.for %scan3A_116 = %scan3A_1 to %scan3A_3 step %scan3A_4  : i32 {
      %broadcast_in_dim3A = arith.constant 0.000000e+00 : f32
      %broadcast_in_dim3A_117 = vector.broadcast %broadcast_in_dim3A : f32 to vector<16xf32>
      %swap3A = arith.index_cast %scan3A_116 : i32 to index
      %swap3A_118 = arith.constant 0 : index
      %swap3A_119 = tpu.vector_load %arg15[%swap3A, %swap3A_118] {strides = array<i32>} : memref<640x16xf32, #tpu.memory_space<vmem>>, vector<1x16xf32>,
      %swap3A_120 = vector.shape_cast %swap3A_119 : vector<1x16xf32> to vector<16xf32>
      %swap3A_121 = vector.shape_cast %broadcast_in_dim3A_117 : vector<16xf32> to vector<1x16xf32>
      tpu.vector_store %arg15[%swap3A, %swap3A_118], %swap3A_121 {strides = array<i32>} : memref<640x16xf32, #tpu.memory_space<vmem>>, vector<1x16xf32>,
    }
    %scan3A_5 = arith.constant 640 : i32
    %mul3A_6 = arith.constant 640 : i32
    %mul3A_7 = arith.muli %arg1, %mul3A_6 : i32
    "tpu.region"() ({
      %run_scoped3A = tpu.sem_alloc : memref<!tpu.dma_semaphore, #tpu.memory_space<semaphore_mem>>
      %dma_start3A_116 = arith.constant 0 : i32
      %dma_start3A_117 = tpu.memref_slice %arg16[%mul3A_7, %dma_start3A_116] : memref<10240x16xf32, #tpu.memory_space<vmem_shared>> -> memref<640x16xf32, #tpu.memory_space<vmem_shared>>
      %dma_start3A_118 = arith.constant 0 : i32
      %dma_start3A_119 = tpu.memref_slice %arg16[%mul3A_7, %dma_start3A_118] : memref<10240x16xf32, #tpu.memory_space<vmem_shared>> -> memref<640x16xf32, #tpu.memory_space<vmem_shared>>
      tpu.enqueue_dma source(%arg15 : memref<640x16xf32, #tpu.memory_space<vmem>>) target(%dma_start3A_119 : memref<640x16xf32, #tpu.memory_space<vmem_shared>>) target_semaphore(%run_scoped3A : memref<!tpu.dma_semaphore, #tpu.memory_space<semaphore_mem>>)
      %dma_wait3A_120 = arith.constant 0 : i32
      %dma_wait3A_121 = tpu.memref_slice %arg16[%mul3A_7, %dma_wait3A_120] : memref<10240x16xf32, #tpu.memory_space<vmem_shared>> -> memref<640x16xf32, #tpu.memory_space<vmem_shared>>
      %dma_wait3A_122 = arith.constant 0 : i32
      %dma_wait3A_123 = tpu.memref_slice %arg16[%mul3A_7, %dma_wait3A_122] : memref<10240x16xf32, #tpu.memory_space<vmem_shared>> -> memref<640x16xf32, #tpu.memory_space<vmem_shared>>
      tpu.wait_dma2 semaphore(%run_scoped3A : memref<!tpu.dma_semaphore, #tpu.memory_space<semaphore_mem>>) src(%arg15 : memref<640x16xf32, #tpu.memory_space<vmem>>) dst(%dma_wait3A_123 : memref<640x16xf32, #tpu.memory_space<vmem_shared>>)
      tpu.yield
    }) : () -> ()
    %mul3A_8 = arith.constant 40 : i32
    %mul3A_9 = arith.muli %add3A, %mul3A_8 : i32
    %add3A_10 = arith.constant 0 : i32
    %add3A_11 = arith.addi %add3A_10, %mul3A_9 : i32
    "tpu.region"() ({
      %run_scoped3A = tpu.sem_alloc : memref<!tpu.dma_semaphore, #tpu.memory_space<semaphore_mem>>
      %dma_start3A_116 = arith.constant 0 : i32
      %dma_start3A_117 = tpu.memref_slice %arg5[%add3A_11, %dma_start3A_116] : memref<2560x125xi32, #tpu.memory_space<hbm>> -> memref<40x125xi32, #tpu.memory_space<hbm>>
      %dma_start3A_118 = arith.constant 0 : i32
      %dma_start3A_119 = tpu.memref_slice %arg5[%add3A_11, %dma_start3A_118] : memref<2560x125xi32, #tpu.memory_space<hbm>> -> memref<40x125xi32, #tpu.memory_space<hbm>>
      tpu.enqueue_dma source(%dma_start3A_119 : memref<40x125xi32, #tpu.memory_space<hbm>>) target(%arg9 : memref<40x125xi32, #tpu.memory_space<vmem>>) target_semaphore(%run_scoped3A : memref<!tpu.dma_semaphore, #tpu.memory_space<semaphore_mem>>)
      %dma_wait3A_120 = arith.constant 0 : i32
      %dma_wait3A_121 = tpu.memref_slice %arg5[%add3A_11, %dma_wait3A_120] : memref<2560x125xi32, #tpu.memory_space<hbm>> -> memref<40x125xi32, #tpu.memory_space<hbm>>
      %dma_wait3A_122 = arith.constant 0 : i32
      %dma_wait3A_123 = tpu.memref_slice %arg5[%add3A_11, %dma_wait3A_122] : memref<2560x125xi32, #tpu.memory_space<hbm>> -> memref<40x125xi32, #tpu.memory_space<hbm>>
      tpu.wait_dma2 semaphore(%run_scoped3A : memref<!tpu.dma_semaphore, #tpu.memory_space<semaphore_mem>>) src(%dma_wait3A_123 : memref<40x125xi32, #tpu.memory_space<hbm>>) dst(%arg9 : memref<40x125xi32, #tpu.memory_space<vmem>>)
      tpu.yield
    }) : () -> ()
    "tpu.region"() ({
      %run_scoped3A = tpu.sem_alloc : memref<!tpu.dma_semaphore, #tpu.memory_space<semaphore_mem>>
      %dma_start3A_116 = arith.constant 0 : i32
      %dma_start3A_117 = tpu.memref_slice %arg6[%add3A_11, %dma_start3A_116] : memref<2560x125xi32, #tpu.memory_space<hbm>> -> memref<40x125xi32, #tpu.memory_space<hbm>>
      %dma_start3A_118 = arith.constant 0 : i32
      %dma_start3A_119 = tpu.memref_slice %arg6[%add3A_11, %dma_start3A_118] : memref<2560x125xi32, #tpu.memory_space<hbm>> -> memref<40x125xi32, #tpu.memory_space<hbm>>
      tpu.enqueue_dma source(%dma_start3A_119 : memref<40x125xi32, #tpu.memory_space<hbm>>) target(%arg10 : memref<40x125xi32, #tpu.memory_space<vmem>>) target_semaphore(%run_scoped3A : memref<!tpu.dma_semaphore, #tpu.memory_space<semaphore_mem>>)
      %dma_wait3A_120 = arith.constant 0 : i32
      %dma_wait3A_121 = tpu.memref_slice %arg6[%add3A_11, %dma_wait3A_120] : memref<2560x125xi32, #tpu.memory_space<hbm>> -> memref<40x125xi32, #tpu.memory_space<hbm>>
      %dma_wait3A_122 = arith.constant 0 : i32
      %dma_wait3A_123 = tpu.memref_slice %arg6[%add3A_11, %dma_wait3A_122] : memref<2560x125xi32, #tpu.memory_space<hbm>> -> memref<40x125xi32, #tpu.memory_space<hbm>>
      tpu.wait_dma2 semaphore(%run_scoped3A : memref<!tpu.dma_semaphore, #tpu.memory_space<semaphore_mem>>) src(%dma_wait3A_123 : memref<40x125xi32, #tpu.memory_space<hbm>>) dst(%arg10 : memref<40x125xi32, #tpu.memory_space<vmem>>)
      tpu.yield
    }) : () -> ()
    %barrier3A = arith.constant 0 : index
    tpu.barrier barrier_id(%barrier3A)
    %mul3A_12 = arith.constant 5000 : i32
    %mul3A_13 = arith.muli %add3A, %mul3A_12 : i32
    %add3A_14 = arith.constant 0 : i32
    %add3A_15 = arith.addi %add3A_14, %mul3A_13 : i32
    %add3A_16 = arith.constant 0 : i32
    %add3A_17 = arith.addi %add3A_15, %add3A_16 : i32
    %dma_start3A = arith.constant 0 : i32
    %dma_start3A_18 = arith.constant 0 : i32
    %dma_start3A_19 = arith.constant 0 : i32
    %dma_start3A_20 = tpu.memref_slice %arg13[%dma_start3A, %dma_start3A_18, %dma_start3A_19] : memref<2x125x16xf32, #tpu.memory_space<vmem>> -> memref<1x125x16xf32, #tpu.memory_space<vmem>>
    %dma_start3A_21 = tpu.memref_squeeze %dma_start3A_20 : memref<1x125x16xf32, #tpu.memory_space<vmem>> -> memref<125x16xf32, #tpu.memory_space<vmem>>
    %dma_start3A_22 = arith.constant 0 : i32
    %dma_start3A_23 = tpu.memref_slice %arg4[%add3A_17, %dma_start3A_22] : memref<320000x16xf32, #tpu.memory_space<hbm>> -> memref<125x16xf32, #tpu.memory_space<hbm>>
    %dma_start3A_24 = arith.constant 0 : i32
    %dma_start3A_25 = arith.constant 0 : i32
    %dma_start3A_26 = tpu.memref_slice %arg13[%dma_start3A, %dma_start3A_24, %dma_start3A_25] : memref<2x125x16xf32, #tpu.memory_space<vmem>> -> memref<1x125x16xf32, #tpu.memory_space<vmem>>
    %dma_start3A_27 = tpu.memref_squeeze %dma_start3A_26 : memref<1x125x16xf32, #tpu.memory_space<vmem>> -> memref<125x16xf32, #tpu.memory_space<vmem>>
    %dma_start3A_28 = arith.constant 0 : i32
    %dma_start3A_29 = tpu.memref_slice %arg4[%add3A_17, %dma_start3A_28] : memref<320000x16xf32, #tpu.memory_space<hbm>> -> memref<125x16xf32, #tpu.memory_space<hbm>>
    tpu.enqueue_dma source(%dma_start3A_29 : memref<125x16xf32, #tpu.memory_space<hbm>>) target(%dma_start3A_27 : memref<125x16xf32, #tpu.memory_space<vmem>>) target_semaphore(%arg19 : memref<!tpu.dma_semaphore, #tpu.memory_space<semaphore_mem>>)
    %dma_start3A_30 = arith.constant 0 : i32
    %dma_start3A_31 = arith.constant 0 : i32
    %dma_start3A_32 = arith.constant 0 : i32
    %dma_start3A_33 = arith.constant 0 : i32
    %dma_start3A_34 = tpu.memref_slice %arg11[%dma_start3A_31, %dma_start3A_32, %dma_start3A_33] : memref<2x125x16xf32, #tpu.memory_space<vmem>> -> memref<1x125x16xf32, #tpu.memory_space<vmem>>
    %dma_start3A_35 = tpu.memref_squeeze %dma_start3A_34 : memref<1x125x16xf32, #tpu.memory_space<vmem>> -> memref<125x16xf32, #tpu.memory_space<vmem>>
    %dma_start3A_36 = arith.constant 0 : i32
    %dma_start3A_37 = tpu.memref_slice %arg9[%dma_start3A_30, %dma_start3A_36] : memref<40x125xi32, #tpu.memory_space<vmem>> -> memref<1x125xi32, #tpu.memory_space<vmem>>
    %dma_start3A_38 = tpu.memref_squeeze %dma_start3A_37 : memref<1x125xi32, #tpu.memory_space<vmem>> -> memref<125xi32, #tpu.memory_space<vmem>>
    %dma_start3A_39 = arith.constant 0 : i32
    %dma_start3A_40 = arith.constant 0 : i32
    %dma_start3A_41 = tpu.memref_slice %arg2[%dma_start3A_39, %dma_start3A_40] : memref<10000x16xf32, #tpu.memory_space<hbm>> -> memref<10000x16xf32, #tpu.memory_space<hbm>>
    tpu.enqueue_indirect_dma source(%dma_start3A_41 : memref<10000x16xf32, #tpu.memory_space<hbm>>) target(%dma_start3A_35 : memref<125x16xf32, #tpu.memory_space<vmem>>) offsets(%dma_start3A_38 : memref<125xi32, #tpu.memory_space<vmem>>) semaphore(%arg17 : memref<!tpu.dma_semaphore, #tpu.memory_space<semaphore_mem>>)
    %dma_start3A_42 = arith.constant 0 : i32
    %dma_start3A_43 = arith.constant 0 : i32
    %dma_start3A_44 = arith.constant 0 : i32
    %dma_start3A_45 = arith.constant 0 : i32
    %dma_start3A_46 = tpu.memref_slice %arg12[%dma_start3A_43, %dma_start3A_44, %dma_start3A_45] : memref<2x125x16xf32, #tpu.memory_space<vmem>> -> memref<1x125x16xf32, #tpu.memory_space<vmem>>
    %dma_start3A_47 = tpu.memref_squeeze %dma_start3A_46 : memref<1x125x16xf32, #tpu.memory_space<vmem>> -> memref<125x16xf32, #tpu.memory_space<vmem>>
    %dma_start3A_48 = arith.constant 0 : i32
    %dma_start3A_49 = tpu.memref_slice %arg10[%dma_start3A_42, %dma_start3A_48] : memref<40x125xi32, #tpu.memory_space<vmem>> -> memref<1x125xi32, #tpu.memory_space<vmem>>
    %dma_start3A_50 = tpu.memref_squeeze %dma_start3A_49 : memref<1x125xi32, #tpu.memory_space<vmem>> -> memref<125xi32, #tpu.memory_space<vmem>>
    %dma_start3A_51 = arith.constant 0 : i32
    %dma_start3A_52 = arith.constant 0 : i32
    %dma_start3A_53 = tpu.memref_slice %arg3[%dma_start3A_51, %dma_start3A_52] : memref<10000x16xf32, #tpu.memory_space<hbm>> -> memref<10000x16xf32, #tpu.memory_space<hbm>>
    tpu.enqueue_indirect_dma source(%dma_start3A_53 : memref<10000x16xf32, #tpu.memory_space<hbm>>) target(%dma_start3A_47 : memref<125x16xf32, #tpu.memory_space<vmem>>) offsets(%dma_start3A_50 : memref<125xi32, #tpu.memory_space<vmem>>) semaphore(%arg21 : memref<!tpu.dma_semaphore, #tpu.memory_space<semaphore_mem>>)
    %scan3A_54 = arith.constant 0 : i32
    %scan3A_55 = arith.constant 0 : i32
    %scan3A_56 = arith.constant 20 : i32
    %scan3A_57 = arith.addi %scan3A_55, %scan3A_56 : i32
    %scan3A_58 = arith.constant 1 : i32
    scf.for %scan3A_116 = %scan3A_55 to %scan3A_57 step %scan3A_58  : i32 {
      %mul3A_117 = arith.constant 2 : i32
      %mul3A_118 = arith.muli %mul3A_117, %scan3A_116 : i32
      %add3A_119 = arith.constant 0 : i32
      %add3A_120 = arith.addi %mul3A_118, %add3A_119 : i32
      %add3A_121 = arith.constant 1 : i32
      %add3A_122 = arith.addi %add3A_120, %add3A_121 : i32
      %lt3A = arith.constant 40 : i32
      %lt3A_123 = arith.cmpi slt, %add3A_122, %lt3A : i32
      %convert_element_type3A = arith.extui %lt3A_123 : i1 to i32
      %cond3A = arith.constant 0 : i32
      %cond3A_124 = arith.cmpi ne, %convert_element_type3A, %cond3A : i32
      scf.if %cond3A_124 {
        %add3A_287 = arith.constant 1 : i32
        %add3A_288 = arith.addi %add3A_120, %add3A_287 : i32
        %mul3A_289 = arith.constant 125 : i32
        %mul3A_290 = arith.muli %add3A_288, %mul3A_289 : i32
        %add3A_291 = arith.addi %add3A_15, %mul3A_290 : i32
        %dma_start3A_292 = arith.constant 1 : i32
        %dma_start3A_293 = arith.constant 0 : i32
        %dma_start3A_294 = arith.constant 0 : i32
        %dma_start3A_295 = tpu.memref_slice %arg13[%dma_start3A_292, %dma_start3A_293, %dma_start3A_294] : memref<2x125x16xf32, #tpu.memory_space<vmem>> -> memref<1x125x16xf32, #tpu.memory_space<vmem>>
        %dma_start3A_296 = tpu.memref_squeeze %dma_start3A_295 : memref<1x125x16xf32, #tpu.memory_space<vmem>> -> memref<125x16xf32, #tpu.memory_space<vmem>>
        %dma_start3A_297 = arith.constant 0 : i32
        %dma_start3A_298 = tpu.memref_slice %arg4[%add3A_291, %dma_start3A_297] : memref<320000x16xf32, #tpu.memory_space<hbm>> -> memref<125x16xf32, #tpu.memory_space<hbm>>
        %dma_start3A_299 = arith.constant 0 : i32
        %dma_start3A_300 = arith.constant 0 : i32
        %dma_start3A_301 = tpu.memref_slice %arg13[%dma_start3A_292, %dma_start3A_299, %dma_start3A_300] : memref<2x125x16xf32, #tpu.memory_space<vmem>> -> memref<1x125x16xf32, #tpu.memory_space<vmem>>
        %dma_start3A_302 = tpu.memref_squeeze %dma_start3A_301 : memref<1x125x16xf32, #tpu.memory_space<vmem>> -> memref<125x16xf32, #tpu.memory_space<vmem>>
        %dma_start3A_303 = arith.constant 0 : i32
        %dma_start3A_304 = tpu.memref_slice %arg4[%add3A_291, %dma_start3A_303] : memref<320000x16xf32, #tpu.memory_space<hbm>> -> memref<125x16xf32, #tpu.memory_space<hbm>>
        tpu.enqueue_dma source(%dma_start3A_304 : memref<125x16xf32, #tpu.memory_space<hbm>>) target(%dma_start3A_302 : memref<125x16xf32, #tpu.memory_space<vmem>>) target_semaphore(%arg20 : memref<!tpu.dma_semaphore, #tpu.memory_space<semaphore_mem>>)
        %dma_start3A_305 = arith.constant 1 : i32
        %dma_start3A_306 = arith.constant 0 : i32
        %dma_start3A_307 = arith.constant 0 : i32
        %dma_start3A_308 = tpu.memref_slice %arg11[%dma_start3A_305, %dma_start3A_306, %dma_start3A_307] : memref<2x125x16xf32, #tpu.memory_space<vmem>> -> memref<1x125x16xf32, #tpu.memory_space<vmem>>
        %dma_start3A_309 = tpu.memref_squeeze %dma_start3A_308 : memref<1x125x16xf32, #tpu.memory_space<vmem>> -> memref<125x16xf32, #tpu.memory_space<vmem>>
        %dma_start3A_310 = arith.constant 0 : i32
        %dma_start3A_311 = tpu.memref_slice %arg9[%add3A_288, %dma_start3A_310] : memref<40x125xi32, #tpu.memory_space<vmem>> -> memref<1x125xi32, #tpu.memory_space<vmem>>
        %dma_start3A_312 = tpu.memref_squeeze %dma_start3A_311 : memref<1x125xi32, #tpu.memory_space<vmem>> -> memref<125xi32, #tpu.memory_space<vmem>>
        %dma_start3A_313 = arith.constant 0 : i32
        %dma_start3A_314 = arith.constant 0 : i32
        %dma_start3A_315 = tpu.memref_slice %arg2[%dma_start3A_313, %dma_start3A_314] : memref<10000x16xf32, #tpu.memory_space<hbm>> -> memref<10000x16xf32, #tpu.memory_space<hbm>>
        tpu.enqueue_indirect_dma source(%dma_start3A_315 : memref<10000x16xf32, #tpu.memory_space<hbm>>) target(%dma_start3A_309 : memref<125x16xf32, #tpu.memory_space<vmem>>) offsets(%dma_start3A_312 : memref<125xi32, #tpu.memory_space<vmem>>) semaphore(%arg18 : memref<!tpu.dma_semaphore, #tpu.memory_space<semaphore_mem>>)
        %dma_start3A_316 = arith.constant 1 : i32
        %dma_start3A_317 = arith.constant 0 : i32
        %dma_start3A_318 = arith.constant 0 : i32
        %dma_start3A_319 = tpu.memref_slice %arg12[%dma_start3A_316, %dma_start3A_317, %dma_start3A_318] : memref<2x125x16xf32, #tpu.memory_space<vmem>> -> memref<1x125x16xf32, #tpu.memory_space<vmem>>
        %dma_start3A_320 = tpu.memref_squeeze %dma_start3A_319 : memref<1x125x16xf32, #tpu.memory_space<vmem>> -> memref<125x16xf32, #tpu.memory_space<vmem>>
        %dma_start3A_321 = arith.constant 0 : i32
        %dma_start3A_322 = tpu.memref_slice %arg10[%add3A_288, %dma_start3A_321] : memref<40x125xi32, #tpu.memory_space<vmem>> -> memref<1x125xi32, #tpu.memory_space<vmem>>
        %dma_start3A_323 = tpu.memref_squeeze %dma_start3A_322 : memref<1x125xi32, #tpu.memory_space<vmem>> -> memref<125xi32, #tpu.memory_space<vmem>>
        %dma_start3A_324 = arith.constant 0 : i32
        %dma_start3A_325 = arith.constant 0 : i32
        %dma_start3A_326 = tpu.memref_slice %arg3[%dma_start3A_324, %dma_start3A_325] : memref<10000x16xf32, #tpu.memory_space<hbm>> -> memref<10000x16xf32, #tpu.memory_space<hbm>>
        tpu.enqueue_indirect_dma source(%dma_start3A_326 : memref<10000x16xf32, #tpu.memory_space<hbm>>) target(%dma_start3A_320 : memref<125x16xf32, #tpu.memory_space<vmem>>) offsets(%dma_start3A_323 : memref<125xi32, #tpu.memory_space<vmem>>) semaphore(%arg22 : memref<!tpu.dma_semaphore, #tpu.memory_space<semaphore_mem>>)
      } else {
      }
      %mul3A_125 = arith.constant 125 : i32
      %mul3A_126 = arith.muli %add3A_120, %mul3A_125 : i32
      %add3A_127 = arith.addi %add3A_15, %mul3A_126 : i32
      %dma_wait3A_128 = arith.constant 0 : i32
      %dma_wait3A_129 = arith.constant 0 : i32
      %dma_wait3A_130 = arith.constant 0 : i32
      %dma_wait3A_131 = tpu.memref_slice %arg13[%dma_wait3A_128, %dma_wait3A_129, %dma_wait3A_130] : memref<2x125x16xf32, #tpu.memory_space<vmem>> -> memref<1x125x16xf32, #tpu.memory_space<vmem>>
      %dma_wait3A_132 = tpu.memref_squeeze %dma_wait3A_131 : memref<1x125x16xf32, #tpu.memory_space<vmem>> -> memref<125x16xf32, #tpu.memory_space<vmem>>
      %dma_wait3A_133 = arith.constant 0 : i32
      %dma_wait3A_134 = tpu.memref_slice %arg4[%add3A_127, %dma_wait3A_133] : memref<320000x16xf32, #tpu.memory_space<hbm>> -> memref<125x16xf32, #tpu.memory_space<hbm>>
      %dma_wait3A_135 = arith.constant 0 : i32
      %dma_wait3A_136 = arith.constant 0 : i32
      %dma_wait3A_137 = tpu.memref_slice %arg13[%dma_wait3A_128, %dma_wait3A_135, %dma_wait3A_136] : memref<2x125x16xf32, #tpu.memory_space<vmem>> -> memref<1x125x16xf32, #tpu.memory_space<vmem>>
      %dma_wait3A_138 = tpu.memref_squeeze %dma_wait3A_137 : memref<1x125x16xf32, #tpu.memory_space<vmem>> -> memref<125x16xf32, #tpu.memory_space<vmem>>
      %dma_wait3A_139 = arith.constant 0 : i32
      %dma_wait3A_140 = tpu.memref_slice %arg4[%add3A_127, %dma_wait3A_139] : memref<320000x16xf32, #tpu.memory_space<hbm>> -> memref<125x16xf32, #tpu.memory_space<hbm>>
      tpu.wait_dma2 semaphore(%arg19 : memref<!tpu.dma_semaphore, #tpu.memory_space<semaphore_mem>>) src(%dma_wait3A_140 : memref<125x16xf32, #tpu.memory_space<hbm>>) dst(%dma_wait3A_138 : memref<125x16xf32, #tpu.memory_space<vmem>>)
      %dma_wait3A_141 = arith.constant 0 : i32
      %dma_wait3A_142 = arith.constant 0 : i32
      %dma_wait3A_143 = arith.constant 0 : i32
      %dma_wait3A_144 = tpu.memref_slice %arg11[%dma_wait3A_141, %dma_wait3A_142, %dma_wait3A_143] : memref<2x125x16xf32, #tpu.memory_space<vmem>> -> memref<1x125x16xf32, #tpu.memory_space<vmem>>
      %dma_wait3A_145 = tpu.memref_squeeze %dma_wait3A_144 : memref<1x125x16xf32, #tpu.memory_space<vmem>> -> memref<125x16xf32, #tpu.memory_space<vmem>>
      %dma_wait3A_146 = arith.constant 0 : i32
      %dma_wait3A_147 = tpu.memref_slice %arg9[%add3A_120, %dma_wait3A_146] : memref<40x125xi32, #tpu.memory_space<vmem>> -> memref<1x125xi32, #tpu.memory_space<vmem>>
      %dma_wait3A_148 = tpu.memref_squeeze %dma_wait3A_147 : memref<1x125xi32, #tpu.memory_space<vmem>> -> memref<125xi32, #tpu.memory_space<vmem>>
      %dma_wait3A_149 = arith.constant 0 : i32
      %dma_wait3A_150 = arith.constant 0 : i32
      %dma_wait3A_151 = tpu.memref_slice %arg2[%dma_wait3A_149, %dma_wait3A_150] : memref<10000x16xf32, #tpu.memory_space<hbm>> -> memref<10000x16xf32, #tpu.memory_space<hbm>>
      tpu.wait_indirect_dma semaphore(%arg17 : memref<!tpu.dma_semaphore, #tpu.memory_space<semaphore_mem>>) src(%dma_wait3A_151 : memref<10000x16xf32, #tpu.memory_space<hbm>>) dst(%dma_wait3A_145 : memref<125x16xf32, #tpu.memory_space<vmem>>)
      %dma_wait3A_152 = arith.constant 0 : i32
      %dma_wait3A_153 = arith.constant 0 : i32
      %dma_wait3A_154 = arith.constant 0 : i32
      %dma_wait3A_155 = tpu.memref_slice %arg12[%dma_wait3A_152, %dma_wait3A_153, %dma_wait3A_154] : memref<2x125x16xf32, #tpu.memory_space<vmem>> -> memref<1x125x16xf32, #tpu.memory_space<vmem>>
      %dma_wait3A_156 = tpu.memref_squeeze %dma_wait3A_155 : memref<1x125x16xf32, #tpu.memory_space<vmem>> -> memref<125x16xf32, #tpu.memory_space<vmem>>
      %dma_wait3A_157 = arith.constant 0 : i32
      %dma_wait3A_158 = tpu.memref_slice %arg10[%add3A_120, %dma_wait3A_157] : memref<40x125xi32, #tpu.memory_space<vmem>> -> memref<1x125xi32, #tpu.memory_space<vmem>>
      %dma_wait3A_159 = tpu.memref_squeeze %dma_wait3A_158 : memref<1x125xi32, #tpu.memory_space<vmem>> -> memref<125xi32, #tpu.memory_space<vmem>>
      %dma_wait3A_160 = arith.constant 0 : i32
      %dma_wait3A_161 = arith.constant 0 : i32
      %dma_wait3A_162 = tpu.memref_slice %arg3[%dma_wait3A_160, %dma_wait3A_161] : memref<10000x16xf32, #tpu.memory_space<hbm>> -> memref<10000x16xf32, #tpu.memory_space<hbm>>
      tpu.wait_indirect_dma semaphore(%arg21 : memref<!tpu.dma_semaphore, #tpu.memory_space<semaphore_mem>>) src(%dma_wait3A_162 : memref<10000x16xf32, #tpu.memory_space<hbm>>) dst(%dma_wait3A_156 : memref<125x16xf32, #tpu.memory_space<vmem>>)
      %ge3A = arith.constant 2 : i32
      %ge3A_163 = arith.cmpi sge, %add3A_120, %ge3A : i32
      %convert_element_type3A_164 = arith.extui %ge3A_163 : i1 to i32
      %cond3A_165 = arith.constant 0 : i32
      %cond3A_166 = arith.cmpi ne, %convert_element_type3A_164, %cond3A_165 : i32
      scf.if %cond3A_166 {
        %sub3A = arith.constant 2 : i32
        %sub3A_287 = arith.subi %add3A_120, %sub3A : i32
        %mul3A_288 = arith.constant 125 : i32
        %mul3A_289 = arith.muli %sub3A_287, %mul3A_288 : i32
        %add3A_290 = arith.addi %mul3A_13, %mul3A_289 : i32
        %dma_wait3A_291 = arith.constant 0 : i32
        %dma_wait3A_292 = arith.constant 0 : i32
        %dma_wait3A_293 = arith.constant 0 : i32
        %dma_wait3A_294 = tpu.memref_slice %arg14[%dma_wait3A_291, %dma_wait3A_292, %dma_wait3A_293] : memref<2x125x16xf32, #tpu.memory_space<vmem>> -> memref<1x125x16xf32, #tpu.memory_space<vmem>>
        %dma_wait3A_295 = tpu.memref_squeeze %dma_wait3A_294 : memref<1x125x16xf32, #tpu.memory_space<vmem>> -> memref<125x16xf32, #tpu.memory_space<vmem>>
        %dma_wait3A_296 = arith.constant 0 : i32
        %dma_wait3A_297 = tpu.memref_slice %arg7[%add3A_290, %dma_wait3A_296] : memref<160000x16xf32, #tpu.memory_space<hbm>> -> memref<125x16xf32, #tpu.memory_space<hbm>>
        %dma_wait3A_298 = arith.constant 0 : i32
        %dma_wait3A_299 = tpu.memref_slice %arg7[%add3A_290, %dma_wait3A_298] : memref<160000x16xf32, #tpu.memory_space<hbm>> -> memref<125x16xf32, #tpu.memory_space<hbm>>
        %dma_wait3A_300 = arith.constant 0 : i32
        %dma_wait3A_301 = arith.constant 0 : i32
        %dma_wait3A_302 = tpu.memref_slice %arg14[%dma_wait3A_291, %dma_wait3A_300, %dma_wait3A_301] : memref<2x125x16xf32, #tpu.memory_space<vmem>> -> memref<1x125x16xf32, #tpu.memory_space<vmem>>
        %dma_wait3A_303 = tpu.memref_squeeze %dma_wait3A_302 : memref<1x125x16xf32, #tpu.memory_space<vmem>> -> memref<125x16xf32, #tpu.memory_space<vmem>>
        tpu.wait_dma2 semaphore(%arg23 : memref<!tpu.dma_semaphore, #tpu.memory_space<semaphore_mem>>) src(%dma_wait3A_303 : memref<125x16xf32, #tpu.memory_space<vmem>>) dst(%dma_wait3A_299 : memref<125x16xf32, #tpu.memory_space<hbm>>)
        %dma_wait3A_304 = arith.constant 0 : i32
        %dma_wait3A_305 = arith.constant 0 : i32
        %dma_wait3A_306 = arith.constant 0 : i32
        %dma_wait3A_307 = tpu.memref_slice %arg14[%dma_wait3A_304, %dma_wait3A_305, %dma_wait3A_306] : memref<2x125x16xf32, #tpu.memory_space<vmem>> -> memref<1x125x16xf32, #tpu.memory_space<vmem>>
        %dma_wait3A_308 = tpu.memref_squeeze %dma_wait3A_307 : memref<1x125x16xf32, #tpu.memory_space<vmem>> -> memref<125x16xf32, #tpu.memory_space<vmem>>
        %dma_wait3A_309 = arith.constant 0 : i32
        %dma_wait3A_310 = tpu.memref_slice %arg10[%sub3A_287, %dma_wait3A_309] : memref<40x125xi32, #tpu.memory_space<vmem>> -> memref<1x125xi32, #tpu.memory_space<vmem>>
        %dma_wait3A_311 = tpu.memref_squeeze %dma_wait3A_310 : memref<1x125xi32, #tpu.memory_space<vmem>> -> memref<125xi32, #tpu.memory_space<vmem>>
        %dma_wait3A_312 = arith.constant 0 : i32
        %dma_wait3A_313 = arith.constant 0 : i32
        %dma_wait3A_314 = tpu.memref_slice %arg16[%dma_wait3A_312, %dma_wait3A_313] : memref<10240x16xf32, #tpu.memory_space<vmem_shared>> -> memref<10240x16xf32, #tpu.memory_space<vmem_shared>>
        tpu.wait_indirect_dma semaphore(%arg25 : memref<!tpu.dma_semaphore, #tpu.memory_space<semaphore_mem>>) src(%dma_wait3A_308 : memref<125x16xf32, #tpu.memory_space<vmem>>) dst(%dma_wait3A_314 : memref<10240x16xf32, #tpu.memory_space<vmem_shared>>)
      } else {
      }
      %scan3A_167 = arith.constant 0 : i32
      %scan3A_168 = arith.constant 0 : i32
      %scan3A_169 = arith.constant 125 : i32
      %scan3A_170 = arith.addi %scan3A_168, %scan3A_169 : i32
      %scan3A_171 = arith.constant 5 : i32
      scf.for %scan3A_287 = %scan3A_168 to %scan3A_170 step %scan3A_171  : i32 {
        %get3A = arith.constant 0 : i32
        %get3A_288 = arith.index_cast %get3A : i32 to index
        %get3A_289 = arith.index_cast %scan3A_287 : i32 to index
        %get3A_290 = arith.constant 0 : index
        %get3A_291 = tpu.vector_load %arg13[%get3A_288, %get3A_289, %get3A_290] {strides = array<i32>} : memref<2x125x16xf32, #tpu.memory_space<vmem>>, vector<1x1x16xf32>,
        %get3A_292 = vector.shape_cast %get3A_291 : vector<1x1x16xf32> to vector<16xf32>
        %get3A_293 = arith.constant 0 : i32
        %get3A_294 = arith.index_cast %get3A_293 : i32 to index
        %get3A_295 = arith.index_cast %scan3A_287 : i32 to index
        %get3A_296 = arith.constant 0 : index
        %get3A_297 = tpu.vector_load %arg11[%get3A_294, %get3A_295, %get3A_296] {strides = array<i32>} : memref<2x125x16xf32, #tpu.memory_space<vmem>>, vector<1x1x16xf32>,
        %get3A_298 = vector.shape_cast %get3A_297 : vector<1x1x16xf32> to vector<16xf32>
        %add3A_299 = arith.addf %get3A_292, %get3A_298 : vector<16xf32>
        %get3A_300 = arith.constant 0 : i32
        %get3A_301 = arith.index_cast %get3A_300 : i32 to index
        %get3A_302 = arith.index_cast %scan3A_287 : i32 to index
        %get3A_303 = arith.constant 0 : index
        %get3A_304 = tpu.vector_load %arg12[%get3A_301, %get3A_302, %get3A_303] {strides = array<i32>} : memref<2x125x16xf32, #tpu.memory_space<vmem>>, vector<1x1x16xf32>,
        %get3A_305 = vector.shape_cast %get3A_304 : vector<1x1x16xf32> to vector<16xf32>
        %add3A_306 = arith.addf %add3A_299, %get3A_305 : vector<16xf32>
        %max3A = arith.constant 0.000000e+00 : f32
        %max3A_307 = vector.broadcast %max3A : f32 to vector<16xf32>
        %max3A_308 = arith.maximumf %add3A_306, %max3A_307 : vector<16xf32>
        %swap3A = arith.constant 0 : i32
        %swap3A_309 = arith.index_cast %swap3A : i32 to index
        %swap3A_310 = arith.index_cast %scan3A_287 : i32 to index
        %swap3A_311 = arith.constant 0 : index
        %swap3A_312 = tpu.vector_load %arg14[%swap3A_309, %swap3A_310, %swap3A_311] {strides = array<i32>} : memref<2x125x16xf32, #tpu.memory_space<vmem>>, vector<1x1x16xf32>,
        %swap3A_313 = vector.shape_cast %swap3A_312 : vector<1x1x16xf32> to vector<16xf32>
        %swap3A_314 = vector.shape_cast %max3A_308 : vector<16xf32> to vector<1x1x16xf32>
        tpu.vector_store %arg14[%swap3A_309, %swap3A_310, %swap3A_311], %swap3A_314 {strides = array<i32>} : memref<2x125x16xf32, #tpu.memory_space<vmem>>, vector<1x1x16xf32>,
        %scan3A_315 = arith.constant 1 : i32
        %scan3A_316 = arith.addi %scan3A_287, %scan3A_315 : i32
        %get3A_317 = arith.constant 0 : i32
        %get3A_318 = arith.index_cast %get3A_317 : i32 to index
        %get3A_319 = arith.index_cast %scan3A_316 : i32 to index
        %get3A_320 = arith.constant 0 : index
        %get3A_321 = tpu.vector_load %arg13[%get3A_318, %get3A_319, %get3A_320] {strides = array<i32>} : memref<2x125x16xf32, #tpu.memory_space<vmem>>, vector<1x1x16xf32>,
        %get3A_322 = vector.shape_cast %get3A_321 : vector<1x1x16xf32> to vector<16xf32>
        %get3A_323 = arith.constant 0 : i32
        %get3A_324 = arith.index_cast %get3A_323 : i32 to index
        %get3A_325 = arith.index_cast %scan3A_316 : i32 to index
        %get3A_326 = arith.constant 0 : index
        %get3A_327 = tpu.vector_load %arg11[%get3A_324, %get3A_325, %get3A_326] {strides = array<i32>} : memref<2x125x16xf32, #tpu.memory_space<vmem>>, vector<1x1x16xf32>,
        %get3A_328 = vector.shape_cast %get3A_327 : vector<1x1x16xf32> to vector<16xf32>
        %add3A_329 = arith.addf %get3A_322, %get3A_328 : vector<16xf32>
        %get3A_330 = arith.constant 0 : i32
        %get3A_331 = arith.index_cast %get3A_330 : i32 to index
        %get3A_332 = arith.index_cast %scan3A_316 : i32 to index
        %get3A_333 = arith.constant 0 : index
        %get3A_334 = tpu.vector_load %arg12[%get3A_331, %get3A_332, %get3A_333] {strides = array<i32>} : memref<2x125x16xf32, #tpu.memory_space<vmem>>, vector<1x1x16xf32>,
        %get3A_335 = vector.shape_cast %get3A_334 : vector<1x1x16xf32> to vector<16xf32>
        %add3A_336 = arith.addf %add3A_329, %get3A_335 : vector<16xf32>
        %max3A_337 = arith.constant 0.000000e+00 : f32
        %max3A_338 = vector.broadcast %max3A_337 : f32 to vector<16xf32>
        %max3A_339 = arith.maximumf %add3A_336, %max3A_338 : vector<16xf32>
        %swap3A_340 = arith.constant 0 : i32
        %swap3A_341 = arith.index_cast %swap3A_340 : i32 to index
        %swap3A_342 = arith.index_cast %scan3A_316 : i32 to index
        %swap3A_343 = arith.constant 0 : index
        %swap3A_344 = tpu.vector_load %arg14[%swap3A_341, %swap3A_342, %swap3A_343] {strides = array<i32>} : memref<2x125x16xf32, #tpu.memory_space<vmem>>, vector<1x1x16xf32>,
        %swap3A_345 = vector.shape_cast %swap3A_344 : vector<1x1x16xf32> to vector<16xf32>
        %swap3A_346 = vector.shape_cast %max3A_339 : vector<16xf32> to vector<1x1x16xf32>
        tpu.vector_store %arg14[%swap3A_341, %swap3A_342, %swap3A_343], %swap3A_346 {strides = array<i32>} : memref<2x125x16xf32, #tpu.memory_space<vmem>>, vector<1x1x16xf32>,
        %scan3A_347 = arith.constant 2 : i32
        %scan3A_348 = arith.addi %scan3A_287, %scan3A_347 : i32
        %get3A_349 = arith.constant 0 : i32
        %get3A_350 = arith.index_cast %get3A_349 : i32 to index
        %get3A_351 = arith.index_cast %scan3A_348 : i32 to index
        %get3A_352 = arith.constant 0 : index
        %get3A_353 = tpu.vector_load %arg13[%get3A_350, %get3A_351, %get3A_352] {strides = array<i32>} : memref<2x125x16xf32, #tpu.memory_space<vmem>>, vector<1x1x16xf32>,
        %get3A_354 = vector.shape_cast %get3A_353 : vector<1x1x16xf32> to vector<16xf32>
        %get3A_355 = arith.constant 0 : i32
        %get3A_356 = arith.index_cast %get3A_355 : i32 to index
        %get3A_357 = arith.index_cast %scan3A_348 : i32 to index
        %get3A_358 = arith.constant 0 : index
        %get3A_359 = tpu.vector_load %arg11[%get3A_356, %get3A_357, %get3A_358] {strides = array<i32>} : memref<2x125x16xf32, #tpu.memory_space<vmem>>, vector<1x1x16xf32>,
        %get3A_360 = vector.shape_cast %get3A_359 : vector<1x1x16xf32> to vector<16xf32>
        %add3A_361 = arith.addf %get3A_354, %get3A_360 : vector<16xf32>
        %get3A_362 = arith.constant 0 : i32
        %get3A_363 = arith.index_cast %get3A_362 : i32 to index
        %get3A_364 = arith.index_cast %scan3A_348 : i32 to index
        %get3A_365 = arith.constant 0 : index
        %get3A_366 = tpu.vector_load %arg12[%get3A_363, %get3A_364, %get3A_365] {strides = array<i32>} : memref<2x125x16xf32, #tpu.memory_space<vmem>>, vector<1x1x16xf32>,
        %get3A_367 = vector.shape_cast %get3A_366 : vector<1x1x16xf32> to vector<16xf32>
        %add3A_368 = arith.addf %add3A_361, %get3A_367 : vector<16xf32>
        %max3A_369 = arith.constant 0.000000e+00 : f32
        %max3A_370 = vector.broadcast %max3A_369 : f32 to vector<16xf32>
        %max3A_371 = arith.maximumf %add3A_368, %max3A_370 : vector<16xf32>
        %swap3A_372 = arith.constant 0 : i32
        %swap3A_373 = arith.index_cast %swap3A_372 : i32 to index
        %swap3A_374 = arith.index_cast %scan3A_348 : i32 to index
        %swap3A_375 = arith.constant 0 : index
        %swap3A_376 = tpu.vector_load %arg14[%swap3A_373, %swap3A_374, %swap3A_375] {strides = array<i32>} : memref<2x125x16xf32, #tpu.memory_space<vmem>>, vector<1x1x16xf32>,
        %swap3A_377 = vector.shape_cast %swap3A_376 : vector<1x1x16xf32> to vector<16xf32>
        %swap3A_378 = vector.shape_cast %max3A_371 : vector<16xf32> to vector<1x1x16xf32>
        tpu.vector_store %arg14[%swap3A_373, %swap3A_374, %swap3A_375], %swap3A_378 {strides = array<i32>} : memref<2x125x16xf32, #tpu.memory_space<vmem>>, vector<1x1x16xf32>,
        %scan3A_379 = arith.constant 3 : i32
        %scan3A_380 = arith.addi %scan3A_287, %scan3A_379 : i32
        %get3A_381 = arith.constant 0 : i32
        %get3A_382 = arith.index_cast %get3A_381 : i32 to index
        %get3A_383 = arith.index_cast %scan3A_380 : i32 to index
        %get3A_384 = arith.constant 0 : index
        %get3A_385 = tpu.vector_load %arg13[%get3A_382, %get3A_383, %get3A_384] {strides = array<i32>} : memref<2x125x16xf32, #tpu.memory_space<vmem>>, vector<1x1x16xf32>,
        %get3A_386 = vector.shape_cast %get3A_385 : vector<1x1x16xf32> to vector<16xf32>
        %get3A_387 = arith.constant 0 : i32
        %get3A_388 = arith.index_cast %get3A_387 : i32 to index
        %get3A_389 = arith.index_cast %scan3A_380 : i32 to index
        %get3A_390 = arith.constant 0 : index
        %get3A_391 = tpu.vector_load %arg11[%get3A_388, %get3A_389, %get3A_390] {strides = array<i32>} : memref<2x125x16xf32, #tpu.memory_space<vmem>>, vector<1x1x16xf32>,
        %get3A_392 = vector.shape_cast %get3A_391 : vector<1x1x16xf32> to vector<16xf32>
        %add3A_393 = arith.addf %get3A_386, %get3A_392 : vector<16xf32>
        %get3A_394 = arith.constant 0 : i32
        %get3A_395 = arith.index_cast %get3A_394 : i32 to index
        %get3A_396 = arith.index_cast %scan3A_380 : i32 to index
        %get3A_397 = arith.constant 0 : index
        %get3A_398 = tpu.vector_load %arg12[%get3A_395, %get3A_396, %get3A_397] {strides = array<i32>} : memref<2x125x16xf32, #tpu.memory_space<vmem>>, vector<1x1x16xf32>,
        %get3A_399 = vector.shape_cast %get3A_398 : vector<1x1x16xf32> to vector<16xf32>
        %add3A_400 = arith.addf %add3A_393, %get3A_399 : vector<16xf32>
        %max3A_401 = arith.constant 0.000000e+00 : f32
        %max3A_402 = vector.broadcast %max3A_401 : f32 to vector<16xf32>
        %max3A_403 = arith.maximumf %add3A_400, %max3A_402 : vector<16xf32>
        %swap3A_404 = arith.constant 0 : i32
        %swap3A_405 = arith.index_cast %swap3A_404 : i32 to index
        %swap3A_406 = arith.index_cast %scan3A_380 : i32 to index
        %swap3A_407 = arith.constant 0 : index
        %swap3A_408 = tpu.vector_load %arg14[%swap3A_405, %swap3A_406, %swap3A_407] {strides = array<i32>} : memref<2x125x16xf32, #tpu.memory_space<vmem>>, vector<1x1x16xf32>,
        %swap3A_409 = vector.shape_cast %swap3A_408 : vector<1x1x16xf32> to vector<16xf32>
        %swap3A_410 = vector.shape_cast %max3A_403 : vector<16xf32> to vector<1x1x16xf32>
        tpu.vector_store %arg14[%swap3A_405, %swap3A_406, %swap3A_407], %swap3A_410 {strides = array<i32>} : memref<2x125x16xf32, #tpu.memory_space<vmem>>, vector<1x1x16xf32>,
        %scan3A_411 = arith.constant 4 : i32
        %scan3A_412 = arith.addi %scan3A_287, %scan3A_411 : i32
        %get3A_413 = arith.constant 0 : i32
        %get3A_414 = arith.index_cast %get3A_413 : i32 to index
        %get3A_415 = arith.index_cast %scan3A_412 : i32 to index
        %get3A_416 = arith.constant 0 : index
        %get3A_417 = tpu.vector_load %arg13[%get3A_414, %get3A_415, %get3A_416] {strides = array<i32>} : memref<2x125x16xf32, #tpu.memory_space<vmem>>, vector<1x1x16xf32>,
        %get3A_418 = vector.shape_cast %get3A_417 : vector<1x1x16xf32> to vector<16xf32>
        %get3A_419 = arith.constant 0 : i32
        %get3A_420 = arith.index_cast %get3A_419 : i32 to index
        %get3A_421 = arith.index_cast %scan3A_412 : i32 to index
        %get3A_422 = arith.constant 0 : index
        %get3A_423 = tpu.vector_load %arg11[%get3A_420, %get3A_421, %get3A_422] {strides = array<i32>} : memref<2x125x16xf32, #tpu.memory_space<vmem>>, vector<1x1x16xf32>,
        %get3A_424 = vector.shape_cast %get3A_423 : vector<1x1x16xf32> to vector<16xf32>
        %add3A_425 = arith.addf %get3A_418, %get3A_424 : vector<16xf32>
        %get3A_426 = arith.constant 0 : i32
        %get3A_427 = arith.index_cast %get3A_426 : i32 to index
        %get3A_428 = arith.index_cast %scan3A_412 : i32 to index
        %get3A_429 = arith.constant 0 : index
        %get3A_430 = tpu.vector_load %arg12[%get3A_427, %get3A_428, %get3A_429] {strides = array<i32>} : memref<2x125x16xf32, #tpu.memory_space<vmem>>, vector<1x1x16xf32>,
        %get3A_431 = vector.shape_cast %get3A_430 : vector<1x1x16xf32> to vector<16xf32>
        %add3A_432 = arith.addf %add3A_425, %get3A_431 : vector<16xf32>
        %max3A_433 = arith.constant 0.000000e+00 : f32
        %max3A_434 = vector.broadcast %max3A_433 : f32 to vector<16xf32>
        %max3A_435 = arith.maximumf %add3A_432, %max3A_434 : vector<16xf32>
        %swap3A_436 = arith.constant 0 : i32
        %swap3A_437 = arith.index_cast %swap3A_436 : i32 to index
        %swap3A_438 = arith.index_cast %scan3A_412 : i32 to index
        %swap3A_439 = arith.constant 0 : index
        %swap3A_440 = tpu.vector_load %arg14[%swap3A_437, %swap3A_438, %swap3A_439] {strides = array<i32>} : memref<2x125x16xf32, #tpu.memory_space<vmem>>, vector<1x1x16xf32>,
        %swap3A_441 = vector.shape_cast %swap3A_440 : vector<1x1x16xf32> to vector<16xf32>
        %swap3A_442 = vector.shape_cast %max3A_435 : vector<16xf32> to vector<1x1x16xf32>
        tpu.vector_store %arg14[%swap3A_437, %swap3A_438, %swap3A_439], %swap3A_442 {strides = array<i32>} : memref<2x125x16xf32, #tpu.memory_space<vmem>>, vector<1x1x16xf32>,
      }
      %scan3A_172 = arith.constant 125 : i32
      %mul3A_173 = arith.constant 125 : i32
      %mul3A_174 = arith.muli %add3A_120, %mul3A_173 : i32
      %add3A_175 = arith.addi %mul3A_13, %mul3A_174 : i32
      %dma_start3A_176 = arith.constant 0 : i32
      %dma_start3A_177 = arith.constant 0 : i32
      %dma_start3A_178 = arith.constant 0 : i32
      %dma_start3A_179 = tpu.memref_slice %arg14[%dma_start3A_176, %dma_start3A_177, %dma_start3A_178] : memref<2x125x16xf32, #tpu.memory_space<vmem>> -> memref<1x125x16xf32, #tpu.memory_space<vmem>>
      %dma_start3A_180 = tpu.memref_squeeze %dma_start3A_179 : memref<1x125x16xf32, #tpu.memory_space<vmem>> -> memref<125x16xf32, #tpu.memory_space<vmem>>
      %dma_start3A_181 = arith.constant 0 : i32
      %dma_start3A_182 = tpu.memref_slice %arg7[%add3A_175, %dma_start3A_181] : memref<160000x16xf32, #tpu.memory_space<hbm>> -> memref<125x16xf32, #tpu.memory_space<hbm>>
      %dma_start3A_183 = arith.constant 0 : i32
      %dma_start3A_184 = tpu.memref_slice %arg7[%add3A_175, %dma_start3A_183] : memref<160000x16xf32, #tpu.memory_space<hbm>> -> memref<125x16xf32, #tpu.memory_space<hbm>>
      %dma_start3A_185 = arith.constant 0 : i32
      %dma_start3A_186 = arith.constant 0 : i32
      %dma_start3A_187 = tpu.memref_slice %arg14[%dma_start3A_176, %dma_start3A_185, %dma_start3A_186] : memref<2x125x16xf32, #tpu.memory_space<vmem>> -> memref<1x125x16xf32, #tpu.memory_space<vmem>>
      %dma_start3A_188 = tpu.memref_squeeze %dma_start3A_187 : memref<1x125x16xf32, #tpu.memory_space<vmem>> -> memref<125x16xf32, #tpu.memory_space<vmem>>
      tpu.enqueue_dma source(%dma_start3A_188 : memref<125x16xf32, #tpu.memory_space<vmem>>) target(%dma_start3A_184 : memref<125x16xf32, #tpu.memory_space<hbm>>) target_semaphore(%arg23 : memref<!tpu.dma_semaphore, #tpu.memory_space<semaphore_mem>>)
      %dma_start3A_189 = arith.constant 0 : i32
      %dma_start3A_190 = arith.constant 0 : i32
      %dma_start3A_191 = arith.constant 0 : i32
      %dma_start3A_192 = tpu.memref_slice %arg14[%dma_start3A_189, %dma_start3A_190, %dma_start3A_191] : memref<2x125x16xf32, #tpu.memory_space<vmem>> -> memref<1x125x16xf32, #tpu.memory_space<vmem>>
      %dma_start3A_193 = tpu.memref_squeeze %dma_start3A_192 : memref<1x125x16xf32, #tpu.memory_space<vmem>> -> memref<125x16xf32, #tpu.memory_space<vmem>>
      %dma_start3A_194 = arith.constant 0 : i32
      %dma_start3A_195 = tpu.memref_slice %arg10[%add3A_120, %dma_start3A_194] : memref<40x125xi32, #tpu.memory_space<vmem>> -> memref<1x125xi32, #tpu.memory_space<vmem>>
      %dma_start3A_196 = tpu.memref_squeeze %dma_start3A_195 : memref<1x125xi32, #tpu.memory_space<vmem>> -> memref<125xi32, #tpu.memory_space<vmem>>
      %dma_start3A_197 = arith.constant 0 : i32
      %dma_start3A_198 = arith.constant 0 : i32
      %dma_start3A_199 = tpu.memref_slice %arg16[%dma_start3A_197, %dma_start3A_198] : memref<10240x16xf32, #tpu.memory_space<vmem_shared>> -> memref<10240x16xf32, #tpu.memory_space<vmem_shared>>
      tpu.enqueue_indirect_dma source(%dma_start3A_193 : memref<125x16xf32, #tpu.memory_space<vmem>>) target(%dma_start3A_199 : memref<10240x16xf32, #tpu.memory_space<vmem_shared>>) offsets(%dma_start3A_196 : memref<125xi32, #tpu.memory_space<vmem>>) semaphore(%arg25 : memref<!tpu.dma_semaphore, #tpu.memory_space<semaphore_mem>>) {add = true}
      %mul3A_200 = arith.constant 2 : i32
      %mul3A_201 = arith.muli %mul3A_200, %scan3A_116 : i32
      %add3A_202 = arith.constant 1 : i32
      %add3A_203 = arith.addi %mul3A_201, %add3A_202 : i32
      %add3A_204 = arith.constant 1 : i32
      %add3A_205 = arith.addi %add3A_203, %add3A_204 : i32
      %lt3A_206 = arith.constant 40 : i32
      %lt3A_207 = arith.cmpi slt, %add3A_205, %lt3A_206 : i32
      %convert_element_type3A_208 = arith.extui %lt3A_207 : i1 to i32
      %cond3A_209 = arith.constant 0 : i32
      %cond3A_210 = arith.cmpi ne, %convert_element_type3A_208, %cond3A_209 : i32
      scf.if %cond3A_210 {
        %add3A_287 = arith.constant 1 : i32
        %add3A_288 = arith.addi %add3A_203, %add3A_287 : i32
        %mul3A_289 = arith.constant 125 : i32
        %mul3A_290 = arith.muli %add3A_288, %mul3A_289 : i32
        %add3A_291 = arith.addi %add3A_15, %mul3A_290 : i32
        %dma_start3A_292 = arith.constant 0 : i32
        %dma_start3A_293 = arith.constant 0 : i32
        %dma_start3A_294 = arith.constant 0 : i32
        %dma_start3A_295 = tpu.memref_slice %arg13[%dma_start3A_292, %dma_start3A_293, %dma_start3A_294] : memref<2x125x16xf32, #tpu.memory_space<vmem>> -> memref<1x125x16xf32, #tpu.memory_space<vmem>>
        %dma_start3A_296 = tpu.memref_squeeze %dma_start3A_295 : memref<1x125x16xf32, #tpu.memory_space<vmem>> -> memref<125x16xf32, #tpu.memory_space<vmem>>
        %dma_start3A_297 = arith.constant 0 : i32
        %dma_start3A_298 = tpu.memref_slice %arg4[%add3A_291, %dma_start3A_297] : memref<320000x16xf32, #tpu.memory_space<hbm>> -> memref<125x16xf32, #tpu.memory_space<hbm>>
        %dma_start3A_299 = arith.constant 0 : i32
        %dma_start3A_300 = arith.constant 0 : i32
        %dma_start3A_301 = tpu.memref_slice %arg13[%dma_start3A_292, %dma_start3A_299, %dma_start3A_300] : memref<2x125x16xf32, #tpu.memory_space<vmem>> -> memref<1x125x16xf32, #tpu.memory_space<vmem>>
        %dma_start3A_302 = tpu.memref_squeeze %dma_start3A_301 : memref<1x125x16xf32, #tpu.memory_space<vmem>> -> memref<125x16xf32, #tpu.memory_space<vmem>>
        %dma_start3A_303 = arith.constant 0 : i32
        %dma_start3A_304 = tpu.memref_slice %arg4[%add3A_291, %dma_start3A_303] : memref<320000x16xf32, #tpu.memory_space<hbm>> -> memref<125x16xf32, #tpu.memory_space<hbm>>
        tpu.enqueue_dma source(%dma_start3A_304 : memref<125x16xf32, #tpu.memory_space<hbm>>) target(%dma_start3A_302 : memref<125x16xf32, #tpu.memory_space<vmem>>) target_semaphore(%arg19 : memref<!tpu.dma_semaphore, #tpu.memory_space<semaphore_mem>>)
        %dma_start3A_305 = arith.constant 0 : i32
        %dma_start3A_306 = arith.constant 0 : i32
        %dma_start3A_307 = arith.constant 0 : i32
        %dma_start3A_308 = tpu.memref_slice %arg11[%dma_start3A_305, %dma_start3A_306, %dma_start3A_307] : memref<2x125x16xf32, #tpu.memory_space<vmem>> -> memref<1x125x16xf32, #tpu.memory_space<vmem>>
        %dma_start3A_309 = tpu.memref_squeeze %dma_start3A_308 : memref<1x125x16xf32, #tpu.memory_space<vmem>> -> memref<125x16xf32, #tpu.memory_space<vmem>>
        %dma_start3A_310 = arith.constant 0 : i32
        %dma_start3A_311 = tpu.memref_slice %arg9[%add3A_288, %dma_start3A_310] : memref<40x125xi32, #tpu.memory_space<vmem>> -> memref<1x125xi32, #tpu.memory_space<vmem>>
        %dma_start3A_312 = tpu.memref_squeeze %dma_start3A_311 : memref<1x125xi32, #tpu.memory_space<vmem>> -> memref<125xi32, #tpu.memory_space<vmem>>
        %dma_start3A_313 = arith.constant 0 : i32
        %dma_start3A_314 = arith.constant 0 : i32
        %dma_start3A_315 = tpu.memref_slice %arg2[%dma_start3A_313, %dma_start3A_314] : memref<10000x16xf32, #tpu.memory_space<hbm>> -> memref<10000x16xf32, #tpu.memory_space<hbm>>
        tpu.enqueue_indirect_dma source(%dma_start3A_315 : memref<10000x16xf32, #tpu.memory_space<hbm>>) target(%dma_start3A_309 : memref<125x16xf32, #tpu.memory_space<vmem>>) offsets(%dma_start3A_312 : memref<125xi32, #tpu.memory_space<vmem>>) semaphore(%arg17 : memref<!tpu.dma_semaphore, #tpu.memory_space<semaphore_mem>>)
        %dma_start3A_316 = arith.constant 0 : i32
        %dma_start3A_317 = arith.constant 0 : i32
        %dma_start3A_318 = arith.constant 0 : i32
        %dma_start3A_319 = tpu.memref_slice %arg12[%dma_start3A_316, %dma_start3A_317, %dma_start3A_318] : memref<2x125x16xf32, #tpu.memory_space<vmem>> -> memref<1x125x16xf32, #tpu.memory_space<vmem>>
        %dma_start3A_320 = tpu.memref_squeeze %dma_start3A_319 : memref<1x125x16xf32, #tpu.memory_space<vmem>> -> memref<125x16xf32, #tpu.memory_space<vmem>>
        %dma_start3A_321 = arith.constant 0 : i32
        %dma_start3A_322 = tpu.memref_slice %arg10[%add3A_288, %dma_start3A_321] : memref<40x125xi32, #tpu.memory_space<vmem>> -> memref<1x125xi32, #tpu.memory_space<vmem>>
        %dma_start3A_323 = tpu.memref_squeeze %dma_start3A_322 : memref<1x125xi32, #tpu.memory_space<vmem>> -> memref<125xi32, #tpu.memory_space<vmem>>
        %dma_start3A_324 = arith.constant 0 : i32
        %dma_start3A_325 = arith.constant 0 : i32
        %dma_start3A_326 = tpu.memref_slice %arg3[%dma_start3A_324, %dma_start3A_325] : memref<10000x16xf32, #tpu.memory_space<hbm>> -> memref<10000x16xf32, #tpu.memory_space<hbm>>
        tpu.enqueue_indirect_dma source(%dma_start3A_326 : memref<10000x16xf32, #tpu.memory_space<hbm>>) target(%dma_start3A_320 : memref<125x16xf32, #tpu.memory_space<vmem>>) offsets(%dma_start3A_323 : memref<125xi32, #tpu.memory_space<vmem>>) semaphore(%arg21 : memref<!tpu.dma_semaphore, #tpu.memory_space<semaphore_mem>>)
      } else {
      }
      %mul3A_211 = arith.constant 125 : i32
      %mul3A_212 = arith.muli %add3A_203, %mul3A_211 : i32
      %add3A_213 = arith.addi %add3A_15, %mul3A_212 : i32
      %dma_wait3A_214 = arith.constant 1 : i32
      %dma_wait3A_215 = arith.constant 0 : i32
      %dma_wait3A_216 = arith.constant 0 : i32
      %dma_wait3A_217 = tpu.memref_slice %arg13[%dma_wait3A_214, %dma_wait3A_215, %dma_wait3A_216] : memref<2x125x16xf32, #tpu.memory_space<vmem>> -> memref<1x125x16xf32, #tpu.memory_space<vmem>>
      %dma_wait3A_218 = tpu.memref_squeeze %dma_wait3A_217 : memref<1x125x16xf32, #tpu.memory_space<vmem>> -> memref<125x16xf32, #tpu.memory_space<vmem>>
      %dma_wait3A_219 = arith.constant 0 : i32
      %dma_wait3A_220 = tpu.memref_slice %arg4[%add3A_213, %dma_wait3A_219] : memref<320000x16xf32, #tpu.memory_space<hbm>> -> memref<125x16xf32, #tpu.memory_space<hbm>>
      %dma_wait3A_221 = arith.constant 0 : i32
      %dma_wait3A_222 = arith.constant 0 : i32
      %dma_wait3A_223 = tpu.memref_slice %arg13[%dma_wait3A_214, %dma_wait3A_221, %dma_wait3A_222] : memref<2x125x16xf32, #tpu.memory_space<vmem>> -> memref<1x125x16xf32, #tpu.memory_space<vmem>>
      %dma_wait3A_224 = tpu.memref_squeeze %dma_wait3A_223 : memref<1x125x16xf32, #tpu.memory_space<vmem>> -> memref<125x16xf32, #tpu.memory_space<vmem>>
      %dma_wait3A_225 = arith.constant 0 : i32
      %dma_wait3A_226 = tpu.memref_slice %arg4[%add3A_213, %dma_wait3A_225] : memref<320000x16xf32, #tpu.memory_space<hbm>> -> memref<125x16xf32, #tpu.memory_space<hbm>>
      tpu.wait_dma2 semaphore(%arg20 : memref<!tpu.dma_semaphore, #tpu.memory_space<semaphore_mem>>) src(%dma_wait3A_226 : memref<125x16xf32, #tpu.memory_space<hbm>>) dst(%dma_wait3A_224 : memref<125x16xf32, #tpu.memory_space<vmem>>)
      %dma_wait3A_227 = arith.constant 1 : i32
      %dma_wait3A_228 = arith.constant 0 : i32
      %dma_wait3A_229 = arith.constant 0 : i32
      %dma_wait3A_230 = tpu.memref_slice %arg11[%dma_wait3A_227, %dma_wait3A_228, %dma_wait3A_229] : memref<2x125x16xf32, #tpu.memory_space<vmem>> -> memref<1x125x16xf32, #tpu.memory_space<vmem>>
      %dma_wait3A_231 = tpu.memref_squeeze %dma_wait3A_230 : memref<1x125x16xf32, #tpu.memory_space<vmem>> -> memref<125x16xf32, #tpu.memory_space<vmem>>
      %dma_wait3A_232 = arith.constant 0 : i32
      %dma_wait3A_233 = tpu.memref_slice %arg9[%add3A_203, %dma_wait3A_232] : memref<40x125xi32, #tpu.memory_space<vmem>> -> memref<1x125xi32, #tpu.memory_space<vmem>>
      %dma_wait3A_234 = tpu.memref_squeeze %dma_wait3A_233 : memref<1x125xi32, #tpu.memory_space<vmem>> -> memref<125xi32, #tpu.memory_space<vmem>>
      %dma_wait3A_235 = arith.constant 0 : i32
      %dma_wait3A_236 = arith.constant 0 : i32
      %dma_wait3A_237 = tpu.memref_slice %arg2[%dma_wait3A_235, %dma_wait3A_236] : memref<10000x16xf32, #tpu.memory_space<hbm>> -> memref<10000x16xf32, #tpu.memory_space<hbm>>
      tpu.wait_indirect_dma semaphore(%arg18 : memref<!tpu.dma_semaphore, #tpu.memory_space<semaphore_mem>>) src(%dma_wait3A_237 : memref<10000x16xf32, #tpu.memory_space<hbm>>) dst(%dma_wait3A_231 : memref<125x16xf32, #tpu.memory_space<vmem>>)
      %dma_wait3A_238 = arith.constant 1 : i32
      %dma_wait3A_239 = arith.constant 0 : i32
      %dma_wait3A_240 = arith.constant 0 : i32
      %dma_wait3A_241 = tpu.memref_slice %arg12[%dma_wait3A_238, %dma_wait3A_239, %dma_wait3A_240] : memref<2x125x16xf32, #tpu.memory_space<vmem>> -> memref<1x125x16xf32, #tpu.memory_space<vmem>>
      %dma_wait3A_242 = tpu.memref_squeeze %dma_wait3A_241 : memref<1x125x16xf32, #tpu.memory_space<vmem>> -> memref<125x16xf32, #tpu.memory_space<vmem>>
      %dma_wait3A_243 = arith.constant 0 : i32
      %dma_wait3A_244 = tpu.memref_slice %arg10[%add3A_203, %dma_wait3A_243] : memref<40x125xi32, #tpu.memory_space<vmem>> -> memref<1x125xi32, #tpu.memory_space<vmem>>
      %dma_wait3A_245 = tpu.memref_squeeze %dma_wait3A_244 : memref<1x125xi32, #tpu.memory_space<vmem>> -> memref<125xi32, #tpu.memory_space<vmem>>
      %dma_wait3A_246 = arith.constant 0 : i32
      %dma_wait3A_247 = arith.constant 0 : i32
      %dma_wait3A_248 = tpu.memref_slice %arg3[%dma_wait3A_246, %dma_wait3A_247] : memref<10000x16xf32, #tpu.memory_space<hbm>> -> memref<10000x16xf32, #tpu.memory_space<hbm>>
      tpu.wait_indirect_dma semaphore(%arg22 : memref<!tpu.dma_semaphore, #tpu.memory_space<semaphore_mem>>) src(%dma_wait3A_248 : memref<10000x16xf32, #tpu.memory_space<hbm>>) dst(%dma_wait3A_242 : memref<125x16xf32, #tpu.memory_space<vmem>>)
      %ge3A_249 = arith.constant 2 : i32
      %ge3A_250 = arith.cmpi sge, %add3A_203, %ge3A_249 : i32
      %convert_element_type3A_251 = arith.extui %ge3A_250 : i1 to i32
      %cond3A_252 = arith.constant 0 : i32
      %cond3A_253 = arith.cmpi ne, %convert_element_type3A_251, %cond3A_252 : i32
      scf.if %cond3A_253 {
        %sub3A = arith.constant 2 : i32
        %sub3A_287 = arith.subi %add3A_203, %sub3A : i32
        %mul3A_288 = arith.constant 125 : i32
        %mul3A_289 = arith.muli %sub3A_287, %mul3A_288 : i32
        %add3A_290 = arith.addi %mul3A_13, %mul3A_289 : i32
        %dma_wait3A_291 = arith.constant 1 : i32
        %dma_wait3A_292 = arith.constant 0 : i32
        %dma_wait3A_293 = arith.constant 0 : i32
        %dma_wait3A_294 = tpu.memref_slice %arg14[%dma_wait3A_291, %dma_wait3A_292, %dma_wait3A_293] : memref<2x125x16xf32, #tpu.memory_space<vmem>> -> memref<1x125x16xf32, #tpu.memory_space<vmem>>
        %dma_wait3A_295 = tpu.memref_squeeze %dma_wait3A_294 : memref<1x125x16xf32, #tpu.memory_space<vmem>> -> memref<125x16xf32, #tpu.memory_space<vmem>>
        %dma_wait3A_296 = arith.constant 0 : i32
        %dma_wait3A_297 = tpu.memref_slice %arg7[%add3A_290, %dma_wait3A_296] : memref<160000x16xf32, #tpu.memory_space<hbm>> -> memref<125x16xf32, #tpu.memory_space<hbm>>
        %dma_wait3A_298 = arith.constant 0 : i32
        %dma_wait3A_299 = tpu.memref_slice %arg7[%add3A_290, %dma_wait3A_298] : memref<160000x16xf32, #tpu.memory_space<hbm>> -> memref<125x16xf32, #tpu.memory_space<hbm>>
        %dma_wait3A_300 = arith.constant 0 : i32
        %dma_wait3A_301 = arith.constant 0 : i32
        %dma_wait3A_302 = tpu.memref_slice %arg14[%dma_wait3A_291, %dma_wait3A_300, %dma_wait3A_301] : memref<2x125x16xf32, #tpu.memory_space<vmem>> -> memref<1x125x16xf32, #tpu.memory_space<vmem>>
        %dma_wait3A_303 = tpu.memref_squeeze %dma_wait3A_302 : memref<1x125x16xf32, #tpu.memory_space<vmem>> -> memref<125x16xf32, #tpu.memory_space<vmem>>
        tpu.wait_dma2 semaphore(%arg24 : memref<!tpu.dma_semaphore, #tpu.memory_space<semaphore_mem>>) src(%dma_wait3A_303 : memref<125x16xf32, #tpu.memory_space<vmem>>) dst(%dma_wait3A_299 : memref<125x16xf32, #tpu.memory_space<hbm>>)
        %dma_wait3A_304 = arith.constant 1 : i32
        %dma_wait3A_305 = arith.constant 0 : i32
        %dma_wait3A_306 = arith.constant 0 : i32
        %dma_wait3A_307 = tpu.memref_slice %arg14[%dma_wait3A_304, %dma_wait3A_305, %dma_wait3A_306] : memref<2x125x16xf32, #tpu.memory_space<vmem>> -> memref<1x125x16xf32, #tpu.memory_space<vmem>>
        %dma_wait3A_308 = tpu.memref_squeeze %dma_wait3A_307 : memref<1x125x16xf32, #tpu.memory_space<vmem>> -> memref<125x16xf32, #tpu.memory_space<vmem>>
        %dma_wait3A_309 = arith.constant 0 : i32
        %dma_wait3A_310 = tpu.memref_slice %arg10[%sub3A_287, %dma_wait3A_309] : memref<40x125xi32, #tpu.memory_space<vmem>> -> memref<1x125xi32, #tpu.memory_space<vmem>>
        %dma_wait3A_311 = tpu.memref_squeeze %dma_wait3A_310 : memref<1x125xi32, #tpu.memory_space<vmem>> -> memref<125xi32, #tpu.memory_space<vmem>>
        %dma_wait3A_312 = arith.constant 0 : i32
        %dma_wait3A_313 = arith.constant 0 : i32
        %dma_wait3A_314 = tpu.memref_slice %arg16[%dma_wait3A_312, %dma_wait3A_313] : memref<10240x16xf32, #tpu.memory_space<vmem_shared>> -> memref<10240x16xf32, #tpu.memory_space<vmem_shared>>
        tpu.wait_indirect_dma semaphore(%arg26 : memref<!tpu.dma_semaphore, #tpu.memory_space<semaphore_mem>>) src(%dma_wait3A_308 : memref<125x16xf32, #tpu.memory_space<vmem>>) dst(%dma_wait3A_314 : memref<10240x16xf32, #tpu.memory_space<vmem_shared>>)
      } else {
      }
      %scan3A_254 = arith.constant 0 : i32
      %scan3A_255 = arith.constant 0 : i32
      %scan3A_256 = arith.constant 125 : i32
      %scan3A_257 = arith.addi %scan3A_255, %scan3A_256 : i32
      %scan3A_258 = arith.constant 5 : i32
      scf.for %scan3A_287 = %scan3A_255 to %scan3A_257 step %scan3A_258  : i32 {
        %get3A = arith.constant 1 : i32
        %get3A_288 = arith.index_cast %get3A : i32 to index
        %get3A_289 = arith.index_cast %scan3A_287 : i32 to index
        %get3A_290 = arith.constant 0 : index
        %get3A_291 = tpu.vector_load %arg13[%get3A_288, %get3A_289, %get3A_290] {strides = array<i32>} : memref<2x125x16xf32, #tpu.memory_space<vmem>>, vector<1x1x16xf32>,
        %get3A_292 = vector.shape_cast %get3A_291 : vector<1x1x16xf32> to vector<16xf32>
        %get3A_293 = arith.constant 1 : i32
        %get3A_294 = arith.index_cast %get3A_293 : i32 to index
        %get3A_295 = arith.index_cast %scan3A_287 : i32 to index
        %get3A_296 = arith.constant 0 : index
        %get3A_297 = tpu.vector_load %arg11[%get3A_294, %get3A_295, %get3A_296] {strides = array<i32>} : memref<2x125x16xf32, #tpu.memory_space<vmem>>, vector<1x1x16xf32>,
        %get3A_298 = vector.shape_cast %get3A_297 : vector<1x1x16xf32> to vector<16xf32>
        %add3A_299 = arith.addf %get3A_292, %get3A_298 : vector<16xf32>
        %get3A_300 = arith.constant 1 : i32
        %get3A_301 = arith.index_cast %get3A_300 : i32 to index
        %get3A_302 = arith.index_cast %scan3A_287 : i32 to index
        %get3A_303 = arith.constant 0 : index
        %get3A_304 = tpu.vector_load %arg12[%get3A_301, %get3A_302, %get3A_303] {strides = array<i32>} : memref<2x125x16xf32, #tpu.memory_space<vmem>>, vector<1x1x16xf32>,
        %get3A_305 = vector.shape_cast %get3A_304 : vector<1x1x16xf32> to vector<16xf32>
        %add3A_306 = arith.addf %add3A_299, %get3A_305 : vector<16xf32>
        %max3A = arith.constant 0.000000e+00 : f32
        %max3A_307 = vector.broadcast %max3A : f32 to vector<16xf32>
        %max3A_308 = arith.maximumf %add3A_306, %max3A_307 : vector<16xf32>
        %swap3A = arith.constant 1 : i32
        %swap3A_309 = arith.index_cast %swap3A : i32 to index
        %swap3A_310 = arith.index_cast %scan3A_287 : i32 to index
        %swap3A_311 = arith.constant 0 : index
        %swap3A_312 = tpu.vector_load %arg14[%swap3A_309, %swap3A_310, %swap3A_311] {strides = array<i32>} : memref<2x125x16xf32, #tpu.memory_space<vmem>>, vector<1x1x16xf32>,
        %swap3A_313 = vector.shape_cast %swap3A_312 : vector<1x1x16xf32> to vector<16xf32>
        %swap3A_314 = vector.shape_cast %max3A_308 : vector<16xf32> to vector<1x1x16xf32>
        tpu.vector_store %arg14[%swap3A_309, %swap3A_310, %swap3A_311], %swap3A_314 {strides = array<i32>} : memref<2x125x16xf32, #tpu.memory_space<vmem>>, vector<1x1x16xf32>,
        %scan3A_315 = arith.constant 1 : i32
        %scan3A_316 = arith.addi %scan3A_287, %scan3A_315 : i32
        %get3A_317 = arith.constant 1 : i32
        %get3A_318 = arith.index_cast %get3A_317 : i32 to index
        %get3A_319 = arith.index_cast %scan3A_316 : i32 to index
        %get3A_320 = arith.constant 0 : index
        %get3A_321 = tpu.vector_load %arg13[%get3A_318, %get3A_319, %get3A_320] {strides = array<i32>} : memref<2x125x16xf32, #tpu.memory_space<vmem>>, vector<1x1x16xf32>,
        %get3A_322 = vector.shape_cast %get3A_321 : vector<1x1x16xf32> to vector<16xf32>
        %get3A_323 = arith.constant 1 : i32
        %get3A_324 = arith.index_cast %get3A_323 : i32 to index
        %get3A_325 = arith.index_cast %scan3A_316 : i32 to index
        %get3A_326 = arith.constant 0 : index
        %get3A_327 = tpu.vector_load %arg11[%get3A_324, %get3A_325, %get3A_326] {strides = array<i32>} : memref<2x125x16xf32, #tpu.memory_space<vmem>>, vector<1x1x16xf32>,
        %get3A_328 = vector.shape_cast %get3A_327 : vector<1x1x16xf32> to vector<16xf32>
        %add3A_329 = arith.addf %get3A_322, %get3A_328 : vector<16xf32>
        %get3A_330 = arith.constant 1 : i32
        %get3A_331 = arith.index_cast %get3A_330 : i32 to index
        %get3A_332 = arith.index_cast %scan3A_316 : i32 to index
        %get3A_333 = arith.constant 0 : index
        %get3A_334 = tpu.vector_load %arg12[%get3A_331, %get3A_332, %get3A_333] {strides = array<i32>} : memref<2x125x16xf32, #tpu.memory_space<vmem>>, vector<1x1x16xf32>,
        %get3A_335 = vector.shape_cast %get3A_334 : vector<1x1x16xf32> to vector<16xf32>
        %add3A_336 = arith.addf %add3A_329, %get3A_335 : vector<16xf32>
        %max3A_337 = arith.constant 0.000000e+00 : f32
        %max3A_338 = vector.broadcast %max3A_337 : f32 to vector<16xf32>
        %max3A_339 = arith.maximumf %add3A_336, %max3A_338 : vector<16xf32>
        %swap3A_340 = arith.constant 1 : i32
        %swap3A_341 = arith.index_cast %swap3A_340 : i32 to index
        %swap3A_342 = arith.index_cast %scan3A_316 : i32 to index
        %swap3A_343 = arith.constant 0 : index
        %swap3A_344 = tpu.vector_load %arg14[%swap3A_341, %swap3A_342, %swap3A_343] {strides = array<i32>} : memref<2x125x16xf32, #tpu.memory_space<vmem>>, vector<1x1x16xf32>,
        %swap3A_345 = vector.shape_cast %swap3A_344 : vector<1x1x16xf32> to vector<16xf32>
        %swap3A_346 = vector.shape_cast %max3A_339 : vector<16xf32> to vector<1x1x16xf32>
        tpu.vector_store %arg14[%swap3A_341, %swap3A_342, %swap3A_343], %swap3A_346 {strides = array<i32>} : memref<2x125x16xf32, #tpu.memory_space<vmem>>, vector<1x1x16xf32>,
        %scan3A_347 = arith.constant 2 : i32
        %scan3A_348 = arith.addi %scan3A_287, %scan3A_347 : i32
        %get3A_349 = arith.constant 1 : i32
        %get3A_350 = arith.index_cast %get3A_349 : i32 to index
        %get3A_351 = arith.index_cast %scan3A_348 : i32 to index
        %get3A_352 = arith.constant 0 : index
        %get3A_353 = tpu.vector_load %arg13[%get3A_350, %get3A_351, %get3A_352] {strides = array<i32>} : memref<2x125x16xf32, #tpu.memory_space<vmem>>, vector<1x1x16xf32>,
        %get3A_354 = vector.shape_cast %get3A_353 : vector<1x1x16xf32> to vector<16xf32>
        %get3A_355 = arith.constant 1 : i32
        %get3A_356 = arith.index_cast %get3A_355 : i32 to index
        %get3A_357 = arith.index_cast %scan3A_348 : i32 to index
        %get3A_358 = arith.constant 0 : index
        %get3A_359 = tpu.vector_load %arg11[%get3A_356, %get3A_357, %get3A_358] {strides = array<i32>} : memref<2x125x16xf32, #tpu.memory_space<vmem>>, vector<1x1x16xf32>,
        %get3A_360 = vector.shape_cast %get3A_359 : vector<1x1x16xf32> to vector<16xf32>
        %add3A_361 = arith.addf %get3A_354, %get3A_360 : vector<16xf32>
        %get3A_362 = arith.constant 1 : i32
        %get3A_363 = arith.index_cast %get3A_362 : i32 to index
        %get3A_364 = arith.index_cast %scan3A_348 : i32 to index
        %get3A_365 = arith.constant 0 : index
        %get3A_366 = tpu.vector_load %arg12[%get3A_363, %get3A_364, %get3A_365] {strides = array<i32>} : memref<2x125x16xf32, #tpu.memory_space<vmem>>, vector<1x1x16xf32>,
        %get3A_367 = vector.shape_cast %get3A_366 : vector<1x1x16xf32> to vector<16xf32>
        %add3A_368 = arith.addf %add3A_361, %get3A_367 : vector<16xf32>
        %max3A_369 = arith.constant 0.000000e+00 : f32
        %max3A_370 = vector.broadcast %max3A_369 : f32 to vector<16xf32>
        %max3A_371 = arith.maximumf %add3A_368, %max3A_370 : vector<16xf32>
        %swap3A_372 = arith.constant 1 : i32
        %swap3A_373 = arith.index_cast %swap3A_372 : i32 to index
        %swap3A_374 = arith.index_cast %scan3A_348 : i32 to index
        %swap3A_375 = arith.constant 0 : index
        %swap3A_376 = tpu.vector_load %arg14[%swap3A_373, %swap3A_374, %swap3A_375] {strides = array<i32>} : memref<2x125x16xf32, #tpu.memory_space<vmem>>, vector<1x1x16xf32>,
        %swap3A_377 = vector.shape_cast %swap3A_376 : vector<1x1x16xf32> to vector<16xf32>
        %swap3A_378 = vector.shape_cast %max3A_371 : vector<16xf32> to vector<1x1x16xf32>
        tpu.vector_store %arg14[%swap3A_373, %swap3A_374, %swap3A_375], %swap3A_378 {strides = array<i32>} : memref<2x125x16xf32, #tpu.memory_space<vmem>>, vector<1x1x16xf32>,
        %scan3A_379 = arith.constant 3 : i32
        %scan3A_380 = arith.addi %scan3A_287, %scan3A_379 : i32
        %get3A_381 = arith.constant 1 : i32
        %get3A_382 = arith.index_cast %get3A_381 : i32 to index
        %get3A_383 = arith.index_cast %scan3A_380 : i32 to index
        %get3A_384 = arith.constant 0 : index
        %get3A_385 = tpu.vector_load %arg13[%get3A_382, %get3A_383, %get3A_384] {strides = array<i32>} : memref<2x125x16xf32, #tpu.memory_space<vmem>>, vector<1x1x16xf32>,
        %get3A_386 = vector.shape_cast %get3A_385 : vector<1x1x16xf32> to vector<16xf32>
        %get3A_387 = arith.constant 1 : i32
        %get3A_388 = arith.index_cast %get3A_387 : i32 to index
        %get3A_389 = arith.index_cast %scan3A_380 : i32 to index
        %get3A_390 = arith.constant 0 : index
        %get3A_391 = tpu.vector_load %arg11[%get3A_388, %get3A_389, %get3A_390] {strides = array<i32>} : memref<2x125x16xf32, #tpu.memory_space<vmem>>, vector<1x1x16xf32>,
        %get3A_392 = vector.shape_cast %get3A_391 : vector<1x1x16xf32> to vector<16xf32>
        %add3A_393 = arith.addf %get3A_386, %get3A_392 : vector<16xf32>
        %get3A_394 = arith.constant 1 : i32
        %get3A_395 = arith.index_cast %get3A_394 : i32 to index
        %get3A_396 = arith.index_cast %scan3A_380 : i32 to index
        %get3A_397 = arith.constant 0 : index
        %get3A_398 = tpu.vector_load %arg12[%get3A_395, %get3A_396, %get3A_397] {strides = array<i32>} : memref<2x125x16xf32, #tpu.memory_space<vmem>>, vector<1x1x16xf32>,
        %get3A_399 = vector.shape_cast %get3A_398 : vector<1x1x16xf32> to vector<16xf32>
        %add3A_400 = arith.addf %add3A_393, %get3A_399 : vector<16xf32>
        %max3A_401 = arith.constant 0.000000e+00 : f32
        %max3A_402 = vector.broadcast %max3A_401 : f32 to vector<16xf32>
        %max3A_403 = arith.maximumf %add3A_400, %max3A_402 : vector<16xf32>
        %swap3A_404 = arith.constant 1 : i32
        %swap3A_405 = arith.index_cast %swap3A_404 : i32 to index
        %swap3A_406 = arith.index_cast %scan3A_380 : i32 to index
        %swap3A_407 = arith.constant 0 : index
        %swap3A_408 = tpu.vector_load %arg14[%swap3A_405, %swap3A_406, %swap3A_407] {strides = array<i32>} : memref<2x125x16xf32, #tpu.memory_space<vmem>>, vector<1x1x16xf32>,
        %swap3A_409 = vector.shape_cast %swap3A_408 : vector<1x1x16xf32> to vector<16xf32>
        %swap3A_410 = vector.shape_cast %max3A_403 : vector<16xf32> to vector<1x1x16xf32>
        tpu.vector_store %arg14[%swap3A_405, %swap3A_406, %swap3A_407], %swap3A_410 {strides = array<i32>} : memref<2x125x16xf32, #tpu.memory_space<vmem>>, vector<1x1x16xf32>,
        %scan3A_411 = arith.constant 4 : i32
        %scan3A_412 = arith.addi %scan3A_287, %scan3A_411 : i32
        %get3A_413 = arith.constant 1 : i32
        %get3A_414 = arith.index_cast %get3A_413 : i32 to index
        %get3A_415 = arith.index_cast %scan3A_412 : i32 to index
        %get3A_416 = arith.constant 0 : index
        %get3A_417 = tpu.vector_load %arg13[%get3A_414, %get3A_415, %get3A_416] {strides = array<i32>} : memref<2x125x16xf32, #tpu.memory_space<vmem>>, vector<1x1x16xf32>,
        %get3A_418 = vector.shape_cast %get3A_417 : vector<1x1x16xf32> to vector<16xf32>
        %get3A_419 = arith.constant 1 : i32
        %get3A_420 = arith.index_cast %get3A_419 : i32 to index
        %get3A_421 = arith.index_cast %scan3A_412 : i32 to index
        %get3A_422 = arith.constant 0 : index
        %get3A_423 = tpu.vector_load %arg11[%get3A_420, %get3A_421, %get3A_422] {strides = array<i32>} : memref<2x125x16xf32, #tpu.memory_space<vmem>>, vector<1x1x16xf32>,
        %get3A_424 = vector.shape_cast %get3A_423 : vector<1x1x16xf32> to vector<16xf32>
        %add3A_425 = arith.addf %get3A_418, %get3A_424 : vector<16xf32>
        %get3A_426 = arith.constant 1 : i32
        %get3A_427 = arith.index_cast %get3A_426 : i32 to index
        %get3A_428 = arith.index_cast %scan3A_412 : i32 to index
        %get3A_429 = arith.constant 0 : index
        %get3A_430 = tpu.vector_load %arg12[%get3A_427, %get3A_428, %get3A_429] {strides = array<i32>} : memref<2x125x16xf32, #tpu.memory_space<vmem>>, vector<1x1x16xf32>,
        %get3A_431 = vector.shape_cast %get3A_430 : vector<1x1x16xf32> to vector<16xf32>
        %add3A_432 = arith.addf %add3A_425, %get3A_431 : vector<16xf32>
        %max3A_433 = arith.constant 0.000000e+00 : f32
        %max3A_434 = vector.broadcast %max3A_433 : f32 to vector<16xf32>
        %max3A_435 = arith.maximumf %add3A_432, %max3A_434 : vector<16xf32>
        %swap3A_436 = arith.constant 1 : i32
        %swap3A_437 = arith.index_cast %swap3A_436 : i32 to index
        %swap3A_438 = arith.index_cast %scan3A_412 : i32 to index
        %swap3A_439 = arith.constant 0 : index
        %swap3A_440 = tpu.vector_load %arg14[%swap3A_437, %swap3A_438, %swap3A_439] {strides = array<i32>} : memref<2x125x16xf32, #tpu.memory_space<vmem>>, vector<1x1x16xf32>,
        %swap3A_441 = vector.shape_cast %swap3A_440 : vector<1x1x16xf32> to vector<16xf32>
        %swap3A_442 = vector.shape_cast %max3A_435 : vector<16xf32> to vector<1x1x16xf32>
        tpu.vector_store %arg14[%swap3A_437, %swap3A_438, %swap3A_439], %swap3A_442 {strides = array<i32>} : memref<2x125x16xf32, #tpu.memory_space<vmem>>, vector<1x1x16xf32>,
      }
      %scan3A_259 = arith.constant 125 : i32
      %mul3A_260 = arith.constant 125 : i32
      %mul3A_261 = arith.muli %add3A_203, %mul3A_260 : i32
      %add3A_262 = arith.addi %mul3A_13, %mul3A_261 : i32
      %dma_start3A_263 = arith.constant 1 : i32
      %dma_start3A_264 = arith.constant 0 : i32
      %dma_start3A_265 = arith.constant 0 : i32
      %dma_start3A_266 = tpu.memref_slice %arg14[%dma_start3A_263, %dma_start3A_264, %dma_start3A_265] : memref<2x125x16xf32, #tpu.memory_space<vmem>> -> memref<1x125x16xf32, #tpu.memory_space<vmem>>
      %dma_start3A_267 = tpu.memref_squeeze %dma_start3A_266 : memref<1x125x16xf32, #tpu.memory_space<vmem>> -> memref<125x16xf32, #tpu.memory_space<vmem>>
      %dma_start3A_268 = arith.constant 0 : i32
      %dma_start3A_269 = tpu.memref_slice %arg7[%add3A_262, %dma_start3A_268] : memref<160000x16xf32, #tpu.memory_space<hbm>> -> memref<125x16xf32, #tpu.memory_space<hbm>>
      %dma_start3A_270 = arith.constant 0 : i32
      %dma_start3A_271 = tpu.memref_slice %arg7[%add3A_262, %dma_start3A_270] : memref<160000x16xf32, #tpu.memory_space<hbm>> -> memref<125x16xf32, #tpu.memory_space<hbm>>
      %dma_start3A_272 = arith.constant 0 : i32
      %dma_start3A_273 = arith.constant 0 : i32
      %dma_start3A_274 = tpu.memref_slice %arg14[%dma_start3A_263, %dma_start3A_272, %dma_start3A_273] : memref<2x125x16xf32, #tpu.memory_space<vmem>> -> memref<1x125x16xf32, #tpu.memory_space<vmem>>
      %dma_start3A_275 = tpu.memref_squeeze %dma_start3A_274 : memref<1x125x16xf32, #tpu.memory_space<vmem>> -> memref<125x16xf32, #tpu.memory_space<vmem>>
      tpu.enqueue_dma source(%dma_start3A_275 : memref<125x16xf32, #tpu.memory_space<vmem>>) target(%dma_start3A_271 : memref<125x16xf32, #tpu.memory_space<hbm>>) target_semaphore(%arg24 : memref<!tpu.dma_semaphore, #tpu.memory_space<semaphore_mem>>)
      %dma_start3A_276 = arith.constant 1 : i32
      %dma_start3A_277 = arith.constant 0 : i32
      %dma_start3A_278 = arith.constant 0 : i32
      %dma_start3A_279 = tpu.memref_slice %arg14[%dma_start3A_276, %dma_start3A_277, %dma_start3A_278] : memref<2x125x16xf32, #tpu.memory_space<vmem>> -> memref<1x125x16xf32, #tpu.memory_space<vmem>>
      %dma_start3A_280 = tpu.memref_squeeze %dma_start3A_279 : memref<1x125x16xf32, #tpu.memory_space<vmem>> -> memref<125x16xf32, #tpu.memory_space<vmem>>
      %dma_start3A_281 = arith.constant 0 : i32
      %dma_start3A_282 = tpu.memref_slice %arg10[%add3A_203, %dma_start3A_281] : memref<40x125xi32, #tpu.memory_space<vmem>> -> memref<1x125xi32, #tpu.memory_space<vmem>>
      %dma_start3A_283 = tpu.memref_squeeze %dma_start3A_282 : memref<1x125xi32, #tpu.memory_space<vmem>> -> memref<125xi32, #tpu.memory_space<vmem>>
      %dma_start3A_284 = arith.constant 0 : i32
      %dma_start3A_285 = arith.constant 0 : i32
      %dma_start3A_286 = tpu.memref_slice %arg16[%dma_start3A_284, %dma_start3A_285] : memref<10240x16xf32, #tpu.memory_space<vmem_shared>> -> memref<10240x16xf32, #tpu.memory_space<vmem_shared>>
      tpu.enqueue_indirect_dma source(%dma_start3A_280 : memref<125x16xf32, #tpu.memory_space<vmem>>) target(%dma_start3A_286 : memref<10240x16xf32, #tpu.memory_space<vmem_shared>>) offsets(%dma_start3A_283 : memref<125xi32, #tpu.memory_space<vmem>>) semaphore(%arg26 : memref<!tpu.dma_semaphore, #tpu.memory_space<semaphore_mem>>) {add = true}
    }
    %scan3A_59 = arith.constant 20 : i32
    %add3A_60 = arith.constant 4750 : i32
    %add3A_61 = arith.addi %mul3A_13, %add3A_60 : i32
    %dma_wait3A = arith.constant 0 : i32
    %dma_wait3A_62 = arith.constant 0 : i32
    %dma_wait3A_63 = arith.constant 0 : i32
    %dma_wait3A_64 = tpu.memref_slice %arg14[%dma_wait3A, %dma_wait3A_62, %dma_wait3A_63] : memref<2x125x16xf32, #tpu.memory_space<vmem>> -> memref<1x125x16xf32, #tpu.memory_space<vmem>>
    %dma_wait3A_65 = tpu.memref_squeeze %dma_wait3A_64 : memref<1x125x16xf32, #tpu.memory_space<vmem>> -> memref<125x16xf32, #tpu.memory_space<vmem>>
    %dma_wait3A_66 = arith.constant 0 : i32
    %dma_wait3A_67 = tpu.memref_slice %arg7[%add3A_61, %dma_wait3A_66] : memref<160000x16xf32, #tpu.memory_space<hbm>> -> memref<125x16xf32, #tpu.memory_space<hbm>>
    %dma_wait3A_68 = arith.constant 0 : i32
    %dma_wait3A_69 = tpu.memref_slice %arg7[%add3A_61, %dma_wait3A_68] : memref<160000x16xf32, #tpu.memory_space<hbm>> -> memref<125x16xf32, #tpu.memory_space<hbm>>
    %dma_wait3A_70 = arith.constant 0 : i32
    %dma_wait3A_71 = arith.constant 0 : i32
    %dma_wait3A_72 = tpu.memref_slice %arg14[%dma_wait3A, %dma_wait3A_70, %dma_wait3A_71] : memref<2x125x16xf32, #tpu.memory_space<vmem>> -> memref<1x125x16xf32, #tpu.memory_space<vmem>>
    %dma_wait3A_73 = tpu.memref_squeeze %dma_wait3A_72 : memref<1x125x16xf32, #tpu.memory_space<vmem>> -> memref<125x16xf32, #tpu.memory_space<vmem>>
    tpu.wait_dma2 semaphore(%arg23 : memref<!tpu.dma_semaphore, #tpu.memory_space<semaphore_mem>>) src(%dma_wait3A_73 : memref<125x16xf32, #tpu.memory_space<vmem>>) dst(%dma_wait3A_69 : memref<125x16xf32, #tpu.memory_space<hbm>>)
    %dma_wait3A_74 = arith.constant 0 : i32
    %dma_wait3A_75 = arith.constant 38 : i32
    %dma_wait3A_76 = arith.constant 0 : i32
    %dma_wait3A_77 = arith.constant 0 : i32
    %dma_wait3A_78 = tpu.memref_slice %arg14[%dma_wait3A_74, %dma_wait3A_76, %dma_wait3A_77] : memref<2x125x16xf32, #tpu.memory_space<vmem>> -> memref<1x125x16xf32, #tpu.memory_space<vmem>>
    %dma_wait3A_79 = tpu.memref_squeeze %dma_wait3A_78 : memref<1x125x16xf32, #tpu.memory_space<vmem>> -> memref<125x16xf32, #tpu.memory_space<vmem>>
    %dma_wait3A_80 = arith.constant 0 : i32
    %dma_wait3A_81 = tpu.memref_slice %arg10[%dma_wait3A_75, %dma_wait3A_80] : memref<40x125xi32, #tpu.memory_space<vmem>> -> memref<1x125xi32, #tpu.memory_space<vmem>>
    %dma_wait3A_82 = tpu.memref_squeeze %dma_wait3A_81 : memref<1x125xi32, #tpu.memory_space<vmem>> -> memref<125xi32, #tpu.memory_space<vmem>>
    %dma_wait3A_83 = arith.constant 0 : i32
    %dma_wait3A_84 = arith.constant 0 : i32
    %dma_wait3A_85 = tpu.memref_slice %arg16[%dma_wait3A_83, %dma_wait3A_84] : memref<10240x16xf32, #tpu.memory_space<vmem_shared>> -> memref<10240x16xf32, #tpu.memory_space<vmem_shared>>
    tpu.wait_indirect_dma semaphore(%arg25 : memref<!tpu.dma_semaphore, #tpu.memory_space<semaphore_mem>>) src(%dma_wait3A_79 : memref<125x16xf32, #tpu.memory_space<vmem>>) dst(%dma_wait3A_85 : memref<10240x16xf32, #tpu.memory_space<vmem_shared>>)
    %add3A_86 = arith.constant 4875 : i32
    %add3A_87 = arith.addi %mul3A_13, %add3A_86 : i32
    %dma_wait3A_88 = arith.constant 1 : i32
    %dma_wait3A_89 = arith.constant 0 : i32
    %dma_wait3A_90 = arith.constant 0 : i32
    %dma_wait3A_91 = tpu.memref_slice %arg14[%dma_wait3A_88, %dma_wait3A_89, %dma_wait3A_90] : memref<2x125x16xf32, #tpu.memory_space<vmem>> -> memref<1x125x16xf32, #tpu.memory_space<vmem>>
    %dma_wait3A_92 = tpu.memref_squeeze %dma_wait3A_91 : memref<1x125x16xf32, #tpu.memory_space<vmem>> -> memref<125x16xf32, #tpu.memory_space<vmem>>
    %dma_wait3A_93 = arith.constant 0 : i32
    %dma_wait3A_94 = tpu.memref_slice %arg7[%add3A_87, %dma_wait3A_93] : memref<160000x16xf32, #tpu.memory_space<hbm>> -> memref<125x16xf32, #tpu.memory_space<hbm>>
    %dma_wait3A_95 = arith.constant 0 : i32
    %dma_wait3A_96 = tpu.memref_slice %arg7[%add3A_87, %dma_wait3A_95] : memref<160000x16xf32, #tpu.memory_space<hbm>> -> memref<125x16xf32, #tpu.memory_space<hbm>>
    %dma_wait3A_97 = arith.constant 0 : i32
    %dma_wait3A_98 = arith.constant 0 : i32
    %dma_wait3A_99 = tpu.memref_slice %arg14[%dma_wait3A_88, %dma_wait3A_97, %dma_wait3A_98] : memref<2x125x16xf32, #tpu.memory_space<vmem>> -> memref<1x125x16xf32, #tpu.memory_space<vmem>>
    %dma_wait3A_100 = tpu.memref_squeeze %dma_wait3A_99 : memref<1x125x16xf32, #tpu.memory_space<vmem>> -> memref<125x16xf32, #tpu.memory_space<vmem>>
    tpu.wait_dma2 semaphore(%arg24 : memref<!tpu.dma_semaphore, #tpu.memory_space<semaphore_mem>>) src(%dma_wait3A_100 : memref<125x16xf32, #tpu.memory_space<vmem>>) dst(%dma_wait3A_96 : memref<125x16xf32, #tpu.memory_space<hbm>>)
    %dma_wait3A_101 = arith.constant 1 : i32
    %dma_wait3A_102 = arith.constant 39 : i32
    %dma_wait3A_103 = arith.constant 0 : i32
    %dma_wait3A_104 = arith.constant 0 : i32
    %dma_wait3A_105 = tpu.memref_slice %arg14[%dma_wait3A_101, %dma_wait3A_103, %dma_wait3A_104] : memref<2x125x16xf32, #tpu.memory_space<vmem>> -> memref<1x125x16xf32, #tpu.memory_space<vmem>>
    %dma_wait3A_106 = tpu.memref_squeeze %dma_wait3A_105 : memref<1x125x16xf32, #tpu.memory_space<vmem>> -> memref<125x16xf32, #tpu.memory_space<vmem>>
    %dma_wait3A_107 = arith.constant 0 : i32
    %dma_wait3A_108 = tpu.memref_slice %arg10[%dma_wait3A_102, %dma_wait3A_107] : memref<40x125xi32, #tpu.memory_space<vmem>> -> memref<1x125xi32, #tpu.memory_space<vmem>>
    %dma_wait3A_109 = tpu.memref_squeeze %dma_wait3A_108 : memref<1x125xi32, #tpu.memory_space<vmem>> -> memref<125xi32, #tpu.memory_space<vmem>>
    %dma_wait3A_110 = arith.constant 0 : i32
    %dma_wait3A_111 = arith.constant 0 : i32
    %dma_wait3A_112 = tpu.memref_slice %arg16[%dma_wait3A_110, %dma_wait3A_111] : memref<10240x16xf32, #tpu.memory_space<vmem_shared>> -> memref<10240x16xf32, #tpu.memory_space<vmem_shared>>
    tpu.wait_indirect_dma semaphore(%arg26 : memref<!tpu.dma_semaphore, #tpu.memory_space<semaphore_mem>>) src(%dma_wait3A_106 : memref<125x16xf32, #tpu.memory_space<vmem>>) dst(%dma_wait3A_112 : memref<10240x16xf32, #tpu.memory_space<vmem_shared>>)
    %barrier3A_113 = arith.constant 0 : index
    tpu.barrier barrier_id(%barrier3A_113)
    %mul3A_114 = arith.constant 640 : i32
    %mul3A_115 = arith.muli %arg1, %mul3A_114 : i32
    "tpu.region"() ({
      %run_scoped3A = tpu.sem_alloc : memref<!tpu.dma_semaphore, #tpu.memory_space<semaphore_mem>>
      %dma_start3A_116 = arith.constant 0 : i32
      %dma_start3A_117 = arith.constant 0 : i32
      %dma_start3A_118 = tpu.memref_slice %arg8[%arg0, %dma_start3A_116, %dma_start3A_117] : memref<2x10240x16xf32, #tpu.memory_space<hbm>> -> memref<1x10240x16xf32, #tpu.memory_space<hbm>>
      %dma_start3A_119 = tpu.memref_squeeze %dma_start3A_118 : memref<1x10240x16xf32, #tpu.memory_space<hbm>> -> memref<10240x16xf32, #tpu.memory_space<hbm>>
      %dma_start3A_120 = arith.constant 0 : i32
      %dma_start3A_121 = tpu.memref_slice %dma_start3A_119[%mul3A_115, %dma_start3A_120] : memref<10240x16xf32, #tpu.memory_space<hbm>> -> memref<640x16xf32, #tpu.memory_space<hbm>>
      %dma_start3A_122 = arith.constant 0 : i32
      %dma_start3A_123 = tpu.memref_slice %arg16[%mul3A_115, %dma_start3A_122] : memref<10240x16xf32, #tpu.memory_space<vmem_shared>> -> memref<640x16xf32, #tpu.memory_space<vmem_shared>>
      tpu.enqueue_dma source(%dma_start3A_123 : memref<640x16xf32, #tpu.memory_space<vmem_shared>>) target(%dma_start3A_121 : memref<640x16xf32, #tpu.memory_space<hbm>>) target_semaphore(%run_scoped3A : memref<!tpu.dma_semaphore, #tpu.memory_space<semaphore_mem>>)
      %dma_wait3A_124 = arith.constant 0 : i32
      %dma_wait3A_125 = arith.constant 0 : i32
      %dma_wait3A_126 = tpu.memref_slice %arg8[%arg0, %dma_wait3A_124, %dma_wait3A_125] : memref<2x10240x16xf32, #tpu.memory_space<hbm>> -> memref<1x10240x16xf32, #tpu.memory_space<hbm>>
      %dma_wait3A_127 = tpu.memref_squeeze %dma_wait3A_126 : memref<1x10240x16xf32, #tpu.memory_space<hbm>> -> memref<10240x16xf32, #tpu.memory_space<hbm>>
      %dma_wait3A_128 = arith.constant 0 : i32
      %dma_wait3A_129 = tpu.memref_slice %dma_wait3A_127[%mul3A_115, %dma_wait3A_128] : memref<10240x16xf32, #tpu.memory_space<hbm>> -> memref<640x16xf32, #tpu.memory_space<hbm>>
      %dma_wait3A_130 = arith.constant 0 : i32
      %dma_wait3A_131 = tpu.memref_slice %arg16[%mul3A_115, %dma_wait3A_130] : memref<10240x16xf32, #tpu.memory_space<vmem_shared>> -> memref<640x16xf32, #tpu.memory_space<vmem_shared>>
      tpu.wait_dma2 semaphore(%run_scoped3A : memref<!tpu.dma_semaphore, #tpu.memory_space<semaphore_mem>>) src(%dma_wait3A_131 : memref<640x16xf32, #tpu.memory_space<vmem_shared>>) dst(%dma_wait3A_129 : memref<640x16xf32, #tpu.memory_space<hbm>>)
      tpu.yield
    }) : () -> ()
    return
  }
}

#map = affine_map<(d0, d1) -> (0, 0)>
#map1 = affine_map<(d0, d1) -> (0, 0, 0)>
module attributes {stable_mosaic.version = 14 : i64} {
  func.func @_sc_body(%arg0: i32, %arg1: i32, %arg2: memref<10000x16xf32, #tpu.memory_space<hbm>>, %arg3: memref<10000x16xf32, #tpu.memory_space<hbm>>, %arg4: memref<320000x16xf32, #tpu.memory_space<hbm>>, %arg5: memref<2560x125xi32, #tpu.memory_space<hbm>>, %arg6: memref<2560x125xi32, #tpu.memory_space<hbm>>, %arg7: memref<160000x16xf32, #tpu.memory_space<hbm>>, %arg8: memref<2x10240x16xf32, #tpu.memory_space<hbm>>, %arg9: memref<40x125xi32, #tpu.memory_space<vmem>>, %arg10: memref<40x125xi32, #tpu.memory_space<vmem>>, %arg11: memref<2x125x16xf32, #tpu.memory_space<vmem>>, %arg12: memref<2x125x16xf32, #tpu.memory_space<vmem>>, %arg13: memref<2x125x16xf32, #tpu.memory_space<vmem>>, %arg14: memref<2x125x16xf32, #tpu.memory_space<vmem>>, %arg15: memref<640x16xf32, #tpu.memory_space<vmem>>, %arg16: memref<10240x16xf32, #tpu.memory_space<vmem_shared>>, %arg17: memref<!tpu.dma_semaphore, #tpu.memory_space<semaphore_mem>>, %arg18: memref<!tpu.dma_semaphore, #tpu.memory_space<semaphore_mem>>, %arg19: memref<!tpu.dma_semaphore, #tpu.memory_space<semaphore_mem>>, %arg20: memref<!tpu.dma_semaphore, #tpu.memory_space<semaphore_mem>>, %arg21: memref<!tpu.dma_semaphore, #tpu.memory_space<semaphore_mem>>, %arg22: memref<!tpu.dma_semaphore, #tpu.memory_space<semaphore_mem>>, %arg23: memref<!tpu.dma_semaphore, #tpu.memory_space<semaphore_mem>>, %arg24: memref<!tpu.dma_semaphore, #tpu.memory_space<semaphore_mem>>, %arg25: memref<!tpu.dma_semaphore, #tpu.memory_space<semaphore_mem>>, %arg26: memref<!tpu.dma_semaphore, #tpu.memory_space<semaphore_mem>>) attributes {dimension_semantics = [#tpu.dimension_semantics<core_parallel>, #tpu.dimension_semantics<subcore_parallel>], iteration_bounds = array<i64: 2, 16>, scalar_prefetch = 0 : i64, scratch_operands = 18 : i64, tpu.core_type = #tpu.core_type<sc_vector_subcore>, window_params = [{transform_indices = #map}, {transform_indices = #map}, {transform_indices = #map}, {transform_indices = #map}, {transform_indices = #map}, {transform_indices = #map}, {transform_indices = #map1}]} {
    %mul3A = arith.constant 2 : i32
    %mul3A_0 = arith.muli %arg1, %mul3A : i32
    %add3A = arith.addi %mul3A_0, %arg0 : i32
    %scan3A = arith.constant 0 : i32
    %scan3A_1 = arith.constant 0 : i32
    %scan3A_2 = arith.constant 640 : i32
    %scan3A_3 = arith.addi %scan3A_1, %scan3A_2 : i32
    %scan3A_4 = arith.constant 1 : i32
    scf.for %scan3A_116 = %scan3A_1 to %scan3A_3 step %scan3A_4  : i32 {
      %broadcast_in_dim3A = arith.constant 0.000000e+00 : f32
      %broadcast_in_dim3A_117 = vector.broadcast %broadcast_in_dim3A : f32 to vector<16xf32>
      %swap3A = arith.index_cast %scan3A_116 : i32 to index
      %swap3A_118 = arith.constant 0 : index
      %swap3A_119 = tpu.vector_load %arg15[%swap3A, %swap3A_118] {strides = array<i32>} : memref<640x16xf32, #tpu.memory_space<vmem>>, vector<1x16xf32>,
      %swap3A_120 = vector.shape_cast %swap3A_119 : vector<1x16xf32> to vector<16xf32>
      %swap3A_121 = vector.shape_cast %broadcast_in_dim3A_117 : vector<16xf32> to vector<1x16xf32>
      tpu.vector_store %arg15[%swap3A, %swap3A_118], %swap3A_121 {strides = array<i32>} : memref<640x16xf32, #tpu.memory_space<vmem>>, vector<1x16xf32>,
    }
    %scan3A_5 = arith.constant 640 : i32
    %mul3A_6 = arith.constant 640 : i32
    %mul3A_7 = arith.muli %arg1, %mul3A_6 : i32
    "tpu.region"() ({
      %run_scoped3A = tpu.sem_alloc : memref<!tpu.dma_semaphore, #tpu.memory_space<semaphore_mem>>
      %dma_start3A_116 = arith.constant 0 : i32
      %dma_start3A_117 = tpu.memref_slice %arg16[%mul3A_7, %dma_start3A_116] : memref<10240x16xf32, #tpu.memory_space<vmem_shared>> -> memref<640x16xf32, #tpu.memory_space<vmem_shared>>
      %dma_start3A_118 = arith.constant 0 : i32
      %dma_start3A_119 = tpu.memref_slice %arg16[%mul3A_7, %dma_start3A_118] : memref<10240x16xf32, #tpu.memory_space<vmem_shared>> -> memref<640x16xf32, #tpu.memory_space<vmem_shared>>
      tpu.enqueue_dma source(%arg15 : memref<640x16xf32, #tpu.memory_space<vmem>>) target(%dma_start3A_119 : memref<640x16xf32, #tpu.memory_space<vmem_shared>>) target_semaphore(%run_scoped3A : memref<!tpu.dma_semaphore, #tpu.memory_space<semaphore_mem>>)
      %dma_wait3A_120 = arith.constant 0 : i32
      %dma_wait3A_121 = tpu.memref_slice %arg16[%mul3A_7, %dma_wait3A_120] : memref<10240x16xf32, #tpu.memory_space<vmem_shared>> -> memref<640x16xf32, #tpu.memory_space<vmem_shared>>
      %dma_wait3A_122 = arith.constant 0 : i32
      %dma_wait3A_123 = tpu.memref_slice %arg16[%mul3A_7, %dma_wait3A_122] : memref<10240x16xf32, #tpu.memory_space<vmem_shared>> -> memref<640x16xf32, #tpu.memory_space<vmem_shared>>
      tpu.wait_dma2 semaphore(%run_scoped3A : memref<!tpu.dma_semaphore, #tpu.memory_space<semaphore_mem>>) src(%arg15 : memref<640x16xf32, #tpu.memory_space<vmem>>) dst(%dma_wait3A_123 : memref<640x16xf32, #tpu.memory_space<vmem_shared>>)
      tpu.yield
    }) : () -> ()
    %mul3A_8 = arith.constant 40 : i32
    %mul3A_9 = arith.muli %add3A, %mul3A_8 : i32
    %add3A_10 = arith.constant 1280 : i32
    %add3A_11 = arith.addi %add3A_10, %mul3A_9 : i32
    "tpu.region"() ({
      %run_scoped3A = tpu.sem_alloc : memref<!tpu.dma_semaphore, #tpu.memory_space<semaphore_mem>>
      %dma_start3A_116 = arith.constant 0 : i32
      %dma_start3A_117 = tpu.memref_slice %arg5[%add3A_11, %dma_start3A_116] : memref<2560x125xi32, #tpu.memory_space<hbm>> -> memref<40x125xi32, #tpu.memory_space<hbm>>
      %dma_start3A_118 = arith.constant 0 : i32
      %dma_start3A_119 = tpu.memref_slice %arg5[%add3A_11, %dma_start3A_118] : memref<2560x125xi32, #tpu.memory_space<hbm>> -> memref<40x125xi32, #tpu.memory_space<hbm>>
      tpu.enqueue_dma source(%dma_start3A_119 : memref<40x125xi32, #tpu.memory_space<hbm>>) target(%arg9 : memref<40x125xi32, #tpu.memory_space<vmem>>) target_semaphore(%run_scoped3A : memref<!tpu.dma_semaphore, #tpu.memory_space<semaphore_mem>>)
      %dma_wait3A_120 = arith.constant 0 : i32
      %dma_wait3A_121 = tpu.memref_slice %arg5[%add3A_11, %dma_wait3A_120] : memref<2560x125xi32, #tpu.memory_space<hbm>> -> memref<40x125xi32, #tpu.memory_space<hbm>>
      %dma_wait3A_122 = arith.constant 0 : i32
      %dma_wait3A_123 = tpu.memref_slice %arg5[%add3A_11, %dma_wait3A_122] : memref<2560x125xi32, #tpu.memory_space<hbm>> -> memref<40x125xi32, #tpu.memory_space<hbm>>
      tpu.wait_dma2 semaphore(%run_scoped3A : memref<!tpu.dma_semaphore, #tpu.memory_space<semaphore_mem>>) src(%dma_wait3A_123 : memref<40x125xi32, #tpu.memory_space<hbm>>) dst(%arg9 : memref<40x125xi32, #tpu.memory_space<vmem>>)
      tpu.yield
    }) : () -> ()
    "tpu.region"() ({
      %run_scoped3A = tpu.sem_alloc : memref<!tpu.dma_semaphore, #tpu.memory_space<semaphore_mem>>
      %dma_start3A_116 = arith.constant 0 : i32
      %dma_start3A_117 = tpu.memref_slice %arg6[%add3A_11, %dma_start3A_116] : memref<2560x125xi32, #tpu.memory_space<hbm>> -> memref<40x125xi32, #tpu.memory_space<hbm>>
      %dma_start3A_118 = arith.constant 0 : i32
      %dma_start3A_119 = tpu.memref_slice %arg6[%add3A_11, %dma_start3A_118] : memref<2560x125xi32, #tpu.memory_space<hbm>> -> memref<40x125xi32, #tpu.memory_space<hbm>>
      tpu.enqueue_dma source(%dma_start3A_119 : memref<40x125xi32, #tpu.memory_space<hbm>>) target(%arg10 : memref<40x125xi32, #tpu.memory_space<vmem>>) target_semaphore(%run_scoped3A : memref<!tpu.dma_semaphore, #tpu.memory_space<semaphore_mem>>)
      %dma_wait3A_120 = arith.constant 0 : i32
      %dma_wait3A_121 = tpu.memref_slice %arg6[%add3A_11, %dma_wait3A_120] : memref<2560x125xi32, #tpu.memory_space<hbm>> -> memref<40x125xi32, #tpu.memory_space<hbm>>
      %dma_wait3A_122 = arith.constant 0 : i32
      %dma_wait3A_123 = tpu.memref_slice %arg6[%add3A_11, %dma_wait3A_122] : memref<2560x125xi32, #tpu.memory_space<hbm>> -> memref<40x125xi32, #tpu.memory_space<hbm>>
      tpu.wait_dma2 semaphore(%run_scoped3A : memref<!tpu.dma_semaphore, #tpu.memory_space<semaphore_mem>>) src(%dma_wait3A_123 : memref<40x125xi32, #tpu.memory_space<hbm>>) dst(%arg10 : memref<40x125xi32, #tpu.memory_space<vmem>>)
      tpu.yield
    }) : () -> ()
    %barrier3A = arith.constant 0 : index
    tpu.barrier barrier_id(%barrier3A)
    %mul3A_12 = arith.constant 5000 : i32
    %mul3A_13 = arith.muli %add3A, %mul3A_12 : i32
    %add3A_14 = arith.constant 160000 : i32
    %add3A_15 = arith.addi %add3A_14, %mul3A_13 : i32
    %add3A_16 = arith.constant 0 : i32
    %add3A_17 = arith.addi %add3A_15, %add3A_16 : i32
    %dma_start3A = arith.constant 0 : i32
    %dma_start3A_18 = arith.constant 0 : i32
    %dma_start3A_19 = arith.constant 0 : i32
    %dma_start3A_20 = tpu.memref_slice %arg13[%dma_start3A, %dma_start3A_18, %dma_start3A_19] : memref<2x125x16xf32, #tpu.memory_space<vmem>> -> memref<1x125x16xf32, #tpu.memory_space<vmem>>
    %dma_start3A_21 = tpu.memref_squeeze %dma_start3A_20 : memref<1x125x16xf32, #tpu.memory_space<vmem>> -> memref<125x16xf32, #tpu.memory_space<vmem>>
    %dma_start3A_22 = arith.constant 0 : i32
    %dma_start3A_23 = tpu.memref_slice %arg4[%add3A_17, %dma_start3A_22] : memref<320000x16xf32, #tpu.memory_space<hbm>> -> memref<125x16xf32, #tpu.memory_space<hbm>>
    %dma_start3A_24 = arith.constant 0 : i32
    %dma_start3A_25 = arith.constant 0 : i32
    %dma_start3A_26 = tpu.memref_slice %arg13[%dma_start3A, %dma_start3A_24, %dma_start3A_25] : memref<2x125x16xf32, #tpu.memory_space<vmem>> -> memref<1x125x16xf32, #tpu.memory_space<vmem>>
    %dma_start3A_27 = tpu.memref_squeeze %dma_start3A_26 : memref<1x125x16xf32, #tpu.memory_space<vmem>> -> memref<125x16xf32, #tpu.memory_space<vmem>>
    %dma_start3A_28 = arith.constant 0 : i32
    %dma_start3A_29 = tpu.memref_slice %arg4[%add3A_17, %dma_start3A_28] : memref<320000x16xf32, #tpu.memory_space<hbm>> -> memref<125x16xf32, #tpu.memory_space<hbm>>
    tpu.enqueue_dma source(%dma_start3A_29 : memref<125x16xf32, #tpu.memory_space<hbm>>) target(%dma_start3A_27 : memref<125x16xf32, #tpu.memory_space<vmem>>) target_semaphore(%arg19 : memref<!tpu.dma_semaphore, #tpu.memory_space<semaphore_mem>>)
    %dma_start3A_30 = arith.constant 0 : i32
    %dma_start3A_31 = arith.constant 0 : i32
    %dma_start3A_32 = arith.constant 0 : i32
    %dma_start3A_33 = arith.constant 0 : i32
    %dma_start3A_34 = tpu.memref_slice %arg11[%dma_start3A_31, %dma_start3A_32, %dma_start3A_33] : memref<2x125x16xf32, #tpu.memory_space<vmem>> -> memref<1x125x16xf32, #tpu.memory_space<vmem>>
    %dma_start3A_35 = tpu.memref_squeeze %dma_start3A_34 : memref<1x125x16xf32, #tpu.memory_space<vmem>> -> memref<125x16xf32, #tpu.memory_space<vmem>>
    %dma_start3A_36 = arith.constant 0 : i32
    %dma_start3A_37 = tpu.memref_slice %arg9[%dma_start3A_30, %dma_start3A_36] : memref<40x125xi32, #tpu.memory_space<vmem>> -> memref<1x125xi32, #tpu.memory_space<vmem>>
    %dma_start3A_38 = tpu.memref_squeeze %dma_start3A_37 : memref<1x125xi32, #tpu.memory_space<vmem>> -> memref<125xi32, #tpu.memory_space<vmem>>
    %dma_start3A_39 = arith.constant 0 : i32
    %dma_start3A_40 = arith.constant 0 : i32
    %dma_start3A_41 = tpu.memref_slice %arg2[%dma_start3A_39, %dma_start3A_40] : memref<10000x16xf32, #tpu.memory_space<hbm>> -> memref<10000x16xf32, #tpu.memory_space<hbm>>
    tpu.enqueue_indirect_dma source(%dma_start3A_41 : memref<10000x16xf32, #tpu.memory_space<hbm>>) target(%dma_start3A_35 : memref<125x16xf32, #tpu.memory_space<vmem>>) offsets(%dma_start3A_38 : memref<125xi32, #tpu.memory_space<vmem>>) semaphore(%arg17 : memref<!tpu.dma_semaphore, #tpu.memory_space<semaphore_mem>>)
    %dma_start3A_42 = arith.constant 0 : i32
    %dma_start3A_43 = arith.constant 0 : i32
    %dma_start3A_44 = arith.constant 0 : i32
    %dma_start3A_45 = arith.constant 0 : i32
    %dma_start3A_46 = tpu.memref_slice %arg12[%dma_start3A_43, %dma_start3A_44, %dma_start3A_45] : memref<2x125x16xf32, #tpu.memory_space<vmem>> -> memref<1x125x16xf32, #tpu.memory_space<vmem>>
    %dma_start3A_47 = tpu.memref_squeeze %dma_start3A_46 : memref<1x125x16xf32, #tpu.memory_space<vmem>> -> memref<125x16xf32, #tpu.memory_space<vmem>>
    %dma_start3A_48 = arith.constant 0 : i32
    %dma_start3A_49 = tpu.memref_slice %arg10[%dma_start3A_42, %dma_start3A_48] : memref<40x125xi32, #tpu.memory_space<vmem>> -> memref<1x125xi32, #tpu.memory_space<vmem>>
    %dma_start3A_50 = tpu.memref_squeeze %dma_start3A_49 : memref<1x125xi32, #tpu.memory_space<vmem>> -> memref<125xi32, #tpu.memory_space<vmem>>
    %dma_start3A_51 = arith.constant 0 : i32
    %dma_start3A_52 = arith.constant 0 : i32
    %dma_start3A_53 = tpu.memref_slice %arg3[%dma_start3A_51, %dma_start3A_52] : memref<10000x16xf32, #tpu.memory_space<hbm>> -> memref<10000x16xf32, #tpu.memory_space<hbm>>
    tpu.enqueue_indirect_dma source(%dma_start3A_53 : memref<10000x16xf32, #tpu.memory_space<hbm>>) target(%dma_start3A_47 : memref<125x16xf32, #tpu.memory_space<vmem>>) offsets(%dma_start3A_50 : memref<125xi32, #tpu.memory_space<vmem>>) semaphore(%arg21 : memref<!tpu.dma_semaphore, #tpu.memory_space<semaphore_mem>>)
    %scan3A_54 = arith.constant 0 : i32
    %scan3A_55 = arith.constant 0 : i32
    %scan3A_56 = arith.constant 20 : i32
    %scan3A_57 = arith.addi %scan3A_55, %scan3A_56 : i32
    %scan3A_58 = arith.constant 1 : i32
    scf.for %scan3A_116 = %scan3A_55 to %scan3A_57 step %scan3A_58  : i32 {
      %mul3A_117 = arith.constant 2 : i32
      %mul3A_118 = arith.muli %mul3A_117, %scan3A_116 : i32
      %add3A_119 = arith.constant 0 : i32
      %add3A_120 = arith.addi %mul3A_118, %add3A_119 : i32
      %add3A_121 = arith.constant 1 : i32
      %add3A_122 = arith.addi %add3A_120, %add3A_121 : i32
      %lt3A = arith.constant 40 : i32
      %lt3A_123 = arith.cmpi slt, %add3A_122, %lt3A : i32
      %convert_element_type3A = arith.extui %lt3A_123 : i1 to i32
      %cond3A = arith.constant 0 : i32
      %cond3A_124 = arith.cmpi ne, %convert_element_type3A, %cond3A : i32
      scf.if %cond3A_124 {
        %add3A_287 = arith.constant 1 : i32
        %add3A_288 = arith.addi %add3A_120, %add3A_287 : i32
        %mul3A_289 = arith.constant 125 : i32
        %mul3A_290 = arith.muli %add3A_288, %mul3A_289 : i32
        %add3A_291 = arith.addi %add3A_15, %mul3A_290 : i32
        %dma_start3A_292 = arith.constant 1 : i32
        %dma_start3A_293 = arith.constant 0 : i32
        %dma_start3A_294 = arith.constant 0 : i32
        %dma_start3A_295 = tpu.memref_slice %arg13[%dma_start3A_292, %dma_start3A_293, %dma_start3A_294] : memref<2x125x16xf32, #tpu.memory_space<vmem>> -> memref<1x125x16xf32, #tpu.memory_space<vmem>>
        %dma_start3A_296 = tpu.memref_squeeze %dma_start3A_295 : memref<1x125x16xf32, #tpu.memory_space<vmem>> -> memref<125x16xf32, #tpu.memory_space<vmem>>
        %dma_start3A_297 = arith.constant 0 : i32
        %dma_start3A_298 = tpu.memref_slice %arg4[%add3A_291, %dma_start3A_297] : memref<320000x16xf32, #tpu.memory_space<hbm>> -> memref<125x16xf32, #tpu.memory_space<hbm>>
        %dma_start3A_299 = arith.constant 0 : i32
        %dma_start3A_300 = arith.constant 0 : i32
        %dma_start3A_301 = tpu.memref_slice %arg13[%dma_start3A_292, %dma_start3A_299, %dma_start3A_300] : memref<2x125x16xf32, #tpu.memory_space<vmem>> -> memref<1x125x16xf32, #tpu.memory_space<vmem>>
        %dma_start3A_302 = tpu.memref_squeeze %dma_start3A_301 : memref<1x125x16xf32, #tpu.memory_space<vmem>> -> memref<125x16xf32, #tpu.memory_space<vmem>>
        %dma_start3A_303 = arith.constant 0 : i32
        %dma_start3A_304 = tpu.memref_slice %arg4[%add3A_291, %dma_start3A_303] : memref<320000x16xf32, #tpu.memory_space<hbm>> -> memref<125x16xf32, #tpu.memory_space<hbm>>
        tpu.enqueue_dma source(%dma_start3A_304 : memref<125x16xf32, #tpu.memory_space<hbm>>) target(%dma_start3A_302 : memref<125x16xf32, #tpu.memory_space<vmem>>) target_semaphore(%arg20 : memref<!tpu.dma_semaphore, #tpu.memory_space<semaphore_mem>>)
        %dma_start3A_305 = arith.constant 1 : i32
        %dma_start3A_306 = arith.constant 0 : i32
        %dma_start3A_307 = arith.constant 0 : i32
        %dma_start3A_308 = tpu.memref_slice %arg11[%dma_start3A_305, %dma_start3A_306, %dma_start3A_307] : memref<2x125x16xf32, #tpu.memory_space<vmem>> -> memref<1x125x16xf32, #tpu.memory_space<vmem>>
        %dma_start3A_309 = tpu.memref_squeeze %dma_start3A_308 : memref<1x125x16xf32, #tpu.memory_space<vmem>> -> memref<125x16xf32, #tpu.memory_space<vmem>>
        %dma_start3A_310 = arith.constant 0 : i32
        %dma_start3A_311 = tpu.memref_slice %arg9[%add3A_288, %dma_start3A_310] : memref<40x125xi32, #tpu.memory_space<vmem>> -> memref<1x125xi32, #tpu.memory_space<vmem>>
        %dma_start3A_312 = tpu.memref_squeeze %dma_start3A_311 : memref<1x125xi32, #tpu.memory_space<vmem>> -> memref<125xi32, #tpu.memory_space<vmem>>
        %dma_start3A_313 = arith.constant 0 : i32
        %dma_start3A_314 = arith.constant 0 : i32
        %dma_start3A_315 = tpu.memref_slice %arg2[%dma_start3A_313, %dma_start3A_314] : memref<10000x16xf32, #tpu.memory_space<hbm>> -> memref<10000x16xf32, #tpu.memory_space<hbm>>
        tpu.enqueue_indirect_dma source(%dma_start3A_315 : memref<10000x16xf32, #tpu.memory_space<hbm>>) target(%dma_start3A_309 : memref<125x16xf32, #tpu.memory_space<vmem>>) offsets(%dma_start3A_312 : memref<125xi32, #tpu.memory_space<vmem>>) semaphore(%arg18 : memref<!tpu.dma_semaphore, #tpu.memory_space<semaphore_mem>>)
        %dma_start3A_316 = arith.constant 1 : i32
        %dma_start3A_317 = arith.constant 0 : i32
        %dma_start3A_318 = arith.constant 0 : i32
        %dma_start3A_319 = tpu.memref_slice %arg12[%dma_start3A_316, %dma_start3A_317, %dma_start3A_318] : memref<2x125x16xf32, #tpu.memory_space<vmem>> -> memref<1x125x16xf32, #tpu.memory_space<vmem>>
        %dma_start3A_320 = tpu.memref_squeeze %dma_start3A_319 : memref<1x125x16xf32, #tpu.memory_space<vmem>> -> memref<125x16xf32, #tpu.memory_space<vmem>>
        %dma_start3A_321 = arith.constant 0 : i32
        %dma_start3A_322 = tpu.memref_slice %arg10[%add3A_288, %dma_start3A_321] : memref<40x125xi32, #tpu.memory_space<vmem>> -> memref<1x125xi32, #tpu.memory_space<vmem>>
        %dma_start3A_323 = tpu.memref_squeeze %dma_start3A_322 : memref<1x125xi32, #tpu.memory_space<vmem>> -> memref<125xi32, #tpu.memory_space<vmem>>
        %dma_start3A_324 = arith.constant 0 : i32
        %dma_start3A_325 = arith.constant 0 : i32
        %dma_start3A_326 = tpu.memref_slice %arg3[%dma_start3A_324, %dma_start3A_325] : memref<10000x16xf32, #tpu.memory_space<hbm>> -> memref<10000x16xf32, #tpu.memory_space<hbm>>
        tpu.enqueue_indirect_dma source(%dma_start3A_326 : memref<10000x16xf32, #tpu.memory_space<hbm>>) target(%dma_start3A_320 : memref<125x16xf32, #tpu.memory_space<vmem>>) offsets(%dma_start3A_323 : memref<125xi32, #tpu.memory_space<vmem>>) semaphore(%arg22 : memref<!tpu.dma_semaphore, #tpu.memory_space<semaphore_mem>>)
      } else {
      }
      %mul3A_125 = arith.constant 125 : i32
      %mul3A_126 = arith.muli %add3A_120, %mul3A_125 : i32
      %add3A_127 = arith.addi %add3A_15, %mul3A_126 : i32
      %dma_wait3A_128 = arith.constant 0 : i32
      %dma_wait3A_129 = arith.constant 0 : i32
      %dma_wait3A_130 = arith.constant 0 : i32
      %dma_wait3A_131 = tpu.memref_slice %arg13[%dma_wait3A_128, %dma_wait3A_129, %dma_wait3A_130] : memref<2x125x16xf32, #tpu.memory_space<vmem>> -> memref<1x125x16xf32, #tpu.memory_space<vmem>>
      %dma_wait3A_132 = tpu.memref_squeeze %dma_wait3A_131 : memref<1x125x16xf32, #tpu.memory_space<vmem>> -> memref<125x16xf32, #tpu.memory_space<vmem>>
      %dma_wait3A_133 = arith.constant 0 : i32
      %dma_wait3A_134 = tpu.memref_slice %arg4[%add3A_127, %dma_wait3A_133] : memref<320000x16xf32, #tpu.memory_space<hbm>> -> memref<125x16xf32, #tpu.memory_space<hbm>>
      %dma_wait3A_135 = arith.constant 0 : i32
      %dma_wait3A_136 = arith.constant 0 : i32
      %dma_wait3A_137 = tpu.memref_slice %arg13[%dma_wait3A_128, %dma_wait3A_135, %dma_wait3A_136] : memref<2x125x16xf32, #tpu.memory_space<vmem>> -> memref<1x125x16xf32, #tpu.memory_space<vmem>>
      %dma_wait3A_138 = tpu.memref_squeeze %dma_wait3A_137 : memref<1x125x16xf32, #tpu.memory_space<vmem>> -> memref<125x16xf32, #tpu.memory_space<vmem>>
      %dma_wait3A_139 = arith.constant 0 : i32
      %dma_wait3A_140 = tpu.memref_slice %arg4[%add3A_127, %dma_wait3A_139] : memref<320000x16xf32, #tpu.memory_space<hbm>> -> memref<125x16xf32, #tpu.memory_space<hbm>>
      tpu.wait_dma2 semaphore(%arg19 : memref<!tpu.dma_semaphore, #tpu.memory_space<semaphore_mem>>) src(%dma_wait3A_140 : memref<125x16xf32, #tpu.memory_space<hbm>>) dst(%dma_wait3A_138 : memref<125x16xf32, #tpu.memory_space<vmem>>)
      %dma_wait3A_141 = arith.constant 0 : i32
      %dma_wait3A_142 = arith.constant 0 : i32
      %dma_wait3A_143 = arith.constant 0 : i32
      %dma_wait3A_144 = tpu.memref_slice %arg11[%dma_wait3A_141, %dma_wait3A_142, %dma_wait3A_143] : memref<2x125x16xf32, #tpu.memory_space<vmem>> -> memref<1x125x16xf32, #tpu.memory_space<vmem>>
      %dma_wait3A_145 = tpu.memref_squeeze %dma_wait3A_144 : memref<1x125x16xf32, #tpu.memory_space<vmem>> -> memref<125x16xf32, #tpu.memory_space<vmem>>
      %dma_wait3A_146 = arith.constant 0 : i32
      %dma_wait3A_147 = tpu.memref_slice %arg9[%add3A_120, %dma_wait3A_146] : memref<40x125xi32, #tpu.memory_space<vmem>> -> memref<1x125xi32, #tpu.memory_space<vmem>>
      %dma_wait3A_148 = tpu.memref_squeeze %dma_wait3A_147 : memref<1x125xi32, #tpu.memory_space<vmem>> -> memref<125xi32, #tpu.memory_space<vmem>>
      %dma_wait3A_149 = arith.constant 0 : i32
      %dma_wait3A_150 = arith.constant 0 : i32
      %dma_wait3A_151 = tpu.memref_slice %arg2[%dma_wait3A_149, %dma_wait3A_150] : memref<10000x16xf32, #tpu.memory_space<hbm>> -> memref<10000x16xf32, #tpu.memory_space<hbm>>
      tpu.wait_indirect_dma semaphore(%arg17 : memref<!tpu.dma_semaphore, #tpu.memory_space<semaphore_mem>>) src(%dma_wait3A_151 : memref<10000x16xf32, #tpu.memory_space<hbm>>) dst(%dma_wait3A_145 : memref<125x16xf32, #tpu.memory_space<vmem>>)
      %dma_wait3A_152 = arith.constant 0 : i32
      %dma_wait3A_153 = arith.constant 0 : i32
      %dma_wait3A_154 = arith.constant 0 : i32
      %dma_wait3A_155 = tpu.memref_slice %arg12[%dma_wait3A_152, %dma_wait3A_153, %dma_wait3A_154] : memref<2x125x16xf32, #tpu.memory_space<vmem>> -> memref<1x125x16xf32, #tpu.memory_space<vmem>>
      %dma_wait3A_156 = tpu.memref_squeeze %dma_wait3A_155 : memref<1x125x16xf32, #tpu.memory_space<vmem>> -> memref<125x16xf32, #tpu.memory_space<vmem>>
      %dma_wait3A_157 = arith.constant 0 : i32
      %dma_wait3A_158 = tpu.memref_slice %arg10[%add3A_120, %dma_wait3A_157] : memref<40x125xi32, #tpu.memory_space<vmem>> -> memref<1x125xi32, #tpu.memory_space<vmem>>
      %dma_wait3A_159 = tpu.memref_squeeze %dma_wait3A_158 : memref<1x125xi32, #tpu.memory_space<vmem>> -> memref<125xi32, #tpu.memory_space<vmem>>
      %dma_wait3A_160 = arith.constant 0 : i32
      %dma_wait3A_161 = arith.constant 0 : i32
      %dma_wait3A_162 = tpu.memref_slice %arg3[%dma_wait3A_160, %dma_wait3A_161] : memref<10000x16xf32, #tpu.memory_space<hbm>> -> memref<10000x16xf32, #tpu.memory_space<hbm>>
      tpu.wait_indirect_dma semaphore(%arg21 : memref<!tpu.dma_semaphore, #tpu.memory_space<semaphore_mem>>) src(%dma_wait3A_162 : memref<10000x16xf32, #tpu.memory_space<hbm>>) dst(%dma_wait3A_156 : memref<125x16xf32, #tpu.memory_space<vmem>>)
      %ge3A = arith.constant 2 : i32
      %ge3A_163 = arith.cmpi sge, %add3A_120, %ge3A : i32
      %convert_element_type3A_164 = arith.extui %ge3A_163 : i1 to i32
      %cond3A_165 = arith.constant 0 : i32
      %cond3A_166 = arith.cmpi ne, %convert_element_type3A_164, %cond3A_165 : i32
      scf.if %cond3A_166 {
        %sub3A = arith.constant 2 : i32
        %sub3A_287 = arith.subi %add3A_120, %sub3A : i32
        %mul3A_288 = arith.constant 125 : i32
        %mul3A_289 = arith.muli %sub3A_287, %mul3A_288 : i32
        %add3A_290 = arith.addi %mul3A_13, %mul3A_289 : i32
        %dma_wait3A_291 = arith.constant 0 : i32
        %dma_wait3A_292 = arith.constant 0 : i32
        %dma_wait3A_293 = arith.constant 0 : i32
        %dma_wait3A_294 = tpu.memref_slice %arg14[%dma_wait3A_291, %dma_wait3A_292, %dma_wait3A_293] : memref<2x125x16xf32, #tpu.memory_space<vmem>> -> memref<1x125x16xf32, #tpu.memory_space<vmem>>
        %dma_wait3A_295 = tpu.memref_squeeze %dma_wait3A_294 : memref<1x125x16xf32, #tpu.memory_space<vmem>> -> memref<125x16xf32, #tpu.memory_space<vmem>>
        %dma_wait3A_296 = arith.constant 0 : i32
        %dma_wait3A_297 = tpu.memref_slice %arg7[%add3A_290, %dma_wait3A_296] : memref<160000x16xf32, #tpu.memory_space<hbm>> -> memref<125x16xf32, #tpu.memory_space<hbm>>
        %dma_wait3A_298 = arith.constant 0 : i32
        %dma_wait3A_299 = tpu.memref_slice %arg7[%add3A_290, %dma_wait3A_298] : memref<160000x16xf32, #tpu.memory_space<hbm>> -> memref<125x16xf32, #tpu.memory_space<hbm>>
        %dma_wait3A_300 = arith.constant 0 : i32
        %dma_wait3A_301 = arith.constant 0 : i32
        %dma_wait3A_302 = tpu.memref_slice %arg14[%dma_wait3A_291, %dma_wait3A_300, %dma_wait3A_301] : memref<2x125x16xf32, #tpu.memory_space<vmem>> -> memref<1x125x16xf32, #tpu.memory_space<vmem>>
        %dma_wait3A_303 = tpu.memref_squeeze %dma_wait3A_302 : memref<1x125x16xf32, #tpu.memory_space<vmem>> -> memref<125x16xf32, #tpu.memory_space<vmem>>
        tpu.wait_dma2 semaphore(%arg23 : memref<!tpu.dma_semaphore, #tpu.memory_space<semaphore_mem>>) src(%dma_wait3A_303 : memref<125x16xf32, #tpu.memory_space<vmem>>) dst(%dma_wait3A_299 : memref<125x16xf32, #tpu.memory_space<hbm>>)
        %dma_wait3A_304 = arith.constant 0 : i32
        %dma_wait3A_305 = arith.constant 0 : i32
        %dma_wait3A_306 = arith.constant 0 : i32
        %dma_wait3A_307 = tpu.memref_slice %arg14[%dma_wait3A_304, %dma_wait3A_305, %dma_wait3A_306] : memref<2x125x16xf32, #tpu.memory_space<vmem>> -> memref<1x125x16xf32, #tpu.memory_space<vmem>>
        %dma_wait3A_308 = tpu.memref_squeeze %dma_wait3A_307 : memref<1x125x16xf32, #tpu.memory_space<vmem>> -> memref<125x16xf32, #tpu.memory_space<vmem>>
        %dma_wait3A_309 = arith.constant 0 : i32
        %dma_wait3A_310 = tpu.memref_slice %arg10[%sub3A_287, %dma_wait3A_309] : memref<40x125xi32, #tpu.memory_space<vmem>> -> memref<1x125xi32, #tpu.memory_space<vmem>>
        %dma_wait3A_311 = tpu.memref_squeeze %dma_wait3A_310 : memref<1x125xi32, #tpu.memory_space<vmem>> -> memref<125xi32, #tpu.memory_space<vmem>>
        %dma_wait3A_312 = arith.constant 0 : i32
        %dma_wait3A_313 = arith.constant 0 : i32
        %dma_wait3A_314 = tpu.memref_slice %arg16[%dma_wait3A_312, %dma_wait3A_313] : memref<10240x16xf32, #tpu.memory_space<vmem_shared>> -> memref<10240x16xf32, #tpu.memory_space<vmem_shared>>
        tpu.wait_indirect_dma semaphore(%arg25 : memref<!tpu.dma_semaphore, #tpu.memory_space<semaphore_mem>>) src(%dma_wait3A_308 : memref<125x16xf32, #tpu.memory_space<vmem>>) dst(%dma_wait3A_314 : memref<10240x16xf32, #tpu.memory_space<vmem_shared>>)
      } else {
      }
      %scan3A_167 = arith.constant 0 : i32
      %scan3A_168 = arith.constant 0 : i32
      %scan3A_169 = arith.constant 125 : i32
      %scan3A_170 = arith.addi %scan3A_168, %scan3A_169 : i32
      %scan3A_171 = arith.constant 5 : i32
      scf.for %scan3A_287 = %scan3A_168 to %scan3A_170 step %scan3A_171  : i32 {
        %get3A = arith.constant 0 : i32
        %get3A_288 = arith.index_cast %get3A : i32 to index
        %get3A_289 = arith.index_cast %scan3A_287 : i32 to index
        %get3A_290 = arith.constant 0 : index
        %get3A_291 = tpu.vector_load %arg13[%get3A_288, %get3A_289, %get3A_290] {strides = array<i32>} : memref<2x125x16xf32, #tpu.memory_space<vmem>>, vector<1x1x16xf32>,
        %get3A_292 = vector.shape_cast %get3A_291 : vector<1x1x16xf32> to vector<16xf32>
        %get3A_293 = arith.constant 0 : i32
        %get3A_294 = arith.index_cast %get3A_293 : i32 to index
        %get3A_295 = arith.index_cast %scan3A_287 : i32 to index
        %get3A_296 = arith.constant 0 : index
        %get3A_297 = tpu.vector_load %arg11[%get3A_294, %get3A_295, %get3A_296] {strides = array<i32>} : memref<2x125x16xf32, #tpu.memory_space<vmem>>, vector<1x1x16xf32>,
        %get3A_298 = vector.shape_cast %get3A_297 : vector<1x1x16xf32> to vector<16xf32>
        %add3A_299 = arith.addf %get3A_292, %get3A_298 : vector<16xf32>
        %get3A_300 = arith.constant 0 : i32
        %get3A_301 = arith.index_cast %get3A_300 : i32 to index
        %get3A_302 = arith.index_cast %scan3A_287 : i32 to index
        %get3A_303 = arith.constant 0 : index
        %get3A_304 = tpu.vector_load %arg12[%get3A_301, %get3A_302, %get3A_303] {strides = array<i32>} : memref<2x125x16xf32, #tpu.memory_space<vmem>>, vector<1x1x16xf32>,
        %get3A_305 = vector.shape_cast %get3A_304 : vector<1x1x16xf32> to vector<16xf32>
        %add3A_306 = arith.addf %add3A_299, %get3A_305 : vector<16xf32>
        %max3A = arith.constant 0.000000e+00 : f32
        %max3A_307 = vector.broadcast %max3A : f32 to vector<16xf32>
        %max3A_308 = arith.maximumf %add3A_306, %max3A_307 : vector<16xf32>
        %swap3A = arith.constant 0 : i32
        %swap3A_309 = arith.index_cast %swap3A : i32 to index
        %swap3A_310 = arith.index_cast %scan3A_287 : i32 to index
        %swap3A_311 = arith.constant 0 : index
        %swap3A_312 = tpu.vector_load %arg14[%swap3A_309, %swap3A_310, %swap3A_311] {strides = array<i32>} : memref<2x125x16xf32, #tpu.memory_space<vmem>>, vector<1x1x16xf32>,
        %swap3A_313 = vector.shape_cast %swap3A_312 : vector<1x1x16xf32> to vector<16xf32>
        %swap3A_314 = vector.shape_cast %max3A_308 : vector<16xf32> to vector<1x1x16xf32>
        tpu.vector_store %arg14[%swap3A_309, %swap3A_310, %swap3A_311], %swap3A_314 {strides = array<i32>} : memref<2x125x16xf32, #tpu.memory_space<vmem>>, vector<1x1x16xf32>,
        %scan3A_315 = arith.constant 1 : i32
        %scan3A_316 = arith.addi %scan3A_287, %scan3A_315 : i32
        %get3A_317 = arith.constant 0 : i32
        %get3A_318 = arith.index_cast %get3A_317 : i32 to index
        %get3A_319 = arith.index_cast %scan3A_316 : i32 to index
        %get3A_320 = arith.constant 0 : index
        %get3A_321 = tpu.vector_load %arg13[%get3A_318, %get3A_319, %get3A_320] {strides = array<i32>} : memref<2x125x16xf32, #tpu.memory_space<vmem>>, vector<1x1x16xf32>,
        %get3A_322 = vector.shape_cast %get3A_321 : vector<1x1x16xf32> to vector<16xf32>
        %get3A_323 = arith.constant 0 : i32
        %get3A_324 = arith.index_cast %get3A_323 : i32 to index
        %get3A_325 = arith.index_cast %scan3A_316 : i32 to index
        %get3A_326 = arith.constant 0 : index
        %get3A_327 = tpu.vector_load %arg11[%get3A_324, %get3A_325, %get3A_326] {strides = array<i32>} : memref<2x125x16xf32, #tpu.memory_space<vmem>>, vector<1x1x16xf32>,
        %get3A_328 = vector.shape_cast %get3A_327 : vector<1x1x16xf32> to vector<16xf32>
        %add3A_329 = arith.addf %get3A_322, %get3A_328 : vector<16xf32>
        %get3A_330 = arith.constant 0 : i32
        %get3A_331 = arith.index_cast %get3A_330 : i32 to index
        %get3A_332 = arith.index_cast %scan3A_316 : i32 to index
        %get3A_333 = arith.constant 0 : index
        %get3A_334 = tpu.vector_load %arg12[%get3A_331, %get3A_332, %get3A_333] {strides = array<i32>} : memref<2x125x16xf32, #tpu.memory_space<vmem>>, vector<1x1x16xf32>,
        %get3A_335 = vector.shape_cast %get3A_334 : vector<1x1x16xf32> to vector<16xf32>
        %add3A_336 = arith.addf %add3A_329, %get3A_335 : vector<16xf32>
        %max3A_337 = arith.constant 0.000000e+00 : f32
        %max3A_338 = vector.broadcast %max3A_337 : f32 to vector<16xf32>
        %max3A_339 = arith.maximumf %add3A_336, %max3A_338 : vector<16xf32>
        %swap3A_340 = arith.constant 0 : i32
        %swap3A_341 = arith.index_cast %swap3A_340 : i32 to index
        %swap3A_342 = arith.index_cast %scan3A_316 : i32 to index
        %swap3A_343 = arith.constant 0 : index
        %swap3A_344 = tpu.vector_load %arg14[%swap3A_341, %swap3A_342, %swap3A_343] {strides = array<i32>} : memref<2x125x16xf32, #tpu.memory_space<vmem>>, vector<1x1x16xf32>,
        %swap3A_345 = vector.shape_cast %swap3A_344 : vector<1x1x16xf32> to vector<16xf32>
        %swap3A_346 = vector.shape_cast %max3A_339 : vector<16xf32> to vector<1x1x16xf32>
        tpu.vector_store %arg14[%swap3A_341, %swap3A_342, %swap3A_343], %swap3A_346 {strides = array<i32>} : memref<2x125x16xf32, #tpu.memory_space<vmem>>, vector<1x1x16xf32>,
        %scan3A_347 = arith.constant 2 : i32
        %scan3A_348 = arith.addi %scan3A_287, %scan3A_347 : i32
        %get3A_349 = arith.constant 0 : i32
        %get3A_350 = arith.index_cast %get3A_349 : i32 to index
        %get3A_351 = arith.index_cast %scan3A_348 : i32 to index
        %get3A_352 = arith.constant 0 : index
        %get3A_353 = tpu.vector_load %arg13[%get3A_350, %get3A_351, %get3A_352] {strides = array<i32>} : memref<2x125x16xf32, #tpu.memory_space<vmem>>, vector<1x1x16xf32>,
        %get3A_354 = vector.shape_cast %get3A_353 : vector<1x1x16xf32> to vector<16xf32>
        %get3A_355 = arith.constant 0 : i32
        %get3A_356 = arith.index_cast %get3A_355 : i32 to index
        %get3A_357 = arith.index_cast %scan3A_348 : i32 to index
        %get3A_358 = arith.constant 0 : index
        %get3A_359 = tpu.vector_load %arg11[%get3A_356, %get3A_357, %get3A_358] {strides = array<i32>} : memref<2x125x16xf32, #tpu.memory_space<vmem>>, vector<1x1x16xf32>,
        %get3A_360 = vector.shape_cast %get3A_359 : vector<1x1x16xf32> to vector<16xf32>
        %add3A_361 = arith.addf %get3A_354, %get3A_360 : vector<16xf32>
        %get3A_362 = arith.constant 0 : i32
        %get3A_363 = arith.index_cast %get3A_362 : i32 to index
        %get3A_364 = arith.index_cast %scan3A_348 : i32 to index
        %get3A_365 = arith.constant 0 : index
        %get3A_366 = tpu.vector_load %arg12[%get3A_363, %get3A_364, %get3A_365] {strides = array<i32>} : memref<2x125x16xf32, #tpu.memory_space<vmem>>, vector<1x1x16xf32>,
        %get3A_367 = vector.shape_cast %get3A_366 : vector<1x1x16xf32> to vector<16xf32>
        %add3A_368 = arith.addf %add3A_361, %get3A_367 : vector<16xf32>
        %max3A_369 = arith.constant 0.000000e+00 : f32
        %max3A_370 = vector.broadcast %max3A_369 : f32 to vector<16xf32>
        %max3A_371 = arith.maximumf %add3A_368, %max3A_370 : vector<16xf32>
        %swap3A_372 = arith.constant 0 : i32
        %swap3A_373 = arith.index_cast %swap3A_372 : i32 to index
        %swap3A_374 = arith.index_cast %scan3A_348 : i32 to index
        %swap3A_375 = arith.constant 0 : index
        %swap3A_376 = tpu.vector_load %arg14[%swap3A_373, %swap3A_374, %swap3A_375] {strides = array<i32>} : memref<2x125x16xf32, #tpu.memory_space<vmem>>, vector<1x1x16xf32>,
        %swap3A_377 = vector.shape_cast %swap3A_376 : vector<1x1x16xf32> to vector<16xf32>
        %swap3A_378 = vector.shape_cast %max3A_371 : vector<16xf32> to vector<1x1x16xf32>
        tpu.vector_store %arg14[%swap3A_373, %swap3A_374, %swap3A_375], %swap3A_378 {strides = array<i32>} : memref<2x125x16xf32, #tpu.memory_space<vmem>>, vector<1x1x16xf32>,
        %scan3A_379 = arith.constant 3 : i32
        %scan3A_380 = arith.addi %scan3A_287, %scan3A_379 : i32
        %get3A_381 = arith.constant 0 : i32
        %get3A_382 = arith.index_cast %get3A_381 : i32 to index
        %get3A_383 = arith.index_cast %scan3A_380 : i32 to index
        %get3A_384 = arith.constant 0 : index
        %get3A_385 = tpu.vector_load %arg13[%get3A_382, %get3A_383, %get3A_384] {strides = array<i32>} : memref<2x125x16xf32, #tpu.memory_space<vmem>>, vector<1x1x16xf32>,
        %get3A_386 = vector.shape_cast %get3A_385 : vector<1x1x16xf32> to vector<16xf32>
        %get3A_387 = arith.constant 0 : i32
        %get3A_388 = arith.index_cast %get3A_387 : i32 to index
        %get3A_389 = arith.index_cast %scan3A_380 : i32 to index
        %get3A_390 = arith.constant 0 : index
        %get3A_391 = tpu.vector_load %arg11[%get3A_388, %get3A_389, %get3A_390] {strides = array<i32>} : memref<2x125x16xf32, #tpu.memory_space<vmem>>, vector<1x1x16xf32>,
        %get3A_392 = vector.shape_cast %get3A_391 : vector<1x1x16xf32> to vector<16xf32>
        %add3A_393 = arith.addf %get3A_386, %get3A_392 : vector<16xf32>
        %get3A_394 = arith.constant 0 : i32
        %get3A_395 = arith.index_cast %get3A_394 : i32 to index
        %get3A_396 = arith.index_cast %scan3A_380 : i32 to index
        %get3A_397 = arith.constant 0 : index
        %get3A_398 = tpu.vector_load %arg12[%get3A_395, %get3A_396, %get3A_397] {strides = array<i32>} : memref<2x125x16xf32, #tpu.memory_space<vmem>>, vector<1x1x16xf32>,
        %get3A_399 = vector.shape_cast %get3A_398 : vector<1x1x16xf32> to vector<16xf32>
        %add3A_400 = arith.addf %add3A_393, %get3A_399 : vector<16xf32>
        %max3A_401 = arith.constant 0.000000e+00 : f32
        %max3A_402 = vector.broadcast %max3A_401 : f32 to vector<16xf32>
        %max3A_403 = arith.maximumf %add3A_400, %max3A_402 : vector<16xf32>
        %swap3A_404 = arith.constant 0 : i32
        %swap3A_405 = arith.index_cast %swap3A_404 : i32 to index
        %swap3A_406 = arith.index_cast %scan3A_380 : i32 to index
        %swap3A_407 = arith.constant 0 : index
        %swap3A_408 = tpu.vector_load %arg14[%swap3A_405, %swap3A_406, %swap3A_407] {strides = array<i32>} : memref<2x125x16xf32, #tpu.memory_space<vmem>>, vector<1x1x16xf32>,
        %swap3A_409 = vector.shape_cast %swap3A_408 : vector<1x1x16xf32> to vector<16xf32>
        %swap3A_410 = vector.shape_cast %max3A_403 : vector<16xf32> to vector<1x1x16xf32>
        tpu.vector_store %arg14[%swap3A_405, %swap3A_406, %swap3A_407], %swap3A_410 {strides = array<i32>} : memref<2x125x16xf32, #tpu.memory_space<vmem>>, vector<1x1x16xf32>,
        %scan3A_411 = arith.constant 4 : i32
        %scan3A_412 = arith.addi %scan3A_287, %scan3A_411 : i32
        %get3A_413 = arith.constant 0 : i32
        %get3A_414 = arith.index_cast %get3A_413 : i32 to index
        %get3A_415 = arith.index_cast %scan3A_412 : i32 to index
        %get3A_416 = arith.constant 0 : index
        %get3A_417 = tpu.vector_load %arg13[%get3A_414, %get3A_415, %get3A_416] {strides = array<i32>} : memref<2x125x16xf32, #tpu.memory_space<vmem>>, vector<1x1x16xf32>,
        %get3A_418 = vector.shape_cast %get3A_417 : vector<1x1x16xf32> to vector<16xf32>
        %get3A_419 = arith.constant 0 : i32
        %get3A_420 = arith.index_cast %get3A_419 : i32 to index
        %get3A_421 = arith.index_cast %scan3A_412 : i32 to index
        %get3A_422 = arith.constant 0 : index
        %get3A_423 = tpu.vector_load %arg11[%get3A_420, %get3A_421, %get3A_422] {strides = array<i32>} : memref<2x125x16xf32, #tpu.memory_space<vmem>>, vector<1x1x16xf32>,
        %get3A_424 = vector.shape_cast %get3A_423 : vector<1x1x16xf32> to vector<16xf32>
        %add3A_425 = arith.addf %get3A_418, %get3A_424 : vector<16xf32>
        %get3A_426 = arith.constant 0 : i32
        %get3A_427 = arith.index_cast %get3A_426 : i32 to index
        %get3A_428 = arith.index_cast %scan3A_412 : i32 to index
        %get3A_429 = arith.constant 0 : index
        %get3A_430 = tpu.vector_load %arg12[%get3A_427, %get3A_428, %get3A_429] {strides = array<i32>} : memref<2x125x16xf32, #tpu.memory_space<vmem>>, vector<1x1x16xf32>,
        %get3A_431 = vector.shape_cast %get3A_430 : vector<1x1x16xf32> to vector<16xf32>
        %add3A_432 = arith.addf %add3A_425, %get3A_431 : vector<16xf32>
        %max3A_433 = arith.constant 0.000000e+00 : f32
        %max3A_434 = vector.broadcast %max3A_433 : f32 to vector<16xf32>
        %max3A_435 = arith.maximumf %add3A_432, %max3A_434 : vector<16xf32>
        %swap3A_436 = arith.constant 0 : i32
        %swap3A_437 = arith.index_cast %swap3A_436 : i32 to index
        %swap3A_438 = arith.index_cast %scan3A_412 : i32 to index
        %swap3A_439 = arith.constant 0 : index
        %swap3A_440 = tpu.vector_load %arg14[%swap3A_437, %swap3A_438, %swap3A_439] {strides = array<i32>} : memref<2x125x16xf32, #tpu.memory_space<vmem>>, vector<1x1x16xf32>,
        %swap3A_441 = vector.shape_cast %swap3A_440 : vector<1x1x16xf32> to vector<16xf32>
        %swap3A_442 = vector.shape_cast %max3A_435 : vector<16xf32> to vector<1x1x16xf32>
        tpu.vector_store %arg14[%swap3A_437, %swap3A_438, %swap3A_439], %swap3A_442 {strides = array<i32>} : memref<2x125x16xf32, #tpu.memory_space<vmem>>, vector<1x1x16xf32>,
      }
      %scan3A_172 = arith.constant 125 : i32
      %mul3A_173 = arith.constant 125 : i32
      %mul3A_174 = arith.muli %add3A_120, %mul3A_173 : i32
      %add3A_175 = arith.addi %mul3A_13, %mul3A_174 : i32
      %dma_start3A_176 = arith.constant 0 : i32
      %dma_start3A_177 = arith.constant 0 : i32
      %dma_start3A_178 = arith.constant 0 : i32
      %dma_start3A_179 = tpu.memref_slice %arg14[%dma_start3A_176, %dma_start3A_177, %dma_start3A_178] : memref<2x125x16xf32, #tpu.memory_space<vmem>> -> memref<1x125x16xf32, #tpu.memory_space<vmem>>
      %dma_start3A_180 = tpu.memref_squeeze %dma_start3A_179 : memref<1x125x16xf32, #tpu.memory_space<vmem>> -> memref<125x16xf32, #tpu.memory_space<vmem>>
      %dma_start3A_181 = arith.constant 0 : i32
      %dma_start3A_182 = tpu.memref_slice %arg7[%add3A_175, %dma_start3A_181] : memref<160000x16xf32, #tpu.memory_space<hbm>> -> memref<125x16xf32, #tpu.memory_space<hbm>>
      %dma_start3A_183 = arith.constant 0 : i32
      %dma_start3A_184 = tpu.memref_slice %arg7[%add3A_175, %dma_start3A_183] : memref<160000x16xf32, #tpu.memory_space<hbm>> -> memref<125x16xf32, #tpu.memory_space<hbm>>
      %dma_start3A_185 = arith.constant 0 : i32
      %dma_start3A_186 = arith.constant 0 : i32
      %dma_start3A_187 = tpu.memref_slice %arg14[%dma_start3A_176, %dma_start3A_185, %dma_start3A_186] : memref<2x125x16xf32, #tpu.memory_space<vmem>> -> memref<1x125x16xf32, #tpu.memory_space<vmem>>
      %dma_start3A_188 = tpu.memref_squeeze %dma_start3A_187 : memref<1x125x16xf32, #tpu.memory_space<vmem>> -> memref<125x16xf32, #tpu.memory_space<vmem>>
      tpu.enqueue_dma source(%dma_start3A_188 : memref<125x16xf32, #tpu.memory_space<vmem>>) target(%dma_start3A_184 : memref<125x16xf32, #tpu.memory_space<hbm>>) target_semaphore(%arg23 : memref<!tpu.dma_semaphore, #tpu.memory_space<semaphore_mem>>)
      %dma_start3A_189 = arith.constant 0 : i32
      %dma_start3A_190 = arith.constant 0 : i32
      %dma_start3A_191 = arith.constant 0 : i32
      %dma_start3A_192 = tpu.memref_slice %arg14[%dma_start3A_189, %dma_start3A_190, %dma_start3A_191] : memref<2x125x16xf32, #tpu.memory_space<vmem>> -> memref<1x125x16xf32, #tpu.memory_space<vmem>>
      %dma_start3A_193 = tpu.memref_squeeze %dma_start3A_192 : memref<1x125x16xf32, #tpu.memory_space<vmem>> -> memref<125x16xf32, #tpu.memory_space<vmem>>
      %dma_start3A_194 = arith.constant 0 : i32
      %dma_start3A_195 = tpu.memref_slice %arg10[%add3A_120, %dma_start3A_194] : memref<40x125xi32, #tpu.memory_space<vmem>> -> memref<1x125xi32, #tpu.memory_space<vmem>>
      %dma_start3A_196 = tpu.memref_squeeze %dma_start3A_195 : memref<1x125xi32, #tpu.memory_space<vmem>> -> memref<125xi32, #tpu.memory_space<vmem>>
      %dma_start3A_197 = arith.constant 0 : i32
      %dma_start3A_198 = arith.constant 0 : i32
      %dma_start3A_199 = tpu.memref_slice %arg16[%dma_start3A_197, %dma_start3A_198] : memref<10240x16xf32, #tpu.memory_space<vmem_shared>> -> memref<10240x16xf32, #tpu.memory_space<vmem_shared>>
      tpu.enqueue_indirect_dma source(%dma_start3A_193 : memref<125x16xf32, #tpu.memory_space<vmem>>) target(%dma_start3A_199 : memref<10240x16xf32, #tpu.memory_space<vmem_shared>>) offsets(%dma_start3A_196 : memref<125xi32, #tpu.memory_space<vmem>>) semaphore(%arg25 : memref<!tpu.dma_semaphore, #tpu.memory_space<semaphore_mem>>) {add = true}
      %mul3A_200 = arith.constant 2 : i32
      %mul3A_201 = arith.muli %mul3A_200, %scan3A_116 : i32
      %add3A_202 = arith.constant 1 : i32
      %add3A_203 = arith.addi %mul3A_201, %add3A_202 : i32
      %add3A_204 = arith.constant 1 : i32
      %add3A_205 = arith.addi %add3A_203, %add3A_204 : i32
      %lt3A_206 = arith.constant 40 : i32
      %lt3A_207 = arith.cmpi slt, %add3A_205, %lt3A_206 : i32
      %convert_element_type3A_208 = arith.extui %lt3A_207 : i1 to i32
      %cond3A_209 = arith.constant 0 : i32
      %cond3A_210 = arith.cmpi ne, %convert_element_type3A_208, %cond3A_209 : i32
      scf.if %cond3A_210 {
        %add3A_287 = arith.constant 1 : i32
        %add3A_288 = arith.addi %add3A_203, %add3A_287 : i32
        %mul3A_289 = arith.constant 125 : i32
        %mul3A_290 = arith.muli %add3A_288, %mul3A_289 : i32
        %add3A_291 = arith.addi %add3A_15, %mul3A_290 : i32
        %dma_start3A_292 = arith.constant 0 : i32
        %dma_start3A_293 = arith.constant 0 : i32
        %dma_start3A_294 = arith.constant 0 : i32
        %dma_start3A_295 = tpu.memref_slice %arg13[%dma_start3A_292, %dma_start3A_293, %dma_start3A_294] : memref<2x125x16xf32, #tpu.memory_space<vmem>> -> memref<1x125x16xf32, #tpu.memory_space<vmem>>
        %dma_start3A_296 = tpu.memref_squeeze %dma_start3A_295 : memref<1x125x16xf32, #tpu.memory_space<vmem>> -> memref<125x16xf32, #tpu.memory_space<vmem>>
        %dma_start3A_297 = arith.constant 0 : i32
        %dma_start3A_298 = tpu.memref_slice %arg4[%add3A_291, %dma_start3A_297] : memref<320000x16xf32, #tpu.memory_space<hbm>> -> memref<125x16xf32, #tpu.memory_space<hbm>>
        %dma_start3A_299 = arith.constant 0 : i32
        %dma_start3A_300 = arith.constant 0 : i32
        %dma_start3A_301 = tpu.memref_slice %arg13[%dma_start3A_292, %dma_start3A_299, %dma_start3A_300] : memref<2x125x16xf32, #tpu.memory_space<vmem>> -> memref<1x125x16xf32, #tpu.memory_space<vmem>>
        %dma_start3A_302 = tpu.memref_squeeze %dma_start3A_301 : memref<1x125x16xf32, #tpu.memory_space<vmem>> -> memref<125x16xf32, #tpu.memory_space<vmem>>
        %dma_start3A_303 = arith.constant 0 : i32
        %dma_start3A_304 = tpu.memref_slice %arg4[%add3A_291, %dma_start3A_303] : memref<320000x16xf32, #tpu.memory_space<hbm>> -> memref<125x16xf32, #tpu.memory_space<hbm>>
        tpu.enqueue_dma source(%dma_start3A_304 : memref<125x16xf32, #tpu.memory_space<hbm>>) target(%dma_start3A_302 : memref<125x16xf32, #tpu.memory_space<vmem>>) target_semaphore(%arg19 : memref<!tpu.dma_semaphore, #tpu.memory_space<semaphore_mem>>)
        %dma_start3A_305 = arith.constant 0 : i32
        %dma_start3A_306 = arith.constant 0 : i32
        %dma_start3A_307 = arith.constant 0 : i32
        %dma_start3A_308 = tpu.memref_slice %arg11[%dma_start3A_305, %dma_start3A_306, %dma_start3A_307] : memref<2x125x16xf32, #tpu.memory_space<vmem>> -> memref<1x125x16xf32, #tpu.memory_space<vmem>>
        %dma_start3A_309 = tpu.memref_squeeze %dma_start3A_308 : memref<1x125x16xf32, #tpu.memory_space<vmem>> -> memref<125x16xf32, #tpu.memory_space<vmem>>
        %dma_start3A_310 = arith.constant 0 : i32
        %dma_start3A_311 = tpu.memref_slice %arg9[%add3A_288, %dma_start3A_310] : memref<40x125xi32, #tpu.memory_space<vmem>> -> memref<1x125xi32, #tpu.memory_space<vmem>>
        %dma_start3A_312 = tpu.memref_squeeze %dma_start3A_311 : memref<1x125xi32, #tpu.memory_space<vmem>> -> memref<125xi32, #tpu.memory_space<vmem>>
        %dma_start3A_313 = arith.constant 0 : i32
        %dma_start3A_314 = arith.constant 0 : i32
        %dma_start3A_315 = tpu.memref_slice %arg2[%dma_start3A_313, %dma_start3A_314] : memref<10000x16xf32, #tpu.memory_space<hbm>> -> memref<10000x16xf32, #tpu.memory_space<hbm>>
        tpu.enqueue_indirect_dma source(%dma_start3A_315 : memref<10000x16xf32, #tpu.memory_space<hbm>>) target(%dma_start3A_309 : memref<125x16xf32, #tpu.memory_space<vmem>>) offsets(%dma_start3A_312 : memref<125xi32, #tpu.memory_space<vmem>>) semaphore(%arg17 : memref<!tpu.dma_semaphore, #tpu.memory_space<semaphore_mem>>)
        %dma_start3A_316 = arith.constant 0 : i32
        %dma_start3A_317 = arith.constant 0 : i32
        %dma_start3A_318 = arith.constant 0 : i32
        %dma_start3A_319 = tpu.memref_slice %arg12[%dma_start3A_316, %dma_start3A_317, %dma_start3A_318] : memref<2x125x16xf32, #tpu.memory_space<vmem>> -> memref<1x125x16xf32, #tpu.memory_space<vmem>>
        %dma_start3A_320 = tpu.memref_squeeze %dma_start3A_319 : memref<1x125x16xf32, #tpu.memory_space<vmem>> -> memref<125x16xf32, #tpu.memory_space<vmem>>
        %dma_start3A_321 = arith.constant 0 : i32
        %dma_start3A_322 = tpu.memref_slice %arg10[%add3A_288, %dma_start3A_321] : memref<40x125xi32, #tpu.memory_space<vmem>> -> memref<1x125xi32, #tpu.memory_space<vmem>>
        %dma_start3A_323 = tpu.memref_squeeze %dma_start3A_322 : memref<1x125xi32, #tpu.memory_space<vmem>> -> memref<125xi32, #tpu.memory_space<vmem>>
        %dma_start3A_324 = arith.constant 0 : i32
        %dma_start3A_325 = arith.constant 0 : i32
        %dma_start3A_326 = tpu.memref_slice %arg3[%dma_start3A_324, %dma_start3A_325] : memref<10000x16xf32, #tpu.memory_space<hbm>> -> memref<10000x16xf32, #tpu.memory_space<hbm>>
        tpu.enqueue_indirect_dma source(%dma_start3A_326 : memref<10000x16xf32, #tpu.memory_space<hbm>>) target(%dma_start3A_320 : memref<125x16xf32, #tpu.memory_space<vmem>>) offsets(%dma_start3A_323 : memref<125xi32, #tpu.memory_space<vmem>>) semaphore(%arg21 : memref<!tpu.dma_semaphore, #tpu.memory_space<semaphore_mem>>)
      } else {
      }
      %mul3A_211 = arith.constant 125 : i32
      %mul3A_212 = arith.muli %add3A_203, %mul3A_211 : i32
      %add3A_213 = arith.addi %add3A_15, %mul3A_212 : i32
      %dma_wait3A_214 = arith.constant 1 : i32
      %dma_wait3A_215 = arith.constant 0 : i32
      %dma_wait3A_216 = arith.constant 0 : i32
      %dma_wait3A_217 = tpu.memref_slice %arg13[%dma_wait3A_214, %dma_wait3A_215, %dma_wait3A_216] : memref<2x125x16xf32, #tpu.memory_space<vmem>> -> memref<1x125x16xf32, #tpu.memory_space<vmem>>
      %dma_wait3A_218 = tpu.memref_squeeze %dma_wait3A_217 : memref<1x125x16xf32, #tpu.memory_space<vmem>> -> memref<125x16xf32, #tpu.memory_space<vmem>>
      %dma_wait3A_219 = arith.constant 0 : i32
      %dma_wait3A_220 = tpu.memref_slice %arg4[%add3A_213, %dma_wait3A_219] : memref<320000x16xf32, #tpu.memory_space<hbm>> -> memref<125x16xf32, #tpu.memory_space<hbm>>
      %dma_wait3A_221 = arith.constant 0 : i32
      %dma_wait3A_222 = arith.constant 0 : i32
      %dma_wait3A_223 = tpu.memref_slice %arg13[%dma_wait3A_214, %dma_wait3A_221, %dma_wait3A_222] : memref<2x125x16xf32, #tpu.memory_space<vmem>> -> memref<1x125x16xf32, #tpu.memory_space<vmem>>
      %dma_wait3A_224 = tpu.memref_squeeze %dma_wait3A_223 : memref<1x125x16xf32, #tpu.memory_space<vmem>> -> memref<125x16xf32, #tpu.memory_space<vmem>>
      %dma_wait3A_225 = arith.constant 0 : i32
      %dma_wait3A_226 = tpu.memref_slice %arg4[%add3A_213, %dma_wait3A_225] : memref<320000x16xf32, #tpu.memory_space<hbm>> -> memref<125x16xf32, #tpu.memory_space<hbm>>
      tpu.wait_dma2 semaphore(%arg20 : memref<!tpu.dma_semaphore, #tpu.memory_space<semaphore_mem>>) src(%dma_wait3A_226 : memref<125x16xf32, #tpu.memory_space<hbm>>) dst(%dma_wait3A_224 : memref<125x16xf32, #tpu.memory_space<vmem>>)
      %dma_wait3A_227 = arith.constant 1 : i32
      %dma_wait3A_228 = arith.constant 0 : i32
      %dma_wait3A_229 = arith.constant 0 : i32
      %dma_wait3A_230 = tpu.memref_slice %arg11[%dma_wait3A_227, %dma_wait3A_228, %dma_wait3A_229] : memref<2x125x16xf32, #tpu.memory_space<vmem>> -> memref<1x125x16xf32, #tpu.memory_space<vmem>>
      %dma_wait3A_231 = tpu.memref_squeeze %dma_wait3A_230 : memref<1x125x16xf32, #tpu.memory_space<vmem>> -> memref<125x16xf32, #tpu.memory_space<vmem>>
      %dma_wait3A_232 = arith.constant 0 : i32
      %dma_wait3A_233 = tpu.memref_slice %arg9[%add3A_203, %dma_wait3A_232] : memref<40x125xi32, #tpu.memory_space<vmem>> -> memref<1x125xi32, #tpu.memory_space<vmem>>
      %dma_wait3A_234 = tpu.memref_squeeze %dma_wait3A_233 : memref<1x125xi32, #tpu.memory_space<vmem>> -> memref<125xi32, #tpu.memory_space<vmem>>
      %dma_wait3A_235 = arith.constant 0 : i32
      %dma_wait3A_236 = arith.constant 0 : i32
      %dma_wait3A_237 = tpu.memref_slice %arg2[%dma_wait3A_235, %dma_wait3A_236] : memref<10000x16xf32, #tpu.memory_space<hbm>> -> memref<10000x16xf32, #tpu.memory_space<hbm>>
      tpu.wait_indirect_dma semaphore(%arg18 : memref<!tpu.dma_semaphore, #tpu.memory_space<semaphore_mem>>) src(%dma_wait3A_237 : memref<10000x16xf32, #tpu.memory_space<hbm>>) dst(%dma_wait3A_231 : memref<125x16xf32, #tpu.memory_space<vmem>>)
      %dma_wait3A_238 = arith.constant 1 : i32
      %dma_wait3A_239 = arith.constant 0 : i32
      %dma_wait3A_240 = arith.constant 0 : i32
      %dma_wait3A_241 = tpu.memref_slice %arg12[%dma_wait3A_238, %dma_wait3A_239, %dma_wait3A_240] : memref<2x125x16xf32, #tpu.memory_space<vmem>> -> memref<1x125x16xf32, #tpu.memory_space<vmem>>
      %dma_wait3A_242 = tpu.memref_squeeze %dma_wait3A_241 : memref<1x125x16xf32, #tpu.memory_space<vmem>> -> memref<125x16xf32, #tpu.memory_space<vmem>>
      %dma_wait3A_243 = arith.constant 0 : i32
      %dma_wait3A_244 = tpu.memref_slice %arg10[%add3A_203, %dma_wait3A_243] : memref<40x125xi32, #tpu.memory_space<vmem>> -> memref<1x125xi32, #tpu.memory_space<vmem>>
      %dma_wait3A_245 = tpu.memref_squeeze %dma_wait3A_244 : memref<1x125xi32, #tpu.memory_space<vmem>> -> memref<125xi32, #tpu.memory_space<vmem>>
      %dma_wait3A_246 = arith.constant 0 : i32
      %dma_wait3A_247 = arith.constant 0 : i32
      %dma_wait3A_248 = tpu.memref_slice %arg3[%dma_wait3A_246, %dma_wait3A_247] : memref<10000x16xf32, #tpu.memory_space<hbm>> -> memref<10000x16xf32, #tpu.memory_space<hbm>>
      tpu.wait_indirect_dma semaphore(%arg22 : memref<!tpu.dma_semaphore, #tpu.memory_space<semaphore_mem>>) src(%dma_wait3A_248 : memref<10000x16xf32, #tpu.memory_space<hbm>>) dst(%dma_wait3A_242 : memref<125x16xf32, #tpu.memory_space<vmem>>)
      %ge3A_249 = arith.constant 2 : i32
      %ge3A_250 = arith.cmpi sge, %add3A_203, %ge3A_249 : i32
      %convert_element_type3A_251 = arith.extui %ge3A_250 : i1 to i32
      %cond3A_252 = arith.constant 0 : i32
      %cond3A_253 = arith.cmpi ne, %convert_element_type3A_251, %cond3A_252 : i32
      scf.if %cond3A_253 {
        %sub3A = arith.constant 2 : i32
        %sub3A_287 = arith.subi %add3A_203, %sub3A : i32
        %mul3A_288 = arith.constant 125 : i32
        %mul3A_289 = arith.muli %sub3A_287, %mul3A_288 : i32
        %add3A_290 = arith.addi %mul3A_13, %mul3A_289 : i32
        %dma_wait3A_291 = arith.constant 1 : i32
        %dma_wait3A_292 = arith.constant 0 : i32
        %dma_wait3A_293 = arith.constant 0 : i32
        %dma_wait3A_294 = tpu.memref_slice %arg14[%dma_wait3A_291, %dma_wait3A_292, %dma_wait3A_293] : memref<2x125x16xf32, #tpu.memory_space<vmem>> -> memref<1x125x16xf32, #tpu.memory_space<vmem>>
        %dma_wait3A_295 = tpu.memref_squeeze %dma_wait3A_294 : memref<1x125x16xf32, #tpu.memory_space<vmem>> -> memref<125x16xf32, #tpu.memory_space<vmem>>
        %dma_wait3A_296 = arith.constant 0 : i32
        %dma_wait3A_297 = tpu.memref_slice %arg7[%add3A_290, %dma_wait3A_296] : memref<160000x16xf32, #tpu.memory_space<hbm>> -> memref<125x16xf32, #tpu.memory_space<hbm>>
        %dma_wait3A_298 = arith.constant 0 : i32
        %dma_wait3A_299 = tpu.memref_slice %arg7[%add3A_290, %dma_wait3A_298] : memref<160000x16xf32, #tpu.memory_space<hbm>> -> memref<125x16xf32, #tpu.memory_space<hbm>>
        %dma_wait3A_300 = arith.constant 0 : i32
        %dma_wait3A_301 = arith.constant 0 : i32
        %dma_wait3A_302 = tpu.memref_slice %arg14[%dma_wait3A_291, %dma_wait3A_300, %dma_wait3A_301] : memref<2x125x16xf32, #tpu.memory_space<vmem>> -> memref<1x125x16xf32, #tpu.memory_space<vmem>>
        %dma_wait3A_303 = tpu.memref_squeeze %dma_wait3A_302 : memref<1x125x16xf32, #tpu.memory_space<vmem>> -> memref<125x16xf32, #tpu.memory_space<vmem>>
        tpu.wait_dma2 semaphore(%arg24 : memref<!tpu.dma_semaphore, #tpu.memory_space<semaphore_mem>>) src(%dma_wait3A_303 : memref<125x16xf32, #tpu.memory_space<vmem>>) dst(%dma_wait3A_299 : memref<125x16xf32, #tpu.memory_space<hbm>>)
        %dma_wait3A_304 = arith.constant 1 : i32
        %dma_wait3A_305 = arith.constant 0 : i32
        %dma_wait3A_306 = arith.constant 0 : i32
        %dma_wait3A_307 = tpu.memref_slice %arg14[%dma_wait3A_304, %dma_wait3A_305, %dma_wait3A_306] : memref<2x125x16xf32, #tpu.memory_space<vmem>> -> memref<1x125x16xf32, #tpu.memory_space<vmem>>
        %dma_wait3A_308 = tpu.memref_squeeze %dma_wait3A_307 : memref<1x125x16xf32, #tpu.memory_space<vmem>> -> memref<125x16xf32, #tpu.memory_space<vmem>>
        %dma_wait3A_309 = arith.constant 0 : i32
        %dma_wait3A_310 = tpu.memref_slice %arg10[%sub3A_287, %dma_wait3A_309] : memref<40x125xi32, #tpu.memory_space<vmem>> -> memref<1x125xi32, #tpu.memory_space<vmem>>
        %dma_wait3A_311 = tpu.memref_squeeze %dma_wait3A_310 : memref<1x125xi32, #tpu.memory_space<vmem>> -> memref<125xi32, #tpu.memory_space<vmem>>
        %dma_wait3A_312 = arith.constant 0 : i32
        %dma_wait3A_313 = arith.constant 0 : i32
        %dma_wait3A_314 = tpu.memref_slice %arg16[%dma_wait3A_312, %dma_wait3A_313] : memref<10240x16xf32, #tpu.memory_space<vmem_shared>> -> memref<10240x16xf32, #tpu.memory_space<vmem_shared>>
        tpu.wait_indirect_dma semaphore(%arg26 : memref<!tpu.dma_semaphore, #tpu.memory_space<semaphore_mem>>) src(%dma_wait3A_308 : memref<125x16xf32, #tpu.memory_space<vmem>>) dst(%dma_wait3A_314 : memref<10240x16xf32, #tpu.memory_space<vmem_shared>>)
      } else {
      }
      %scan3A_254 = arith.constant 0 : i32
      %scan3A_255 = arith.constant 0 : i32
      %scan3A_256 = arith.constant 125 : i32
      %scan3A_257 = arith.addi %scan3A_255, %scan3A_256 : i32
      %scan3A_258 = arith.constant 5 : i32
      scf.for %scan3A_287 = %scan3A_255 to %scan3A_257 step %scan3A_258  : i32 {
        %get3A = arith.constant 1 : i32
        %get3A_288 = arith.index_cast %get3A : i32 to index
        %get3A_289 = arith.index_cast %scan3A_287 : i32 to index
        %get3A_290 = arith.constant 0 : index
        %get3A_291 = tpu.vector_load %arg13[%get3A_288, %get3A_289, %get3A_290] {strides = array<i32>} : memref<2x125x16xf32, #tpu.memory_space<vmem>>, vector<1x1x16xf32>,
        %get3A_292 = vector.shape_cast %get3A_291 : vector<1x1x16xf32> to vector<16xf32>
        %get3A_293 = arith.constant 1 : i32
        %get3A_294 = arith.index_cast %get3A_293 : i32 to index
        %get3A_295 = arith.index_cast %scan3A_287 : i32 to index
        %get3A_296 = arith.constant 0 : index
        %get3A_297 = tpu.vector_load %arg11[%get3A_294, %get3A_295, %get3A_296] {strides = array<i32>} : memref<2x125x16xf32, #tpu.memory_space<vmem>>, vector<1x1x16xf32>,
        %get3A_298 = vector.shape_cast %get3A_297 : vector<1x1x16xf32> to vector<16xf32>
        %add3A_299 = arith.addf %get3A_292, %get3A_298 : vector<16xf32>
        %get3A_300 = arith.constant 1 : i32
        %get3A_301 = arith.index_cast %get3A_300 : i32 to index
        %get3A_302 = arith.index_cast %scan3A_287 : i32 to index
        %get3A_303 = arith.constant 0 : index
        %get3A_304 = tpu.vector_load %arg12[%get3A_301, %get3A_302, %get3A_303] {strides = array<i32>} : memref<2x125x16xf32, #tpu.memory_space<vmem>>, vector<1x1x16xf32>,
        %get3A_305 = vector.shape_cast %get3A_304 : vector<1x1x16xf32> to vector<16xf32>
        %add3A_306 = arith.addf %add3A_299, %get3A_305 : vector<16xf32>
        %max3A = arith.constant 0.000000e+00 : f32
        %max3A_307 = vector.broadcast %max3A : f32 to vector<16xf32>
        %max3A_308 = arith.maximumf %add3A_306, %max3A_307 : vector<16xf32>
        %swap3A = arith.constant 1 : i32
        %swap3A_309 = arith.index_cast %swap3A : i32 to index
        %swap3A_310 = arith.index_cast %scan3A_287 : i32 to index
        %swap3A_311 = arith.constant 0 : index
        %swap3A_312 = tpu.vector_load %arg14[%swap3A_309, %swap3A_310, %swap3A_311] {strides = array<i32>} : memref<2x125x16xf32, #tpu.memory_space<vmem>>, vector<1x1x16xf32>,
        %swap3A_313 = vector.shape_cast %swap3A_312 : vector<1x1x16xf32> to vector<16xf32>
        %swap3A_314 = vector.shape_cast %max3A_308 : vector<16xf32> to vector<1x1x16xf32>
        tpu.vector_store %arg14[%swap3A_309, %swap3A_310, %swap3A_311], %swap3A_314 {strides = array<i32>} : memref<2x125x16xf32, #tpu.memory_space<vmem>>, vector<1x1x16xf32>,
        %scan3A_315 = arith.constant 1 : i32
        %scan3A_316 = arith.addi %scan3A_287, %scan3A_315 : i32
        %get3A_317 = arith.constant 1 : i32
        %get3A_318 = arith.index_cast %get3A_317 : i32 to index
        %get3A_319 = arith.index_cast %scan3A_316 : i32 to index
        %get3A_320 = arith.constant 0 : index
        %get3A_321 = tpu.vector_load %arg13[%get3A_318, %get3A_319, %get3A_320] {strides = array<i32>} : memref<2x125x16xf32, #tpu.memory_space<vmem>>, vector<1x1x16xf32>,
        %get3A_322 = vector.shape_cast %get3A_321 : vector<1x1x16xf32> to vector<16xf32>
        %get3A_323 = arith.constant 1 : i32
        %get3A_324 = arith.index_cast %get3A_323 : i32 to index
        %get3A_325 = arith.index_cast %scan3A_316 : i32 to index
        %get3A_326 = arith.constant 0 : index
        %get3A_327 = tpu.vector_load %arg11[%get3A_324, %get3A_325, %get3A_326] {strides = array<i32>} : memref<2x125x16xf32, #tpu.memory_space<vmem>>, vector<1x1x16xf32>,
        %get3A_328 = vector.shape_cast %get3A_327 : vector<1x1x16xf32> to vector<16xf32>
        %add3A_329 = arith.addf %get3A_322, %get3A_328 : vector<16xf32>
        %get3A_330 = arith.constant 1 : i32
        %get3A_331 = arith.index_cast %get3A_330 : i32 to index
        %get3A_332 = arith.index_cast %scan3A_316 : i32 to index
        %get3A_333 = arith.constant 0 : index
        %get3A_334 = tpu.vector_load %arg12[%get3A_331, %get3A_332, %get3A_333] {strides = array<i32>} : memref<2x125x16xf32, #tpu.memory_space<vmem>>, vector<1x1x16xf32>,
        %get3A_335 = vector.shape_cast %get3A_334 : vector<1x1x16xf32> to vector<16xf32>
        %add3A_336 = arith.addf %add3A_329, %get3A_335 : vector<16xf32>
        %max3A_337 = arith.constant 0.000000e+00 : f32
        %max3A_338 = vector.broadcast %max3A_337 : f32 to vector<16xf32>
        %max3A_339 = arith.maximumf %add3A_336, %max3A_338 : vector<16xf32>
        %swap3A_340 = arith.constant 1 : i32
        %swap3A_341 = arith.index_cast %swap3A_340 : i32 to index
        %swap3A_342 = arith.index_cast %scan3A_316 : i32 to index
        %swap3A_343 = arith.constant 0 : index
        %swap3A_344 = tpu.vector_load %arg14[%swap3A_341, %swap3A_342, %swap3A_343] {strides = array<i32>} : memref<2x125x16xf32, #tpu.memory_space<vmem>>, vector<1x1x16xf32>,
        %swap3A_345 = vector.shape_cast %swap3A_344 : vector<1x1x16xf32> to vector<16xf32>
        %swap3A_346 = vector.shape_cast %max3A_339 : vector<16xf32> to vector<1x1x16xf32>
        tpu.vector_store %arg14[%swap3A_341, %swap3A_342, %swap3A_343], %swap3A_346 {strides = array<i32>} : memref<2x125x16xf32, #tpu.memory_space<vmem>>, vector<1x1x16xf32>,
        %scan3A_347 = arith.constant 2 : i32
        %scan3A_348 = arith.addi %scan3A_287, %scan3A_347 : i32
        %get3A_349 = arith.constant 1 : i32
        %get3A_350 = arith.index_cast %get3A_349 : i32 to index
        %get3A_351 = arith.index_cast %scan3A_348 : i32 to index
        %get3A_352 = arith.constant 0 : index
        %get3A_353 = tpu.vector_load %arg13[%get3A_350, %get3A_351, %get3A_352] {strides = array<i32>} : memref<2x125x16xf32, #tpu.memory_space<vmem>>, vector<1x1x16xf32>,
        %get3A_354 = vector.shape_cast %get3A_353 : vector<1x1x16xf32> to vector<16xf32>
        %get3A_355 = arith.constant 1 : i32
        %get3A_356 = arith.index_cast %get3A_355 : i32 to index
        %get3A_357 = arith.index_cast %scan3A_348 : i32 to index
        %get3A_358 = arith.constant 0 : index
        %get3A_359 = tpu.vector_load %arg11[%get3A_356, %get3A_357, %get3A_358] {strides = array<i32>} : memref<2x125x16xf32, #tpu.memory_space<vmem>>, vector<1x1x16xf32>,
        %get3A_360 = vector.shape_cast %get3A_359 : vector<1x1x16xf32> to vector<16xf32>
        %add3A_361 = arith.addf %get3A_354, %get3A_360 : vector<16xf32>
        %get3A_362 = arith.constant 1 : i32
        %get3A_363 = arith.index_cast %get3A_362 : i32 to index
        %get3A_364 = arith.index_cast %scan3A_348 : i32 to index
        %get3A_365 = arith.constant 0 : index
        %get3A_366 = tpu.vector_load %arg12[%get3A_363, %get3A_364, %get3A_365] {strides = array<i32>} : memref<2x125x16xf32, #tpu.memory_space<vmem>>, vector<1x1x16xf32>,
        %get3A_367 = vector.shape_cast %get3A_366 : vector<1x1x16xf32> to vector<16xf32>
        %add3A_368 = arith.addf %add3A_361, %get3A_367 : vector<16xf32>
        %max3A_369 = arith.constant 0.000000e+00 : f32
        %max3A_370 = vector.broadcast %max3A_369 : f32 to vector<16xf32>
        %max3A_371 = arith.maximumf %add3A_368, %max3A_370 : vector<16xf32>
        %swap3A_372 = arith.constant 1 : i32
        %swap3A_373 = arith.index_cast %swap3A_372 : i32 to index
        %swap3A_374 = arith.index_cast %scan3A_348 : i32 to index
        %swap3A_375 = arith.constant 0 : index
        %swap3A_376 = tpu.vector_load %arg14[%swap3A_373, %swap3A_374, %swap3A_375] {strides = array<i32>} : memref<2x125x16xf32, #tpu.memory_space<vmem>>, vector<1x1x16xf32>,
        %swap3A_377 = vector.shape_cast %swap3A_376 : vector<1x1x16xf32> to vector<16xf32>
        %swap3A_378 = vector.shape_cast %max3A_371 : vector<16xf32> to vector<1x1x16xf32>
        tpu.vector_store %arg14[%swap3A_373, %swap3A_374, %swap3A_375], %swap3A_378 {strides = array<i32>} : memref<2x125x16xf32, #tpu.memory_space<vmem>>, vector<1x1x16xf32>,
        %scan3A_379 = arith.constant 3 : i32
        %scan3A_380 = arith.addi %scan3A_287, %scan3A_379 : i32
        %get3A_381 = arith.constant 1 : i32
        %get3A_382 = arith.index_cast %get3A_381 : i32 to index
        %get3A_383 = arith.index_cast %scan3A_380 : i32 to index
        %get3A_384 = arith.constant 0 : index
        %get3A_385 = tpu.vector_load %arg13[%get3A_382, %get3A_383, %get3A_384] {strides = array<i32>} : memref<2x125x16xf32, #tpu.memory_space<vmem>>, vector<1x1x16xf32>,
        %get3A_386 = vector.shape_cast %get3A_385 : vector<1x1x16xf32> to vector<16xf32>
        %get3A_387 = arith.constant 1 : i32
        %get3A_388 = arith.index_cast %get3A_387 : i32 to index
        %get3A_389 = arith.index_cast %scan3A_380 : i32 to index
        %get3A_390 = arith.constant 0 : index
        %get3A_391 = tpu.vector_load %arg11[%get3A_388, %get3A_389, %get3A_390] {strides = array<i32>} : memref<2x125x16xf32, #tpu.memory_space<vmem>>, vector<1x1x16xf32>,
        %get3A_392 = vector.shape_cast %get3A_391 : vector<1x1x16xf32> to vector<16xf32>
        %add3A_393 = arith.addf %get3A_386, %get3A_392 : vector<16xf32>
        %get3A_394 = arith.constant 1 : i32
        %get3A_395 = arith.index_cast %get3A_394 : i32 to index
        %get3A_396 = arith.index_cast %scan3A_380 : i32 to index
        %get3A_397 = arith.constant 0 : index
        %get3A_398 = tpu.vector_load %arg12[%get3A_395, %get3A_396, %get3A_397] {strides = array<i32>} : memref<2x125x16xf32, #tpu.memory_space<vmem>>, vector<1x1x16xf32>,
        %get3A_399 = vector.shape_cast %get3A_398 : vector<1x1x16xf32> to vector<16xf32>
        %add3A_400 = arith.addf %add3A_393, %get3A_399 : vector<16xf32>
        %max3A_401 = arith.constant 0.000000e+00 : f32
        %max3A_402 = vector.broadcast %max3A_401 : f32 to vector<16xf32>
        %max3A_403 = arith.maximumf %add3A_400, %max3A_402 : vector<16xf32>
        %swap3A_404 = arith.constant 1 : i32
        %swap3A_405 = arith.index_cast %swap3A_404 : i32 to index
        %swap3A_406 = arith.index_cast %scan3A_380 : i32 to index
        %swap3A_407 = arith.constant 0 : index
        %swap3A_408 = tpu.vector_load %arg14[%swap3A_405, %swap3A_406, %swap3A_407] {strides = array<i32>} : memref<2x125x16xf32, #tpu.memory_space<vmem>>, vector<1x1x16xf32>,
        %swap3A_409 = vector.shape_cast %swap3A_408 : vector<1x1x16xf32> to vector<16xf32>
        %swap3A_410 = vector.shape_cast %max3A_403 : vector<16xf32> to vector<1x1x16xf32>
        tpu.vector_store %arg14[%swap3A_405, %swap3A_406, %swap3A_407], %swap3A_410 {strides = array<i32>} : memref<2x125x16xf32, #tpu.memory_space<vmem>>, vector<1x1x16xf32>,
        %scan3A_411 = arith.constant 4 : i32
        %scan3A_412 = arith.addi %scan3A_287, %scan3A_411 : i32
        %get3A_413 = arith.constant 1 : i32
        %get3A_414 = arith.index_cast %get3A_413 : i32 to index
        %get3A_415 = arith.index_cast %scan3A_412 : i32 to index
        %get3A_416 = arith.constant 0 : index
        %get3A_417 = tpu.vector_load %arg13[%get3A_414, %get3A_415, %get3A_416] {strides = array<i32>} : memref<2x125x16xf32, #tpu.memory_space<vmem>>, vector<1x1x16xf32>,
        %get3A_418 = vector.shape_cast %get3A_417 : vector<1x1x16xf32> to vector<16xf32>
        %get3A_419 = arith.constant 1 : i32
        %get3A_420 = arith.index_cast %get3A_419 : i32 to index
        %get3A_421 = arith.index_cast %scan3A_412 : i32 to index
        %get3A_422 = arith.constant 0 : index
        %get3A_423 = tpu.vector_load %arg11[%get3A_420, %get3A_421, %get3A_422] {strides = array<i32>} : memref<2x125x16xf32, #tpu.memory_space<vmem>>, vector<1x1x16xf32>,
        %get3A_424 = vector.shape_cast %get3A_423 : vector<1x1x16xf32> to vector<16xf32>
        %add3A_425 = arith.addf %get3A_418, %get3A_424 : vector<16xf32>
        %get3A_426 = arith.constant 1 : i32
        %get3A_427 = arith.index_cast %get3A_426 : i32 to index
        %get3A_428 = arith.index_cast %scan3A_412 : i32 to index
        %get3A_429 = arith.constant 0 : index
        %get3A_430 = tpu.vector_load %arg12[%get3A_427, %get3A_428, %get3A_429] {strides = array<i32>} : memref<2x125x16xf32, #tpu.memory_space<vmem>>, vector<1x1x16xf32>,
        %get3A_431 = vector.shape_cast %get3A_430 : vector<1x1x16xf32> to vector<16xf32>
        %add3A_432 = arith.addf %add3A_425, %get3A_431 : vector<16xf32>
        %max3A_433 = arith.constant 0.000000e+00 : f32
        %max3A_434 = vector.broadcast %max3A_433 : f32 to vector<16xf32>
        %max3A_435 = arith.maximumf %add3A_432, %max3A_434 : vector<16xf32>
        %swap3A_436 = arith.constant 1 : i32
        %swap3A_437 = arith.index_cast %swap3A_436 : i32 to index
        %swap3A_438 = arith.index_cast %scan3A_412 : i32 to index
        %swap3A_439 = arith.constant 0 : index
        %swap3A_440 = tpu.vector_load %arg14[%swap3A_437, %swap3A_438, %swap3A_439] {strides = array<i32>} : memref<2x125x16xf32, #tpu.memory_space<vmem>>, vector<1x1x16xf32>,
        %swap3A_441 = vector.shape_cast %swap3A_440 : vector<1x1x16xf32> to vector<16xf32>
        %swap3A_442 = vector.shape_cast %max3A_435 : vector<16xf32> to vector<1x1x16xf32>
        tpu.vector_store %arg14[%swap3A_437, %swap3A_438, %swap3A_439], %swap3A_442 {strides = array<i32>} : memref<2x125x16xf32, #tpu.memory_space<vmem>>, vector<1x1x16xf32>,
      }
      %scan3A_259 = arith.constant 125 : i32
      %mul3A_260 = arith.constant 125 : i32
      %mul3A_261 = arith.muli %add3A_203, %mul3A_260 : i32
      %add3A_262 = arith.addi %mul3A_13, %mul3A_261 : i32
      %dma_start3A_263 = arith.constant 1 : i32
      %dma_start3A_264 = arith.constant 0 : i32
      %dma_start3A_265 = arith.constant 0 : i32
      %dma_start3A_266 = tpu.memref_slice %arg14[%dma_start3A_263, %dma_start3A_264, %dma_start3A_265] : memref<2x125x16xf32, #tpu.memory_space<vmem>> -> memref<1x125x16xf32, #tpu.memory_space<vmem>>
      %dma_start3A_267 = tpu.memref_squeeze %dma_start3A_266 : memref<1x125x16xf32, #tpu.memory_space<vmem>> -> memref<125x16xf32, #tpu.memory_space<vmem>>
      %dma_start3A_268 = arith.constant 0 : i32
      %dma_start3A_269 = tpu.memref_slice %arg7[%add3A_262, %dma_start3A_268] : memref<160000x16xf32, #tpu.memory_space<hbm>> -> memref<125x16xf32, #tpu.memory_space<hbm>>
      %dma_start3A_270 = arith.constant 0 : i32
      %dma_start3A_271 = tpu.memref_slice %arg7[%add3A_262, %dma_start3A_270] : memref<160000x16xf32, #tpu.memory_space<hbm>> -> memref<125x16xf32, #tpu.memory_space<hbm>>
      %dma_start3A_272 = arith.constant 0 : i32
      %dma_start3A_273 = arith.constant 0 : i32
      %dma_start3A_274 = tpu.memref_slice %arg14[%dma_start3A_263, %dma_start3A_272, %dma_start3A_273] : memref<2x125x16xf32, #tpu.memory_space<vmem>> -> memref<1x125x16xf32, #tpu.memory_space<vmem>>
      %dma_start3A_275 = tpu.memref_squeeze %dma_start3A_274 : memref<1x125x16xf32, #tpu.memory_space<vmem>> -> memref<125x16xf32, #tpu.memory_space<vmem>>
      tpu.enqueue_dma source(%dma_start3A_275 : memref<125x16xf32, #tpu.memory_space<vmem>>) target(%dma_start3A_271 : memref<125x16xf32, #tpu.memory_space<hbm>>) target_semaphore(%arg24 : memref<!tpu.dma_semaphore, #tpu.memory_space<semaphore_mem>>)
      %dma_start3A_276 = arith.constant 1 : i32
      %dma_start3A_277 = arith.constant 0 : i32
      %dma_start3A_278 = arith.constant 0 : i32
      %dma_start3A_279 = tpu.memref_slice %arg14[%dma_start3A_276, %dma_start3A_277, %dma_start3A_278] : memref<2x125x16xf32, #tpu.memory_space<vmem>> -> memref<1x125x16xf32, #tpu.memory_space<vmem>>
      %dma_start3A_280 = tpu.memref_squeeze %dma_start3A_279 : memref<1x125x16xf32, #tpu.memory_space<vmem>> -> memref<125x16xf32, #tpu.memory_space<vmem>>
      %dma_start3A_281 = arith.constant 0 : i32
      %dma_start3A_282 = tpu.memref_slice %arg10[%add3A_203, %dma_start3A_281] : memref<40x125xi32, #tpu.memory_space<vmem>> -> memref<1x125xi32, #tpu.memory_space<vmem>>
      %dma_start3A_283 = tpu.memref_squeeze %dma_start3A_282 : memref<1x125xi32, #tpu.memory_space<vmem>> -> memref<125xi32, #tpu.memory_space<vmem>>
      %dma_start3A_284 = arith.constant 0 : i32
      %dma_start3A_285 = arith.constant 0 : i32
      %dma_start3A_286 = tpu.memref_slice %arg16[%dma_start3A_284, %dma_start3A_285] : memref<10240x16xf32, #tpu.memory_space<vmem_shared>> -> memref<10240x16xf32, #tpu.memory_space<vmem_shared>>
      tpu.enqueue_indirect_dma source(%dma_start3A_280 : memref<125x16xf32, #tpu.memory_space<vmem>>) target(%dma_start3A_286 : memref<10240x16xf32, #tpu.memory_space<vmem_shared>>) offsets(%dma_start3A_283 : memref<125xi32, #tpu.memory_space<vmem>>) semaphore(%arg26 : memref<!tpu.dma_semaphore, #tpu.memory_space<semaphore_mem>>) {add = true}
    }
    %scan3A_59 = arith.constant 20 : i32
    %add3A_60 = arith.constant 4750 : i32
    %add3A_61 = arith.addi %mul3A_13, %add3A_60 : i32
    %dma_wait3A = arith.constant 0 : i32
    %dma_wait3A_62 = arith.constant 0 : i32
    %dma_wait3A_63 = arith.constant 0 : i32
    %dma_wait3A_64 = tpu.memref_slice %arg14[%dma_wait3A, %dma_wait3A_62, %dma_wait3A_63] : memref<2x125x16xf32, #tpu.memory_space<vmem>> -> memref<1x125x16xf32, #tpu.memory_space<vmem>>
    %dma_wait3A_65 = tpu.memref_squeeze %dma_wait3A_64 : memref<1x125x16xf32, #tpu.memory_space<vmem>> -> memref<125x16xf32, #tpu.memory_space<vmem>>
    %dma_wait3A_66 = arith.constant 0 : i32
    %dma_wait3A_67 = tpu.memref_slice %arg7[%add3A_61, %dma_wait3A_66] : memref<160000x16xf32, #tpu.memory_space<hbm>> -> memref<125x16xf32, #tpu.memory_space<hbm>>
    %dma_wait3A_68 = arith.constant 0 : i32
    %dma_wait3A_69 = tpu.memref_slice %arg7[%add3A_61, %dma_wait3A_68] : memref<160000x16xf32, #tpu.memory_space<hbm>> -> memref<125x16xf32, #tpu.memory_space<hbm>>
    %dma_wait3A_70 = arith.constant 0 : i32
    %dma_wait3A_71 = arith.constant 0 : i32
    %dma_wait3A_72 = tpu.memref_slice %arg14[%dma_wait3A, %dma_wait3A_70, %dma_wait3A_71] : memref<2x125x16xf32, #tpu.memory_space<vmem>> -> memref<1x125x16xf32, #tpu.memory_space<vmem>>
    %dma_wait3A_73 = tpu.memref_squeeze %dma_wait3A_72 : memref<1x125x16xf32, #tpu.memory_space<vmem>> -> memref<125x16xf32, #tpu.memory_space<vmem>>
    tpu.wait_dma2 semaphore(%arg23 : memref<!tpu.dma_semaphore, #tpu.memory_space<semaphore_mem>>) src(%dma_wait3A_73 : memref<125x16xf32, #tpu.memory_space<vmem>>) dst(%dma_wait3A_69 : memref<125x16xf32, #tpu.memory_space<hbm>>)
    %dma_wait3A_74 = arith.constant 0 : i32
    %dma_wait3A_75 = arith.constant 38 : i32
    %dma_wait3A_76 = arith.constant 0 : i32
    %dma_wait3A_77 = arith.constant 0 : i32
    %dma_wait3A_78 = tpu.memref_slice %arg14[%dma_wait3A_74, %dma_wait3A_76, %dma_wait3A_77] : memref<2x125x16xf32, #tpu.memory_space<vmem>> -> memref<1x125x16xf32, #tpu.memory_space<vmem>>
    %dma_wait3A_79 = tpu.memref_squeeze %dma_wait3A_78 : memref<1x125x16xf32, #tpu.memory_space<vmem>> -> memref<125x16xf32, #tpu.memory_space<vmem>>
    %dma_wait3A_80 = arith.constant 0 : i32
    %dma_wait3A_81 = tpu.memref_slice %arg10[%dma_wait3A_75, %dma_wait3A_80] : memref<40x125xi32, #tpu.memory_space<vmem>> -> memref<1x125xi32, #tpu.memory_space<vmem>>
    %dma_wait3A_82 = tpu.memref_squeeze %dma_wait3A_81 : memref<1x125xi32, #tpu.memory_space<vmem>> -> memref<125xi32, #tpu.memory_space<vmem>>
    %dma_wait3A_83 = arith.constant 0 : i32
    %dma_wait3A_84 = arith.constant 0 : i32
    %dma_wait3A_85 = tpu.memref_slice %arg16[%dma_wait3A_83, %dma_wait3A_84] : memref<10240x16xf32, #tpu.memory_space<vmem_shared>> -> memref<10240x16xf32, #tpu.memory_space<vmem_shared>>
    tpu.wait_indirect_dma semaphore(%arg25 : memref<!tpu.dma_semaphore, #tpu.memory_space<semaphore_mem>>) src(%dma_wait3A_79 : memref<125x16xf32, #tpu.memory_space<vmem>>) dst(%dma_wait3A_85 : memref<10240x16xf32, #tpu.memory_space<vmem_shared>>)
    %add3A_86 = arith.constant 4875 : i32
    %add3A_87 = arith.addi %mul3A_13, %add3A_86 : i32
    %dma_wait3A_88 = arith.constant 1 : i32
    %dma_wait3A_89 = arith.constant 0 : i32
    %dma_wait3A_90 = arith.constant 0 : i32
    %dma_wait3A_91 = tpu.memref_slice %arg14[%dma_wait3A_88, %dma_wait3A_89, %dma_wait3A_90] : memref<2x125x16xf32, #tpu.memory_space<vmem>> -> memref<1x125x16xf32, #tpu.memory_space<vmem>>
    %dma_wait3A_92 = tpu.memref_squeeze %dma_wait3A_91 : memref<1x125x16xf32, #tpu.memory_space<vmem>> -> memref<125x16xf32, #tpu.memory_space<vmem>>
    %dma_wait3A_93 = arith.constant 0 : i32
    %dma_wait3A_94 = tpu.memref_slice %arg7[%add3A_87, %dma_wait3A_93] : memref<160000x16xf32, #tpu.memory_space<hbm>> -> memref<125x16xf32, #tpu.memory_space<hbm>>
    %dma_wait3A_95 = arith.constant 0 : i32
    %dma_wait3A_96 = tpu.memref_slice %arg7[%add3A_87, %dma_wait3A_95] : memref<160000x16xf32, #tpu.memory_space<hbm>> -> memref<125x16xf32, #tpu.memory_space<hbm>>
    %dma_wait3A_97 = arith.constant 0 : i32
    %dma_wait3A_98 = arith.constant 0 : i32
    %dma_wait3A_99 = tpu.memref_slice %arg14[%dma_wait3A_88, %dma_wait3A_97, %dma_wait3A_98] : memref<2x125x16xf32, #tpu.memory_space<vmem>> -> memref<1x125x16xf32, #tpu.memory_space<vmem>>
    %dma_wait3A_100 = tpu.memref_squeeze %dma_wait3A_99 : memref<1x125x16xf32, #tpu.memory_space<vmem>> -> memref<125x16xf32, #tpu.memory_space<vmem>>
    tpu.wait_dma2 semaphore(%arg24 : memref<!tpu.dma_semaphore, #tpu.memory_space<semaphore_mem>>) src(%dma_wait3A_100 : memref<125x16xf32, #tpu.memory_space<vmem>>) dst(%dma_wait3A_96 : memref<125x16xf32, #tpu.memory_space<hbm>>)
    %dma_wait3A_101 = arith.constant 1 : i32
    %dma_wait3A_102 = arith.constant 39 : i32
    %dma_wait3A_103 = arith.constant 0 : i32
    %dma_wait3A_104 = arith.constant 0 : i32
    %dma_wait3A_105 = tpu.memref_slice %arg14[%dma_wait3A_101, %dma_wait3A_103, %dma_wait3A_104] : memref<2x125x16xf32, #tpu.memory_space<vmem>> -> memref<1x125x16xf32, #tpu.memory_space<vmem>>
    %dma_wait3A_106 = tpu.memref_squeeze %dma_wait3A_105 : memref<1x125x16xf32, #tpu.memory_space<vmem>> -> memref<125x16xf32, #tpu.memory_space<vmem>>
    %dma_wait3A_107 = arith.constant 0 : i32
    %dma_wait3A_108 = tpu.memref_slice %arg10[%dma_wait3A_102, %dma_wait3A_107] : memref<40x125xi32, #tpu.memory_space<vmem>> -> memref<1x125xi32, #tpu.memory_space<vmem>>
    %dma_wait3A_109 = tpu.memref_squeeze %dma_wait3A_108 : memref<1x125xi32, #tpu.memory_space<vmem>> -> memref<125xi32, #tpu.memory_space<vmem>>
    %dma_wait3A_110 = arith.constant 0 : i32
    %dma_wait3A_111 = arith.constant 0 : i32
    %dma_wait3A_112 = tpu.memref_slice %arg16[%dma_wait3A_110, %dma_wait3A_111] : memref<10240x16xf32, #tpu.memory_space<vmem_shared>> -> memref<10240x16xf32, #tpu.memory_space<vmem_shared>>
    tpu.wait_indirect_dma semaphore(%arg26 : memref<!tpu.dma_semaphore, #tpu.memory_space<semaphore_mem>>) src(%dma_wait3A_106 : memref<125x16xf32, #tpu.memory_space<vmem>>) dst(%dma_wait3A_112 : memref<10240x16xf32, #tpu.memory_space<vmem_shared>>)
    %barrier3A_113 = arith.constant 0 : index
    tpu.barrier barrier_id(%barrier3A_113)
    %mul3A_114 = arith.constant 640 : i32
    %mul3A_115 = arith.muli %arg1, %mul3A_114 : i32
    "tpu.region"() ({
      %run_scoped3A = tpu.sem_alloc : memref<!tpu.dma_semaphore, #tpu.memory_space<semaphore_mem>>
      %dma_start3A_116 = arith.constant 0 : i32
      %dma_start3A_117 = arith.constant 0 : i32
      %dma_start3A_118 = tpu.memref_slice %arg8[%arg0, %dma_start3A_116, %dma_start3A_117] : memref<2x10240x16xf32, #tpu.memory_space<hbm>> -> memref<1x10240x16xf32, #tpu.memory_space<hbm>>
      %dma_start3A_119 = tpu.memref_squeeze %dma_start3A_118 : memref<1x10240x16xf32, #tpu.memory_space<hbm>> -> memref<10240x16xf32, #tpu.memory_space<hbm>>
      %dma_start3A_120 = arith.constant 0 : i32
      %dma_start3A_121 = tpu.memref_slice %dma_start3A_119[%mul3A_115, %dma_start3A_120] : memref<10240x16xf32, #tpu.memory_space<hbm>> -> memref<640x16xf32, #tpu.memory_space<hbm>>
      %dma_start3A_122 = arith.constant 0 : i32
      %dma_start3A_123 = tpu.memref_slice %arg16[%mul3A_115, %dma_start3A_122] : memref<10240x16xf32, #tpu.memory_space<vmem_shared>> -> memref<640x16xf32, #tpu.memory_space<vmem_shared>>
      tpu.enqueue_dma source(%dma_start3A_123 : memref<640x16xf32, #tpu.memory_space<vmem_shared>>) target(%dma_start3A_121 : memref<640x16xf32, #tpu.memory_space<hbm>>) target_semaphore(%run_scoped3A : memref<!tpu.dma_semaphore, #tpu.memory_space<semaphore_mem>>)
      %dma_wait3A_124 = arith.constant 0 : i32
      %dma_wait3A_125 = arith.constant 0 : i32
      %dma_wait3A_126 = tpu.memref_slice %arg8[%arg0, %dma_wait3A_124, %dma_wait3A_125] : memref<2x10240x16xf32, #tpu.memory_space<hbm>> -> memref<1x10240x16xf32, #tpu.memory_space<hbm>>
      %dma_wait3A_127 = tpu.memref_squeeze %dma_wait3A_126 : memref<1x10240x16xf32, #tpu.memory_space<hbm>> -> memref<10240x16xf32, #tpu.memory_space<hbm>>
      %dma_wait3A_128 = arith.constant 0 : i32
      %dma_wait3A_129 = tpu.memref_slice %dma_wait3A_127[%mul3A_115, %dma_wait3A_128] : memref<10240x16xf32, #tpu.memory_space<hbm>> -> memref<640x16xf32, #tpu.memory_space<hbm>>
      %dma_wait3A_130 = arith.constant 0 : i32
      %dma_wait3A_131 = tpu.memref_slice %arg16[%mul3A_115, %dma_wait3A_130] : memref<10240x16xf32, #tpu.memory_space<vmem_shared>> -> memref<640x16xf32, #tpu.memory_space<vmem_shared>>
      tpu.wait_dma2 semaphore(%run_scoped3A : memref<!tpu.dma_semaphore, #tpu.memory_space<semaphore_mem>>) src(%dma_wait3A_131 : memref<640x16xf32, #tpu.memory_space<vmem_shared>>) dst(%dma_wait3A_129 : memref<640x16xf32, #tpu.memory_space<hbm>>)
      tpu.yield
    }) : () -> ()
    return
  }
}

module attributes {stable_mosaic.version = 14 : i64} {
  func.func @_proj_body(%arg0: i32, %arg1: memref<1000x128xf32, #tpu.memory_space<vmem>>, %arg2: memref<128x32xf32, #tpu.memory_space<vmem>>, %arg3: memref<1000x16xf32, #tpu.memory_space<vmem>>, %arg4: memref<1000x16xf32, #tpu.memory_space<vmem>>) attributes {dimension_semantics = [#tpu.dimension_semantics<arbitrary>], iteration_bounds = array<i64: 10>, scalar_prefetch = 0 : i64, scratch_operands = 0 : i64, tpu.core_type = #tpu.core_type<tc>, window_params = [{transform_indices = @transform_0, window_bounds = array<i64: 1000, 128>}, {pipeline_mode = #tpu.pipeline_mode<synchronous>, transform_indices = @transform_1, window_bounds = array<i64: 128, 32>}, {transform_indices = @transform_2, window_bounds = array<i64: 1000, 16>}, {transform_indices = @transform_3, window_bounds = array<i64: 1000, 16>}]} {
    %get3A = arith.constant 0 : index
    %get3A_0 = arith.constant 0 : index
    %get3A_1 = vector.load %arg1[%get3A, %get3A_0] : memref<1000x128xf32, #tpu.memory_space<vmem>>, vector<1000x128xf32>
    %get3A_2 = arith.constant 0 : index
    %get3A_3 = arith.constant 0 : index
    %get3A_4 = vector.load %arg2[%get3A_2, %get3A_3] : memref<128x32xf32, #tpu.memory_space<vmem>>, vector<128x32xf32>
    %dot_general3A = arith.constant dense<0.000000e+00> : vector<1000x32xf32>
    %dot_general3A_5 = tpu.matmul %get3A_1, %get3A_4, %dot_general3A {dimension_numbers = #tpu.dot_dimension_numbers<[1], [0], [0], [1], [0, 0, 1, 1], [], []>, transpose_lhs_hint = false} : vector<1000x128xf32>, vector<128x32xf32>, vector<1000x32xf32> -> vector<1000x32xf32>
    %slice3A = vector.extract_strided_slice %dot_general3A_5 {offsets = [0, 0], sizes = [1000, 16], strides = [1, 1]} : vector<1000x32xf32> to vector<1000x16xf32>
    %swap3A = arith.constant 0 : index
    %swap3A_6 = arith.constant 0 : index
    %swap3A_7 = vector.load %arg3[%swap3A, %swap3A_6] : memref<1000x16xf32, #tpu.memory_space<vmem>>, vector<1000x16xf32>
    tpu.vector_store %arg3[%swap3A, %swap3A_6], %slice3A {strides = array<i32>} : memref<1000x16xf32, #tpu.memory_space<vmem>>, vector<1000x16xf32>,
    %slice3A_8 = vector.extract_strided_slice %dot_general3A_5 {offsets = [0, 16], sizes = [1000, 16], strides = [1, 1]} : vector<1000x32xf32> to vector<1000x16xf32>
    %swap3A_9 = arith.constant 0 : index
    %swap3A_10 = arith.constant 0 : index
    %swap3A_11 = vector.load %arg4[%swap3A_9, %swap3A_10] : memref<1000x16xf32, #tpu.memory_space<vmem>>, vector<1000x16xf32>
    tpu.vector_store %arg4[%swap3A_9, %swap3A_10], %slice3A_8 {strides = array<i32>} : memref<1000x16xf32, #tpu.memory_space<vmem>>, vector<1000x16xf32>,
    return
  }
  func.func @transform_0(%arg0: i32) -> (i32, i32) {
    %c0_i32 = arith.constant 0 : i32
    %c0_i32_0 = arith.constant 0 : i32
    return %arg0, %c0_i32 : i32, i32
  }
  func.func @transform_1(%arg0: i32) -> (i32, i32) {
    %c0_i32 = arith.constant 0 : i32
    %c0_i32_0 = arith.constant 0 : i32
    %c0_i32_1 = arith.constant 0 : i32
    return %c0_i32, %c0_i32_0 : i32, i32
  }
  func.func @transform_2(%arg0: i32) -> (i32, i32) {
    %c0_i32 = arith.constant 0 : i32
    %c0_i32_0 = arith.constant 0 : i32
    return %arg0, %c0_i32 : i32, i32
  }
  func.func @transform_3(%arg0: i32) -> (i32, i32) {
    %c0_i32 = arith.constant 0 : i32
    %c0_i32_0 = arith.constant 0 : i32
    return %arg0, %c0_i32 : i32, i32
  }
}

module attributes {stable_mosaic.version = 14 : i64} {
  func.func @_pe_body(%arg0: i32, %arg1: memref<2000x128xf32, #tpu.memory_space<vmem>>, %arg2: memref<128x128xf32, #tpu.memory_space<vmem>>, %arg3: memref<1x128xf32, #tpu.memory_space<vmem>>, %arg4: memref<2000x128xf32, #tpu.memory_space<vmem>>) attributes {dimension_semantics = [#tpu.dimension_semantics<arbitrary>], iteration_bounds = array<i64: 20>, scalar_prefetch = 0 : i64, scratch_operands = 0 : i64, tpu.core_type = #tpu.core_type<tc>, window_params = [{transform_indices = @transform_0, window_bounds = array<i64: 2000, 128>}, {pipeline_mode = #tpu.pipeline_mode<synchronous>, transform_indices = @transform_1, window_bounds = array<i64: 128, 128>}, {pipeline_mode = #tpu.pipeline_mode<synchronous>, transform_indices = @transform_2, window_bounds = array<i64: 1, 128>}, {transform_indices = @transform_3, window_bounds = array<i64: 2000, 128>}]} {
    %get3A = arith.constant 0 : index
    %get3A_0 = arith.constant 0 : index
    %get3A_1 = vector.load %arg1[%get3A, %get3A_0] : memref<2000x128xf32, #tpu.memory_space<vmem>>, vector<2000x128xf32>
    %get3A_2 = arith.constant 0 : index
    %get3A_3 = arith.constant 0 : index
    %get3A_4 = vector.load %arg2[%get3A_2, %get3A_3] : memref<128x128xf32, #tpu.memory_space<vmem>>, vector<128x128xf32>
    %dot_general3A = arith.constant dense<0.000000e+00> : vector<2000x128xf32>
    %dot_general3A_5 = tpu.matmul %get3A_1, %get3A_4, %dot_general3A {dimension_numbers = #tpu.dot_dimension_numbers<[1], [0], [0], [1], [0, 0, 1, 1], [], []>, transpose_lhs_hint = false} : vector<2000x128xf32>, vector<128x128xf32>, vector<2000x128xf32> -> vector<2000x128xf32>
    %get3A_6 = arith.constant 0 : index
    %get3A_7 = arith.constant 0 : index
    %get3A_8 = vector.load %arg3[%get3A_6, %get3A_7] : memref<1x128xf32, #tpu.memory_space<vmem>>, vector<1x128xf32>
    %add3A = vector.broadcast %get3A_8 : vector<1x128xf32> to vector<2000x128xf32>
    %add3A_9 = arith.addf %dot_general3A_5, %add3A : vector<2000x128xf32>
    %swap3A = arith.constant 0 : index
    %swap3A_10 = arith.constant 0 : index
    %swap3A_11 = vector.load %arg4[%swap3A, %swap3A_10] : memref<2000x128xf32, #tpu.memory_space<vmem>>, vector<2000x128xf32>
    tpu.vector_store %arg4[%swap3A, %swap3A_10], %add3A_9 {strides = array<i32>} : memref<2000x128xf32, #tpu.memory_space<vmem>>, vector<2000x128xf32>,
    return
  }
  func.func @transform_0(%arg0: i32) -> (i32, i32) {
    %c0_i32 = arith.constant 0 : i32
    %c0_i32_0 = arith.constant 0 : i32
    return %arg0, %c0_i32 : i32, i32
  }
  func.func @transform_1(%arg0: i32) -> (i32, i32) {
    %c0_i32 = arith.constant 0 : i32
    %c0_i32_0 = arith.constant 0 : i32
    %c0_i32_1 = arith.constant 0 : i32
    return %c0_i32, %c0_i32_0 : i32, i32
  }
  func.func @transform_2(%arg0: i32) -> (i32, i32) {
    %c0_i32 = arith.constant 0 : i32
    %c0_i32_0 = arith.constant 0 : i32
    %c0_i32_1 = arith.constant 0 : i32
    return %c0_i32, %c0_i32_0 : i32, i32
  }
  func.func @transform_3(%arg0: i32) -> (i32, i32) {
    %c0_i32 = arith.constant 0 : i32
    %c0_i32_0 = arith.constant 0 : i32
    return %arg0, %c0_i32 : i32, i32
  }
}

module attributes {stable_mosaic.version = 14 : i64} {
  func.func @_vout_body(%arg0: i32, %arg1: memref<1000x128xf32, #tpu.memory_space<vmem>>, %arg2: memref<2x1000x16xf32, #tpu.memory_space<vmem>>, %arg3: memref<2x1000x16xf32, #tpu.memory_space<vmem>>, %arg4: memref<128x128xf32, #tpu.memory_space<vmem>>, %arg5: memref<16x128xf32, #tpu.memory_space<vmem>>, %arg6: memref<1x128xf32, #tpu.memory_space<vmem>>, %arg7: memref<1000x128xf32, #tpu.memory_space<vmem>>) attributes {dimension_semantics = [#tpu.dimension_semantics<arbitrary>], iteration_bounds = array<i64: 10>, scalar_prefetch = 0 : i64, scratch_operands = 0 : i64, tpu.core_type = #tpu.core_type<tc>, window_params = [{transform_indices = @transform_0, window_bounds = array<i64: 1000, 128>}, {transform_indices = @transform_1, window_bounds = array<i64: 2, 1000, 16>}, {transform_indices = @transform_2, window_bounds = array<i64: 2, 1000, 16>}, {pipeline_mode = #tpu.pipeline_mode<synchronous>, transform_indices = @transform_3, window_bounds = array<i64: 128, 128>}, {pipeline_mode = #tpu.pipeline_mode<synchronous>, transform_indices = @transform_4, window_bounds = array<i64: 16, 128>}, {pipeline_mode = #tpu.pipeline_mode<synchronous>, transform_indices = @transform_5, window_bounds = array<i64: 1, 128>}, {transform_indices = @transform_6, window_bounds = array<i64: 1000, 128>}]} {
    %get3A = arith.constant 0 : index
    %get3A_0 = arith.constant 0 : index
    %get3A_1 = arith.constant 0 : index
    %get3A_2 = vector.load %arg2[%get3A, %get3A_0, %get3A_1] : memref<2x1000x16xf32, #tpu.memory_space<vmem>>, vector<1x1000x16xf32>
    %get3A_3 = vector.shape_cast %get3A_2 : vector<1x1000x16xf32> to vector<1000x16xf32>
    %get3A_4 = arith.constant 1 : index
    %get3A_5 = arith.constant 0 : index
    %get3A_6 = arith.constant 0 : index
    %get3A_7 = vector.load %arg2[%get3A_4, %get3A_5, %get3A_6] : memref<2x1000x16xf32, #tpu.memory_space<vmem>>, vector<1x1000x16xf32>
    %get3A_8 = vector.shape_cast %get3A_7 : vector<1x1000x16xf32> to vector<1000x16xf32>
    %add3A = arith.addf %get3A_3, %get3A_8 : vector<1000x16xf32>
    %get3A_9 = arith.constant 0 : index
    %get3A_10 = arith.constant 0 : index
    %get3A_11 = arith.constant 0 : index
    %get3A_12 = vector.load %arg3[%get3A_9, %get3A_10, %get3A_11] : memref<2x1000x16xf32, #tpu.memory_space<vmem>>, vector<1x1000x16xf32>
    %get3A_13 = vector.shape_cast %get3A_12 : vector<1x1000x16xf32> to vector<1000x16xf32>
    %add3A_14 = arith.addf %add3A, %get3A_13 : vector<1000x16xf32>
    %get3A_15 = arith.constant 1 : index
    %get3A_16 = arith.constant 0 : index
    %get3A_17 = arith.constant 0 : index
    %get3A_18 = vector.load %arg3[%get3A_15, %get3A_16, %get3A_17] : memref<2x1000x16xf32, #tpu.memory_space<vmem>>, vector<1x1000x16xf32>
    %get3A_19 = vector.shape_cast %get3A_18 : vector<1x1000x16xf32> to vector<1000x16xf32>
    %add3A_20 = arith.addf %add3A_14, %get3A_19 : vector<1000x16xf32>
    %get3A_21 = arith.constant 0 : index
    %get3A_22 = arith.constant 0 : index
    %get3A_23 = vector.load %arg1[%get3A_21, %get3A_22] : memref<1000x128xf32, #tpu.memory_space<vmem>>, vector<1000x128xf32>
    %get3A_24 = arith.constant 0 : index
    %get3A_25 = arith.constant 0 : index
    %get3A_26 = vector.load %arg4[%get3A_24, %get3A_25] : memref<128x128xf32, #tpu.memory_space<vmem>>, vector<128x128xf32>
    %dot_general3A = arith.constant dense<0.000000e+00> : vector<1000x128xf32>
    %dot_general3A_27 = tpu.matmul %get3A_23, %get3A_26, %dot_general3A {dimension_numbers = #tpu.dot_dimension_numbers<[1], [0], [0], [1], [0, 0, 1, 1], [], []>, transpose_lhs_hint = false} : vector<1000x128xf32>, vector<128x128xf32>, vector<1000x128xf32> -> vector<1000x128xf32>
    %get3A_28 = arith.constant 0 : index
    %get3A_29 = arith.constant 0 : index
    %get3A_30 = vector.load %arg5[%get3A_28, %get3A_29] : memref<16x128xf32, #tpu.memory_space<vmem>>, vector<16x128xf32>
    %dot_general3A_31 = arith.constant dense<0.000000e+00> : vector<1000x128xf32>
    %dot_general3A_32 = tpu.matmul %add3A_20, %get3A_30, %dot_general3A_31 {dimension_numbers = #tpu.dot_dimension_numbers<[1], [0], [0], [1], [0, 0, 1, 1], [], []>, transpose_lhs_hint = false} : vector<1000x16xf32>, vector<16x128xf32>, vector<1000x128xf32> -> vector<1000x128xf32>
    %add3A_33 = arith.addf %dot_general3A_27, %dot_general3A_32 : vector<1000x128xf32>
    %get3A_34 = arith.constant 0 : index
    %get3A_35 = arith.constant 0 : index
    %get3A_36 = vector.load %arg6[%get3A_34, %get3A_35] : memref<1x128xf32, #tpu.memory_space<vmem>>, vector<1x128xf32>
    %add3A_37 = vector.broadcast %get3A_36 : vector<1x128xf32> to vector<1000x128xf32>
    %add3A_38 = arith.addf %add3A_33, %add3A_37 : vector<1000x128xf32>
    %max3A = arith.constant 0.000000e+00 : f32
    %max3A_39 = vector.broadcast %max3A : f32 to vector<1000x128xf32>
    %max3A_40 = arith.maximumf %add3A_38, %max3A_39 : vector<1000x128xf32>
    %swap3A = arith.constant 0 : index
    %swap3A_41 = arith.constant 0 : index
    %swap3A_42 = vector.load %arg7[%swap3A, %swap3A_41] : memref<1000x128xf32, #tpu.memory_space<vmem>>, vector<1000x128xf32>
    tpu.vector_store %arg7[%swap3A, %swap3A_41], %max3A_40 {strides = array<i32>} : memref<1000x128xf32, #tpu.memory_space<vmem>>, vector<1000x128xf32>,
    return
  }
  func.func @transform_0(%arg0: i32) -> (i32, i32) {
    %c0_i32 = arith.constant 0 : i32
    %c0_i32_0 = arith.constant 0 : i32
    return %arg0, %c0_i32 : i32, i32
  }
  func.func @transform_1(%arg0: i32) -> (i32, i32, i32) {
    %c0_i32 = arith.constant 0 : i32
    %c0_i32_0 = arith.constant 0 : i32
    %c0_i32_1 = arith.constant 0 : i32
    return %c0_i32, %arg0, %c0_i32_0 : i32, i32, i32
  }
  func.func @transform_2(%arg0: i32) -> (i32, i32, i32) {
    %c0_i32 = arith.constant 0 : i32
    %c0_i32_0 = arith.constant 0 : i32
    %c0_i32_1 = arith.constant 0 : i32
    return %c0_i32, %arg0, %c0_i32_0 : i32, i32, i32
  }
  func.func @transform_3(%arg0: i32) -> (i32, i32) {
    %c0_i32 = arith.constant 0 : i32
    %c0_i32_0 = arith.constant 0 : i32
    %c0_i32_1 = arith.constant 0 : i32
    return %c0_i32, %c0_i32_0 : i32, i32
  }
  func.func @transform_4(%arg0: i32) -> (i32, i32) {
    %c0_i32 = arith.constant 0 : i32
    %c0_i32_0 = arith.constant 0 : i32
    %c0_i32_1 = arith.constant 0 : i32
    return %c0_i32, %c0_i32_0 : i32, i32
  }
  func.func @transform_5(%arg0: i32) -> (i32, i32) {
    %c0_i32 = arith.constant 0 : i32
    %c0_i32_0 = arith.constant 0 : i32
    %c0_i32_1 = arith.constant 0 : i32
    return %c0_i32, %c0_i32_0 : i32, i32
  }
  func.func @transform_6(%arg0: i32) -> (i32, i32) {
    %c0_i32 = arith.constant 0 : i32
    %c0_i32_0 = arith.constant 0 : i32
    return %arg0, %c0_i32 : i32, i32
  }
}

</mosaic_0001>

<sc_bundles>
// kernel: kernel.10.cloned.1.call-start
scs
__scs_entry_jumppad:
0x0: {  	(pc) =	sbr.rel $0x88, $3  }
0x1: {  	(tag) =	ssettag $0x0;
	lr =	simm.s32 $0x1  }
0x2: {  	[smem:$0x3F9A] =	sst lr;
	_ =	strace $0xD0000000  }
0x3: {  	_ = 	snop  }
0x4: {  	_ = 	snop  }
0x5: {  	_ = 	snop  }
0x6: {  	_ = 	snop  }
0x7: {  	_ = 	snop  }
__scs_overlays_trampoline_lowered:
0x8: {  	[smem:$0x3FA9] =	sst s0  }
0x9: {  	[smem:$0x3FAA] =	sst s1  }
0xa: {  	[smem:$0x3FAB] =	sst s2  }
0xb: {  	[smem:$0x3FAC] =	sst s3  }
0xc: {  	[smem:$0x3FAD] =	sst s4  }
0xd: {  	[smem:$0x3FAE] =	sst s5  }
0xe: {  	[smem:$0x3FAF] =	sst s6  }
0xf: {  	[smem:$0x3FB0] =	sst s7  }
0x10: {  	[smem:$0x3FB1] =	sst s8  }
0x11: {  	[smem:$0x3FB2] =	sst s9;
	s0 =	simm.s32 @!p0 $0x0  }
0x12: {  	s1 =	sld [smem:$0x3F98];
	s0 =	simm.s32 @p0 $0x1  }
0x13: {  	[smem:$0x3FB3] =	sst s0;
	s0 =	simm.s32 @!p1 $0x0  }
0x14: {  	s2 =	sld [smem:$0x3F97];
	s0 =	simm.s32 @p1 $0x1  }
0x15: {  	[smem:$0x3FB4] =	sst s0;
	s0 =	simm.s32 @!p2 $0x0  }
0x16: {  	s3 =	sld [smem:$0x3FDB];
	s0 =	simm.s32 @p2 $0x1  }
0x17: {  	s4 =	simm.s32 $0x1BF5;
	[smem:$0x3FB6] =	sst s0  }
0x18: {  	s0 =	sld [smem:$0x3F99];
	_ =	swait.ge [sflag:s4], $0x0  }
0x19: {  	s7 =	sld [smem:$0x3F9A]  }
0x1a: {  	s8 =	sadd.s32 $0xFFFFE003, lr  }
0x1b: {  	s9 =	sadd.s32 $0xFFFFFEF7, lr;
	s5 =	simm.s32 $0xFFFFFFFF;
	p2 =	slt.u32 s8, $0xFFFFF086  }
0x1c: {  	p1 =	slt.u32 s9, $0xF7A;
	s5 =	simm.s32 @!p2 $0x0  }
0x1d: {  	s5 =	simm.s32 @p1 $0x1;
	p0 =	seq.s32 s7, s2  }
0x1e: {  	s7 =	smul.u32 @!p0 $0xF7A, s2;
	p2 =	seq.s32 @!p0 s5, $0x0  }
0x1f: {  	s9 =	smul.u32 $0xF7A, s1;
	s8 =	simm.s32 @!p0 $0x1BF5;
	p2 =	por !p2, p0  }
0x20: {  	[sflag:s8] =	ssyncset.s32 @!p0 $0xFFFFF086;
	s6 =	sadd.s32 @!p0 s3, s7;
	s7 =	simm.s32 @!p0 $0x108  }
0x21: {  	s3 =	sadd.s32 s3, s9;
	s6 =	sadd.s32 @!p0 $0x88, s6;
	s7 =	simm.s32 @p2 $0x1082  }
0x22: {  	[simem:s7], [sflag:s8] =	dma.local @!p0 [hbm:s6], $0xF7A  }
0x23: {  	s9 =	sor.u32 $0xD0000000, s2;
	s6 =	simm.s32 $0x108;
	_ =	swait.ge @!p0 [sflag:s8], $0x0  }
0x24: {  	s3 =	sadd.s32 $0x88, s3;
	s6 =	simm.s32 @!p1 $0x1082;
	[sflag:s4] =	ssyncset.s32 $0xFFFFF086  }
0x25: {  	[simem:s6], [sflag:s4] =	dma.local [hbm:s3], $0xF7A  }
0x26: {  	[smem:$0x3F9A] =	sst s1;
	(tag) =	ssettag s2;
	_ =	strace s9  }
0x27: {  	s1 =	sld [smem:$0x3FAA]  }
0x28: {  	s2 =	sld [smem:$0x3FAB]  }
0x29: {  	s4 =	sld [smem:$0x3FAD]  }
0x2a: {  	p0 =	seq.s32 s5, $0x0;
	s5 =	sld [smem:$0x3FAE]  }
0x2b: {  	s6 =	sld [smem:$0x3FAF]  }
0x2c: {  	s7 =	sld [smem:$0x3FB0]  }
0x2d: {  	s3 =	simm.s32 $0x108;
	s8 =	sld [smem:$0x3FB1]  }
0x2e: {  	s3 =	simm.s32 @!p0 $0x1082;
	s9 =	sld [smem:$0x3FB2]  }
0x2f: {  	lr =	sadd.s32 s0, s3;
	s0 =	sld [smem:$0x3FA9]  }
0x30: {  	s3 =	sld [smem:$0x3FAC]  }
0x31: {  	[smem:$0x3FB5] =	sst s10  }
0x32: {  	s10 =	sld [smem:$0x3FB3];
	_ =	sdelay $0x3  }
0x33: {  	p0 =	seq.s32 s10, $0x1;
	s10 =	sld [smem:$0x3FB5];
	_ =	sdelay $0x3  }
0x34: {  	[smem:$0x3FB5] =	sst s10  }
0x35: {  	s10 =	sld [smem:$0x3FB4];
	_ =	sdelay $0x3  }
0x36: {  	p1 =	seq.s32 s10, $0x1;
	s10 =	sld [smem:$0x3FB5];
	_ =	sdelay $0x3  }
0x37: {  	[smem:$0x3FB5] =	sst s10  }
0x38: {  	s10 =	sld [smem:$0x3FB6]  }
0x39: {  	_ = 	snop;
	(pc) =	sbr.ind lr, $3  }
0x3a: {  	_ = 	snop  }
0x3b: {  	_ = 	snop  }
0x3c: {  	p2 =	seq.s32 s10, $0x1;
	s10 =	sld [smem:$0x3FB5]  }
0x3d: {  	_ =	shalt  }
0x3e: {  	_ =	shalt  }
0x3f: {  	_ =	shalt  }
0x40: {  	_ =	shalt  }
0x41: {  	_ =	shalt  }
0x42: {  	_ =	shalt  }
0x43: {  	_ =	shalt  }
0x44: {  	_ =	shalt  }
0x45: {  	_ =	shalt  }
0x46: {  	_ =	shalt  }
0x47: {  	_ =	shalt  }
0x48: {  	_ =	shalt  }
0x49: {  	_ =	shalt  }
0x4a: {  	_ =	shalt  }
0x4b: {  	_ =	shalt  }
0x4c: {  	_ =	shalt  }
0x4d: {  	_ =	shalt  }
0x4e: {  	_ =	shalt  }
0x4f: {  	_ =	shalt  }
0x50: {  	_ =	shalt  }
0x51: {  	_ =	shalt  }
0x52: {  	_ =	shalt  }
0x53: {  	_ =	shalt  }
0x54: {  	_ =	shalt  }
0x55: {  	_ =	shalt  }
0x56: {  	_ =	shalt  }
0x57: {  	_ =	shalt  }
0x58: {  	_ =	shalt  }
0x59: {  	_ =	shalt  }
0x5a: {  	_ =	shalt  }
0x5b: {  	_ =	shalt  }
0x5c: {  	_ =	shalt  }
0x5d: {  	_ =	shalt  }
0x5e: {  	_ =	shalt  }
0x5f: {  	_ =	shalt  }
0x60: {  	_ =	shalt  }
0x61: {  	_ =	shalt  }
0x62: {  	_ =	shalt  }
0x63: {  	_ =	shalt  }
0x64: {  	_ =	shalt  }
0x65: {  	_ =	shalt  }
0x66: {  	_ =	shalt  }
0x67: {  	_ =	shalt  }
0x68: {  	_ =	shalt  }
0x69: {  	_ =	shalt  }
0x6a: {  	_ =	shalt  }
0x6b: {  	_ =	shalt  }
0x6c: {  	_ =	shalt  }
0x6d: {  	_ =	shalt  }
0x6e: {  	_ =	shalt  }
0x6f: {  	_ =	shalt  }
0x70: {  	_ =	shalt  }
0x71: {  	_ =	shalt  }
0x72: {  	_ =	shalt  }
0x73: {  	_ =	shalt  }
0x74: {  	_ =	shalt  }
0x75: {  	_ =	shalt  }
0x76: {  	_ =	shalt  }
0x77: {  	_ =	shalt  }
0x78: {  	_ =	shalt  }
0x79: {  	_ =	shalt  }
0x7a: {  	_ =	shalt  }
0x7b: {  	_ =	shalt  }
0x7c: {  	_ =	shalt  }
0x7d: {  	_ =	shalt  }
0x7e: {  	_ =	shalt  }
0x7f: {  	_ =	shalt  }
0x80: {  	_ =	shalt  }
0x81: {  	_ =	shalt  }
0x82: {  	_ =	shalt  }
0x83: {  	_ =	shalt  }
0x84: {  	_ =	shalt  }
0x85: {  	_ =	shalt  }
0x86: {  	_ =	shalt  }
0x87: {  	_ =	shalt  }
.Lfunc_end0:
.L_simem_size_0:
called_computation.1_lowered:
.L_overlay_start_0:
0x88: {  	s2 =	sld [smem:$0x3FD9]  }
0x89: {  	s3 =	sld [smem:$0x3FFE];
	_ =	sdelay $0x1  }
0x8a: {  	s1 =	srdreg.scid  }
0x8b: {  	s0 =	sand.u32 $0x1, s1  }
0x8c: {  	s15 =	sshll.u32 s0, $0xA;
	s2 =	sadd.s32 s3, s2  }
0x8d: {  	s2 =	sadd.s32 s2, s15  }
0x8e: {  	[smem:$0x3FC1] =	sst s2  }
0x8f: {  	_ = 	snop  }
0x90: {  	s2 =	sld [smem:$0x3FD0];
	_ =	sdelay $0x2  }
0x91: {  	s4 =	simm.s32 $0xB;
	s16 =	simm.s32 $0x10  }
0x92: {  	[smem:s16], [sflag:s4] =	dma.local [hbm:s2], $0x1  }
0x93: {  	_ =	swait.eq [sflag:s4], $0x1  }
0x94: {  	[sflag:s4] =	ssyncset.done $0x0  }
0x95: {  	s17 =	sld [smem:$0x10];
	[sflag:s4] =	ssyncadd.s32 $0xFFFFFFFF  }
0x96: {  	s18 =	sld [smem:$0x11];
	(tm) =	ssettm $0x1  }
0x97: {  	s19 =	sld [smem:$0x3FFB];
	_ =	sdelay $0x3  }
0x98: {  	_ =	strace s19  }
0x99: {  	s2 =	sld [smem:$0x3FFC];
	_ =	sdelay $0x3  }
0x9a: {  	_ =	strace s2  }
0x9b: {  	s2 =	sld [smem:$0x3FFD];
	_ =	sdelay $0x3  }
0x9c: {  	_ =	strace s2  }
0x9d: {  	_ =	strace $0x8FFFFFFF  }
0x9e: {  	s20 =	sld [smem:$0x3FDB];
	_ =	sdelay $0x1  }
0x9f: {  	s5 =	simm.s32 $_scs_section_size  }
0xa0: {  	s6 =	simm.s32 $_size__tile_overlayer_lowered;
	s7 =	simm.s32 $_tile_overlayer_lowered  }
0xa1: {  	s8 =	simm.s32 $0x1BFF;
	s21 =	sshll.u32 s7, $0x1;
	s5 =	sadd.s32 s5, s20  }
0xa2: {  	s22 =	simm.s32 $0x0;
	s6 =	sshll.u32 s6, $0x1;
	s7 =	sadd.s32 s21, s5  }
0xa3: {  	[timem:s22], [sflag:s8] =	dma.local [hbm:s7], s6  }
0xa4: {  	_ =	swait.ge [sflag:s8], s6  }
0xa5: {  	s6 =	ssub.s32 $0x0, s6;
	[sflag:s8] =	ssyncset.done $0x0  }
0xa6: {  	[sflag:s8] =	ssyncadd.s32 s6;
	_ =	sdelay $0x1  }
0xa7: {  	s23 =	simm.s32 $0x1B8B  }
0xa8: {  	_ =	swait.ge [sflag:s23], $0x1  }
0xa9: {  	[sflag:s23] =	ssyncset.done $0x0  }
0xaa: {  	[sflag:s23] =	ssyncadd.s32 $0xFFFFFFFF  }
0xab: {  	s6 =	sld [smem:$0x0]  }
0xac: {  	s7 =	sand.u32 $0xFFFFFFFE, s1  }
0xad: {  	p0 =	sne.s32 s1, s7  }
0xae: {  	s7 =	sshll.u32 @p0 s7, $0xE  }
0xaf: {  	s7 =	sadd.s32 @p0 $0x11B8D, s7;
	s8 =	sshll.u32 @p0 s6, $0x11  }
0xb0: {  	s7 =	sor.u32 @p0 s8, s7  }
0xb1: {  	[sflag:s7] =	ssyncadd.remote.s32 @p0 $0x1;
	_ =	sdelay $0x1  }
0xb2: {  	s7 =	simm.s32 @p0 $0x1B8D  }
0xb3: {  	_ =	swait.eq @p0 [sflag:s7], $0x1  }
0xb4: {  	[sflag:s7] =	ssyncadd.s32 @p0 $0xFFFFFFFF  }
0xb5: {  	s8 =	sshll.u32 @!p0 s1, $0xE  }
0xb6: {  	s8 =	sor.u32 @!p0 $0x4000, s8;
	s7 =	simm.s32 @!p0 $0x1B8D  }
0xb7: {  	s6 =	sshll.u32 @!p0 s6, $0x11;
	s8 =	sadd.s32 @!p0 $0x11B8D, s8;
	_ =	swait.eq @!p0 [sflag:s7], $0x1  }
0xb8: {  	s6 =	sor.u32 @!p0 s6, s8;
	[sflag:s7] =	ssyncadd.s32 @!p0 $0xFFFFFFFF  }
0xb9: {  	s25 =	simm.s32 $0x1B8E;
	s24 =	sld [smem:$0x3FFE];
	[sflag:s6] =	ssyncadd.remote.s32 @!p0 $0x1  }
0xba: {  	s26 =	simm.s32 $execute0_lowered;
	[smem:$0x3FD2] =	sst s25  }
0xbb: {  	s7 =	sshll.u32 s26, $0x1;
	_ =	strace $0x80000049;
	[dreg:$0x1] =	wrdreg $0xFFFFFFFF  }
0xbc: {  	s28 =	simm.s32 $_size_execute0_lowered;
	s5 =	sadd.s32 s5, s7;
	[dreg:$0x0] =	wrdreg $0x0  }
0xbd: {  	s7 =	sshll.u32 s28, $0x1;
	[dreg:$0x2] =	wrdreg s5  }
0xbe: {  	[dreg:$0x3] =	wrdreg s7  }
0xbf: {  	[dreg:$0x4] =	wrdreg $0xC0  }
0xc0: {  	_ =	task [dreg:s22], $0x5FFFF  }
0xc1: {  	[dreg:$0x1] =	wrdreg $0xFFFFFFFF  }
0xc2: {  	[dreg:$0x0] =	wrdreg $0x60  }
0xc3: {  	[dreg:$0x2] =	wrdreg s24  }
0xc4: {  	[dreg:$0x3] =	wrdreg s18  }
0xc5: {  	[dreg:$0x4] =	wrdreg s17  }
0xc6: {  	[dreg:$0x5] =	wrdreg $0x8E800  }
0xc7: {  	[dreg:$0x6] =	wrdreg $0xA  }
0xc8: {  	_ =	task.clear_ibuf [dreg:s22], $0x7FFFF;
	_ =	strace $0x90000049  }
0xc9: {  	s29 =	simm.s32 $0xA;
	_ =	strace $0x8000004B  }
0xca: {  	_ =	swait.ge [sflag:s29], $0x1  }
0xcb: {  	[sflag:s29] =	ssyncadd.s32 $0xFFFFFFFF  }
0xcc: {  	_ =	strace $0x9000004B  }
0xcd: {  	_ =	sfence  }
0xce: {  	s30 =	sld [smem:$0x0];
	_ =	sdelay $0x2  }
0xcf: {  	s31 =	sshll.u32 s1, $0xD;
	s1 =	sshrl.u32 s1, $0x2  }
0xd0: {  	s4 =	sand.u32 $0x4000, s31;
	s1 =	sadd.s32 s1, s30  }
0xd1: {  	s0 =	sor.u32 s4, s0;
	s1 =	sshll.u32 s1, $0x11  }
0xd2: {  	s0 =	sor.u32 s1, s0  }
0xd3: {  	s0 =	sadd.s32 $0x8F2B, s0  }
0xd4: {  	[sflag:s0] =	ssyncadd.remote.s32 $0x1  }
0xd5: {  	_ =	sfence.sel $0xFFFF  }
0xd6: {  	[dreg:$0x0] =	wrdreg $0xFFFFFFFF;
	(pc) =	sbr.abs _section_cstart, $3  }
0xd7: {  	[dreg:$0x1] =	wrdreg $0xFFFFFFFF  }
0xd8: {  	_ =	task.clear_ibuf [dreg:s22], $0x2FFFF;
	_ =	strace $0x9FFFFFFF  }
0xd9: {  	(tm) =	ssettm $0x7FFFFFFF  }
tec
execute0_lowered:
.L_overlay_start_1:
0x0: {  	(tag) =	ssettag $0x1  }
0x1: {  	s0 =	rddreg [dreg:$0x0]  }
0x2: {  	s1 =	rddreg [dreg:$0x1];
	s2 =	srdreg.scid  }
0x3: {  	s13 =	stileid.u32;
	s10 =	rddreg [dreg:$0x2]  }
0x4: {  	s3 =	rddreg [dreg:$0x3];
	s19 =	simm.s32 $0x7D;
	s22 =	simm.s32 $0x4F10  }
0x5: {  	s28 =	simm.s32 $0x1;
	s29 =	simm.s32 $0x5;
	s30 =	simm.s32 $0x56E0  }
0x6: {  	s31 =	simm.s32 $0x4;
	s15 =	simm.s32 $0x6;
	s18 =	simm.s32 $0x5EB0  }
0x7: {  	s2 =	sand.u32 $0x1, s2;
	s4 =	sshll.u32 s13, $0x1;
	s13 =	smul.u32 $0x2800, s13  }
0x8: {  	s8 =	sadd.s32 $0x78800, s0;
	s7 =	sor.u32 s2, s4;
	s9 =	smul.u32 $0x5000, s2  }
0x9: {  	s4 =	simm.s32 $0x0;
	s2 =	ssub.s32 $0x2, s2;
	s5 =	smul.u32 $0x1400, s7  }
0xa: {  	[smem:$0x7FF] =	sst s4;
	s7 =	smul.u32 $0x1388, s7;
	s14 =	sshrl.u32 s2, $0x1  }
0xb: {  	s16 =	sadd.s32 s13, s3;
	s26 =	sshrl.u32 s13, $0x3;
	_ =	strace $0x8000004A  }
0xc: {  	s2 =	ssub.s32 s2, s14;
	[dreg:$0x5] =	wrdreg s16;
	s6 =	sshrl.u32 s5, $0x3  }
0xd: {  	s5 =	sadd.s32 $0x2600, s0;
	s2 =	smax.u32 s2, $0x1;
	s11 =	sadd.s32 $0x5000, s6  }
0xe: {  	s6 =	sadd.s32 $0x7600, s0;
	[dreg:$0x9] =	wrdreg s2;
	s2 =	simm.s32 $0x2  }
0xf: {  	s12 =	sadd.s32 s11, s0;
	s0 =	sadd.s32 s9, s0;
	s9 =	sadd.s32 $0x27100, s7  }
0x10: {  	s10 =	sadd.s32 s10, s11;
	s11 =	simm.s32 $0xB;
	s23 =	sshll.u32 s9, $0x1  }
0x11: {  	[dreg:$0x6] =	wrdreg s10;
	s24 =	sadd.s32 $0xC600, s12;
	s0 =	sadd.s32 $0x6E800, s0  }
0x12: {  	s10 =	simm.s32 $0x0;
	[dreg:$0x7] =	wrdreg s24;
	s25 =	sadd.s32 s1, s23  }
0x13: {  	s23 =	simm.s32 $0x2FD0;
	s0 =	sadd.s32 s26, s0;
	[dreg:$0x8] =	wrdreg s25  }
0x14: {  	v0 =	vimm.f32 $0.0e+00;
	s26 =	simm.s32 $0x3;
	[dreg:$0xa] =	wrdreg s0;
	s25 =	simm.s32 $0x3F70  }
.LBB2_1:
0x15: {  	[dreg:$0xb] =	wrdreg s10;
	s0 =	simm.s32 $0x40;
	s10 =	simm.s32 $0x0  }
.LBB2_2:
0x16: {  	p0 =	sne.s32 s0, $0x9FC0;
	[tilespmem:s10+$0x6680] =	vst v0;
	s10 =	smov.u32 s0;
	s0 =	sadd.s32 $0x40, s0  }
.Ltmp0:
0x17: {  	(pc) =	sbr.rel @p0 .LBB2_2-.Ltmp0, $2  }
0x18: {  	_ =	sdelay $0x2  }
0x19: {  	s10 =	sshra.s32 s10, $0x2  }
0x1a: {  	[tilespmem:s10+$0x6680] =	vst v0;
	s0 =	simm.s32 $0x6680  }
0x1b: {  	[spmem:s16] =	stream.linear.scatter [tilespmem:s0], [sflag:$0xB], $0x2800, $0x38;
	[tilespmem:$0xB680] =	vst v63  }
0x1c: {  	_ =	swait.ge [sflag:s11], $0x2800  }
0x1d: {  	[sflag:s11] =	ssyncset.done $0x0  }
0x1e: {  	s12 =	simm.s32 $0x0;
	s13 =	rddreg [dreg:$0x6];
	[sflag:s11] =	ssyncadd.s32 $0xFFFFD800  }
0x1f: {  	[tilespmem:s12], [sflag:$0xB] =	stream.linear.gather [hbm4b:s13+s12], $0x1400, $0x38;
	[tilespmem:$0xB680] =	vst v63  }
0x20: {  	_ =	swait.ge [sflag:s11], $0x1400  }
0x21: {  	[sflag:s11] =	ssyncset.done $0x0  }
0x22: {  	s16 =	simm.s32 $0x1400;
	s14 =	rddreg [dreg:$0x7];
	[sflag:s11] =	ssyncadd.s32 $0xFFFFEC00  }
0x23: {  	[tilespmem:s16], [sflag:$0xB] =	stream.linear.gather [hbm4b:s14+s12], $0x1400, $0x38;
	[tilespmem:$0xB680] =	vst v63  }
0x24: {  	_ =	swait.ge [sflag:s11], $0x1400  }
0x25: {  	[sflag:s11] =	ssyncset.done $0x0  }
0x26: {  	[sflag:s11] =	ssyncadd.s32 $0xFFFFEC00  }
0x27: {  	[bflag:$0x0] =	sbarrier.arrive $0xFFFF  }
0x28: {  	s20 =	simm.s32 $0x4740;
	s17 =	rddreg [dreg:$0x8]  }
0x29: {  	[tilespmem:s20], [sflag:$0x3] =	stream.linear.gather [hbm4b:s17+s12], $0x7D0, $0x38;
	[tilespmem:$0xB680] =	vst v63  }
0x2a: {  	s21 =	simm.s32 $0x2800  }
0x2b: {  	[tilespmem:s21], [sflag:$0x1] =	stream.indirect.gather [hbm4b:s5+s19], $0x10, s12, s19, $0xb8;
	[tilespmem:$0xB680] =	vst v63  }
0x2c: {  	s24 =	simm.s32 $0x37A0  }
0x2d: {  	[tilespmem:s24], [sflag:$0x5] =	stream.indirect.gather [hbm4b:s6+s19], $0x10, s16, s19, $0xb8;
	[tilespmem:$0xB680] =	vst v63  }
.LBB2_4:
0x2e: {  	s0 =	sshllo.u32 s12, $0x1  }
0x2f: {  	s14 =	smul.u32 $0x7D, s0;
	_ =	sdelay $0x1  }
0x30: {  	s10 =	sadd.s32 s9, s14  }
0x31: {  	s10 =	sshll.u32 s10, $0x1  }
0x32: {  	s10 =	sand.u32 $0x1FFFFFFE, s10  }
0x33: {  	s10 =	sadd.s32 s1, s10  }
0x34: {  	[tilespmem:s22], [sflag:$0x4] =	stream.linear.gather [hbm4b:s10+s4], $0x7D0, $0x38;
	[tilespmem:$0xB680] =	vst v63  }
0x35: {  	s13 =	sshll.u32 s0, $0x7  }
0x36: {  	[tilespmem:s23], [sflag:$0x2] =	stream.indirect.gather [hbm4b:s5+s19], $0x10, s13, s19, $0xb8;
	[tilespmem:$0xB680] =	vst v63  }
0x37: {  	s0 =	sadd.s32 $0x1400, s13  }
0x38: {  	[tilespmem:s25], [sflag:$0x6] =	stream.indirect.gather [hbm4b:s6+s19], $0x10, s0, s19, $0xb8;
	[tilespmem:$0xB680] =	vst v63  }
0x39: {  	_ =	swait.ge [sflag:s26], $0x7D0  }
0x3a: {  	[sflag:s26] =	ssyncset.done $0x0  }
0x3b: {  	[sflag:s26] =	ssyncadd.s32 $0xFFFFF830  }
0x3c: {  	_ =	swait.ge [sflag:s28], $0x7D0  }
0x3d: {  	[sflag:s28] =	ssyncset.done $0x0  }
0x3e: {  	[sflag:s28] =	ssyncadd.s32 $0xFFFFF830  }
0x3f: {  	_ =	swait.ge [sflag:s29], $0x7D0  }
0x40: {  	p0 =	seq.s32 s12, $0x0;
	[sflag:s29] =	ssyncset.done $0x0  }
0x41: {  	s0 =	simm.s32 @!p0 $0x7;
	[sflag:s29] =	ssyncadd.s32 $0xFFFFF830  }
0x42: {  	_ =	swait.ge @!p0 [sflag:s0], $0x7D0  }
0x43: {  	[sflag:s0] =	ssyncset.done @!p0 $0x0  }
0x44: {  	[sflag:s0] =	ssyncadd.s32 @!p0 $0xFFFFF830;
	s0 =	simm.s32 @!p0 $0x9  }
0x45: {  	_ =	swait.ge @!p0 [sflag:s0], $0x7D0  }
0x46: {  	[sflag:s0] =	ssyncset.done @!p0 $0x0  }
0x47: {  	s11 =	simm.s32 $0x2820;
	[sflag:s0] =	ssyncadd.s32 @!p0 $0xFFFFF830  }
0x48: {  	s21 =	simm.s32 $0x4760;
	v1 =	vld [tilespmem:s11+$0xFFFFFFE0]  }
0x49: {  	v2 =	vld [tilespmem:s21+$0xFFFFFFE0]  }
0x4a: {  	s24 =	simm.s32 $0x37C0  }
0x4b: {  	v3 =	vld [tilespmem:s24+$0xFFFFFFE0];
	_ =	sdelay $0x2  }
0x4c: {  	v1 =	vadd.f32 v1, v2;
	_ =	sdelay $0x1  }
0x4d: {  	v1 =	vadd.f32 v3, v1;
	_ =	sdelay $0x1  }
0x4e: {  	s20 =	simm.s32 $0x5700;
	v1 =	vmax.f32 v1, $0.0e+00  }
0x4f: {  	[tilespmem:s20+$0xFFFFFFE0] =	vst v1  }
0x50: {  	v1 =	vld [tilespmem:s21+$0xFFFFFFF0]  }
0x51: {  	v2 =	vld [tilespmem:s11+$0xFFFFFFF0];
	_ =	sdelay $0x1  }
0x52: {  	v3 =	vld [tilespmem:s24+$0xFFFFFFF0];
	_ =	sdelay $0x2  }
0x53: {  	v1 =	vadd.f32 v2, v1;
	_ =	sdelay $0x1  }
0x54: {  	v1 =	vadd.f32 v3, v1;
	_ =	sdelay $0x1  }
0x55: {  	v1 =	vmax.f32 v1, $0.0e+00  }
0x56: {  	[tilespmem:s20+$0xFFFFFFF0] =	vst v1  }
0x57: {  	v1 =	vld [tilespmem:s21+$0x0]  }
0x58: {  	v2 =	vld [tilespmem:s11+$0x0];
	_ =	sdelay $0x1  }
0x59: {  	v3 =	vld [tilespmem:s24+$0x0];
	_ =	sdelay $0x2  }
0x5a: {  	v1 =	vadd.f32 v2, v1;
	_ =	sdelay $0x1  }
0x5b: {  	v1 =	vadd.f32 v3, v1;
	_ =	sdelay $0x1  }
0x5c: {  	v1 =	vmax.f32 v1, $0.0e+00  }
0x5d: {  	[tilespmem:s20+$0x0] =	vst v1  }
0x5e: {  	v1 =	vld [tilespmem:s21+$0x10]  }
0x5f: {  	v2 =	vld [tilespmem:s11+$0x10];
	_ =	sdelay $0x1  }
0x60: {  	v3 =	vld [tilespmem:s24+$0x10];
	_ =	sdelay $0x2  }
0x61: {  	v1 =	vadd.f32 v2, v1;
	_ =	sdelay $0x1  }
0x62: {  	v1 =	vadd.f32 v3, v1;
	_ =	sdelay $0x1  }
0x63: {  	v1 =	vmax.f32 v1, $0.0e+00  }
0x64: {  	[tilespmem:s20+$0x10] =	vst v1  }
0x65: {  	v1 =	vld [tilespmem:s21+$0x20]  }
0x66: {  	v3 =	vld [tilespmem:s11+$0x20];
	_ =	sdelay $0x1  }
0x67: {  	v2 =	vld [tilespmem:s24+$0x20]  }
0x68: {  	s16 =	simm.s32 $0x2870;
	s17 =	simm.s32 $0x47B0;
	s10 =	simm.s32 $0x0  }
0x69: {  	s0 =	smul.u32 $0xFA, s12;
	s21 =	sshll.u32 s12, $0x1;
	s11 =	simm.s32 $0x5700  }
.LBB2_5:
0x6a: {  	s10 =	sadd.s32 $0x5, s10;
	v1 =	vadd.f32 v3, v1;
	s20 =	sadd.s32 $0x50, s20;
	s24 =	sadd.s32 $0x50, s24  }
0x6b: {  	p1 =	slt.u32 s10, $0x78  }
0x6c: {  	v1 =	vadd.f32 v2, v1;
	_ =	sdelay $0x1  }
0x6d: {  	v1 =	vmax.f32 v1, $0.0e+00  }
0x6e: {  	[tilespmem:s11+$0x20] =	vst v1;
	s11 =	smov.u32 s20  }
0x6f: {  	v1 =	vld [tilespmem:s16+$0xFFFFFFE0]  }
0x70: {  	v2 =	vld [tilespmem:s17+$0xFFFFFFE0];
	_ =	sdelay $0x1  }
0x71: {  	v3 =	vld [tilespmem:s24+$0xFFFFFFE0];
	_ =	sdelay $0x2  }
0x72: {  	v1 =	vadd.f32 v1, v2;
	_ =	sdelay $0x1  }
0x73: {  	v1 =	vadd.f32 v3, v1;
	_ =	sdelay $0x1  }
0x74: {  	v1 =	vmax.f32 v1, $0.0e+00  }
0x75: {  	[tilespmem:s20+$0xFFFFFFE0] =	vst v1  }
0x76: {  	v1 =	vld [tilespmem:s17+$0xFFFFFFF0]  }
0x77: {  	v2 =	vld [tilespmem:s16+$0xFFFFFFF0];
	_ =	sdelay $0x1  }
0x78: {  	v3 =	vld [tilespmem:s24+$0xFFFFFFF0];
	_ =	sdelay $0x2  }
0x79: {  	v1 =	vadd.f32 v2, v1;
	_ =	sdelay $0x1  }
0x7a: {  	v1 =	vadd.f32 v3, v1;
	_ =	sdelay $0x1  }
0x7b: {  	v1 =	vmax.f32 v1, $0.0e+00  }
0x7c: {  	[tilespmem:s20+$0xFFFFFFF0] =	vst v1  }
0x7d: {  	v1 =	vld [tilespmem:s17+$0x0]  }
0x7e: {  	v2 =	vld [tilespmem:s16+$0x0];
	_ =	sdelay $0x1  }
0x7f: {  	v3 =	vld [tilespmem:s24+$0x0];
	_ =	sdelay $0x2  }
0x80: {  	v1 =	vadd.f32 v2, v1;
	_ =	sdelay $0x1  }
0x81: {  	v1 =	vadd.f32 v3, v1;
	_ =	sdelay $0x1  }
0x82: {  	v1 =	vmax.f32 v1, $0.0e+00  }
0x83: {  	[tilespmem:s20+$0x0] =	vst v1  }
0x84: {  	v1 =	vld [tilespmem:s17+$0x10]  }
0x85: {  	v2 =	vld [tilespmem:s16+$0x10];
	_ =	sdelay $0x1  }
0x86: {  	v3 =	vld [tilespmem:s24+$0x10];
	_ =	sdelay $0x2  }
0x87: {  	v1 =	vadd.f32 v2, v1;
	_ =	sdelay $0x1  }
0x88: {  	v1 =	vadd.f32 v3, v1;
	_ =	sdelay $0x1  }
0x89: {  	v1 =	vmax.f32 v1, $0.0e+00  }
0x8a: {  	[tilespmem:s20+$0x10] =	vst v1  }
0x8b: {  	v1 =	vld [tilespmem:s17+$0x20]  }
.Ltmp1:
0x8c: {  	v3 =	vld [tilespmem:s16+$0x20];
	(pc) =	sbr.rel @p1 .LBB2_5-.Ltmp1, $2  }
0x8d: {  	v2 =	vld [tilespmem:s24+$0x20];
	_ =	sdelay $0x2  }
0x8e: {  	s17 =	sadd.s32 $0x50, s17;
	s16 =	sadd.s32 $0x50, s16  }
0x8f: {  	v1 =	vadd.f32 v3, v1;
	_ =	sdelay $0x1  }
0x90: {  	v1 =	vadd.f32 v2, v1  }
0x91: {  	s0 =	sadd.s32 s7, s0  }
0x92: {  	s0 =	sshll.u32 s0, $0x1;
	v1 =	vmax.f32 v1, $0.0e+00  }
0x93: {  	s16 =	sshll.u32 s12, $0x8;
	p1 =	seq.s32 s12, $0x13;
	s0 =	sadd.s32 s8, s0;
	[tilespmem:s11+$0x20] =	vst v1  }
0x94: {  	[hbm4b:s0+s4] =	stream.linear.scatter [tilespmem:s30], [sflag:$0x7], $0x7D0, $0x38;
	[tilespmem:$0xB680] =	vst v63  }
0x95: {  	s10 =	sadd.s32 @!p1 $0x2, s21;
	s0 =	sand.u32 $0x3FFFFF00, s16  }
0x96: {  	s11 =	smul.u32 @!p1 $0x7D, s10;
	s0 =	sadd.s32 $0x1400, s0  }
0x97: {  	[spmem:s3] =	stream.indirect.scatter.add.f32 [tilespmem:s30], [sflag:$0x9], $0x10, s0, s19, $0xb8;
	[tilespmem:$0xB680] =	vst v63  }
0x98: {  	s0 =	sadd.s32 @!p1 s9, s11  }
0x99: {  	s0 =	sshll.u32 @!p1 s0, $0x1  }
0x9a: {  	s0 =	sand.u32 @!p1 $0x1FFFFFFC, s0  }
0x9b: {  	s16 =	simm.s32 @!p1 $0x4740;
	s11 =	simm.s32 @!p1 $0x0;
	s0 =	sadd.s32 @!p1 s1, s0  }
0x9c: {  	[tilespmem:s16], [sflag:$0x3] =	stream.linear.gather @!p1 [hbm4b:s0+s11], $0x7D0, $0x38;
	[tilespmem:$0xB680] =	vst v63  }
0x9d: {  	s0 =	sshll.u32 @!p1 s10, $0x7;
	s10 =	simm.s32 @!p1 $0x7D;
	s11 =	simm.s32 @!p1 $0x2800  }
0x9e: {  	[tilespmem:s11], [sflag:$0x1] =	stream.indirect.gather @!p1 [hbm4b:s5+s10], $0x10, s0, s10, $0xb8;
	[tilespmem:$0xB680] =	vst v63  }
0x9f: {  	s0 =	sadd.s32 @!p1 $0x1400, s0;
	s11 =	simm.s32 @!p1 $0x37A0  }
0xa0: {  	[tilespmem:s11], [sflag:$0x5] =	stream.indirect.gather @!p1 [hbm4b:s6+s10], $0x10, s0, s10, $0xb8;
	[tilespmem:$0xB680] =	vst v63  }
0xa1: {  	_ =	swait.ge [sflag:s31], $0x7D0  }
0xa2: {  	[sflag:s31] =	ssyncset.done $0x0  }
0xa3: {  	[sflag:s31] =	ssyncadd.s32 $0xFFFFF830  }
0xa4: {  	_ =	swait.ge [sflag:s2], $0x7D0  }
0xa5: {  	[sflag:s2] =	ssyncset.done $0x0  }
0xa6: {  	[sflag:s2] =	ssyncadd.s32 $0xFFFFF830  }
0xa7: {  	_ =	swait.ge [sflag:s15], $0x7D0  }
0xa8: {  	[sflag:s15] =	ssyncset.done $0x0  }
0xa9: {  	s0 =	simm.s32 @!p0 $0x8;
	[sflag:s15] =	ssyncadd.s32 $0xFFFFF830  }
0xaa: {  	_ =	swait.ge @!p0 [sflag:s0], $0x7D0  }
0xab: {  	[sflag:s0] =	ssyncset.done @!p0 $0x0  }
0xac: {  	[sflag:s0] =	ssyncadd.s32 @!p0 $0xFFFFF830;
	s0 =	simm.s32 @!p0 $0xA  }
0xad: {  	_ =	swait.ge @!p0 [sflag:s0], $0x7D0  }
0xae: {  	[sflag:s0] =	ssyncset.done @!p0 $0x0  }
0xaf: {  	s17 =	simm.s32 $0x3010;
	[sflag:s0] =	ssyncadd.s32 @!p0 $0xFFFFF830  }
0xb0: {  	s21 =	simm.s32 $0x4F50;
	v1 =	vld [tilespmem:s17+$0xFFFFFFC0]  }
0xb1: {  	v2 =	vld [tilespmem:s21+$0xFFFFFFC0]  }
0xb2: {  	s24 =	simm.s32 $0x3FB0  }
0xb3: {  	v3 =	vld [tilespmem:s24+$0xFFFFFFC0];
	_ =	sdelay $0x2  }
0xb4: {  	v1 =	vadd.f32 v1, v2;
	_ =	sdelay $0x1  }
0xb5: {  	v1 =	vadd.f32 v3, v1;
	_ =	sdelay $0x1  }
0xb6: {  	s20 =	simm.s32 $0x5EF0;
	v1 =	vmax.f32 v1, $0.0e+00  }
0xb7: {  	[tilespmem:s20+$0xFFFFFFC0] =	vst v1  }
0xb8: {  	v1 =	vld [tilespmem:s21+$0xFFFFFFD0]  }
0xb9: {  	v2 =	vld [tilespmem:s17+$0xFFFFFFD0];
	_ =	sdelay $0x1  }
0xba: {  	v3 =	vld [tilespmem:s24+$0xFFFFFFD0];
	_ =	sdelay $0x2  }
0xbb: {  	v1 =	vadd.f32 v2, v1;
	_ =	sdelay $0x1  }
0xbc: {  	v1 =	vadd.f32 v3, v1;
	_ =	sdelay $0x1  }
0xbd: {  	v1 =	vmax.f32 v1, $0.0e+00  }
0xbe: {  	[tilespmem:s20+$0xFFFFFFD0] =	vst v1  }
0xbf: {  	v1 =	vld [tilespmem:s21+$0xFFFFFFE0]  }
0xc0: {  	v2 =	vld [tilespmem:s17+$0xFFFFFFE0];
	_ =	sdelay $0x1  }
0xc1: {  	v3 =	vld [tilespmem:s24+$0xFFFFFFE0];
	_ =	sdelay $0x2  }
0xc2: {  	v1 =	vadd.f32 v2, v1;
	_ =	sdelay $0x1  }
0xc3: {  	v1 =	vadd.f32 v3, v1;
	_ =	sdelay $0x1  }
0xc4: {  	v1 =	vmax.f32 v1, $0.0e+00  }
0xc5: {  	[tilespmem:s20+$0xFFFFFFE0] =	vst v1  }
0xc6: {  	v1 =	vld [tilespmem:s21+$0xFFFFFFF0]  }
0xc7: {  	v2 =	vld [tilespmem:s17+$0xFFFFFFF0];
	_ =	sdelay $0x1  }
0xc8: {  	v3 =	vld [tilespmem:s24+$0xFFFFFFF0];
	_ =	sdelay $0x2  }
0xc9: {  	v1 =	vadd.f32 v2, v1;
	_ =	sdelay $0x1  }
0xca: {  	v1 =	vadd.f32 v3, v1;
	_ =	sdelay $0x1  }
0xcb: {  	v1 =	vmax.f32 v1, $0.0e+00  }
0xcc: {  	[tilespmem:s20+$0xFFFFFFF0] =	vst v1  }
0xcd: {  	v1 =	vld [tilespmem:s21+$0x0]  }
0xce: {  	v3 =	vld [tilespmem:s17+$0x0];
	_ =	sdelay $0x1  }
0xcf: {  	v2 =	vld [tilespmem:s24+$0x0]  }
0xd0: {  	s16 =	simm.s32 $0x4FA0  }
0xd1: {  	s10 =	simm.s32 $0x0;
	s11 =	simm.s32 $0x3060;
	s0 =	simm.s32 $0x5EF0  }
.LBB2_7:
0xd2: {  	s10 =	sadd.s32 $0x5, s10;
	v1 =	vadd.f32 v3, v1;
	s20 =	sadd.s32 $0x50, s20;
	s24 =	sadd.s32 $0x50, s24  }
0xd3: {  	p0 =	slt.u32 s10, $0x78  }
0xd4: {  	v1 =	vadd.f32 v2, v1;
	_ =	sdelay $0x1  }
0xd5: {  	v1 =	vmax.f32 v1, $0.0e+00  }
0xd6: {  	[tilespmem:s0+$0x0] =	vst v1;
	s0 =	smov.u32 s20  }
0xd7: {  	v1 =	vld [tilespmem:s11+$0xFFFFFFC0]  }
0xd8: {  	v2 =	vld [tilespmem:s16+$0xFFFFFFC0];
	_ =	sdelay $0x1  }
0xd9: {  	v3 =	vld [tilespmem:s24+$0xFFFFFFC0];
	_ =	sdelay $0x2  }
0xda: {  	v1 =	vadd.f32 v1, v2;
	_ =	sdelay $0x1  }
0xdb: {  	v1 =	vadd.f32 v3, v1;
	_ =	sdelay $0x1  }
0xdc: {  	v1 =	vmax.f32 v1, $0.0e+00  }
0xdd: {  	[tilespmem:s20+$0xFFFFFFC0] =	vst v1  }
0xde: {  	v1 =	vld [tilespmem:s16+$0xFFFFFFD0]  }
0xdf: {  	v2 =	vld [tilespmem:s11+$0xFFFFFFD0];
	_ =	sdelay $0x1  }
0xe0: {  	v3 =	vld [tilespmem:s24+$0xFFFFFFD0];
	_ =	sdelay $0x2  }
0xe1: {  	v1 =	vadd.f32 v2, v1;
	_ =	sdelay $0x1  }
0xe2: {  	v1 =	vadd.f32 v3, v1;
	_ =	sdelay $0x1  }
0xe3: {  	v1 =	vmax.f32 v1, $0.0e+00  }
0xe4: {  	[tilespmem:s20+$0xFFFFFFD0] =	vst v1  }
0xe5: {  	v1 =	vld [tilespmem:s16+$0xFFFFFFE0]  }
0xe6: {  	v2 =	vld [tilespmem:s11+$0xFFFFFFE0];
	_ =	sdelay $0x1  }
0xe7: {  	v3 =	vld [tilespmem:s24+$0xFFFFFFE0];
	_ =	sdelay $0x2  }
0xe8: {  	v1 =	vadd.f32 v2, v1;
	_ =	sdelay $0x1  }
0xe9: {  	v1 =	vadd.f32 v3, v1;
	_ =	sdelay $0x1  }
0xea: {  	v1 =	vmax.f32 v1, $0.0e+00  }
0xeb: {  	[tilespmem:s20+$0xFFFFFFE0] =	vst v1  }
0xec: {  	v1 =	vld [tilespmem:s16+$0xFFFFFFF0]  }
0xed: {  	v2 =	vld [tilespmem:s11+$0xFFFFFFF0];
	_ =	sdelay $0x1  }
0xee: {  	v3 =	vld [tilespmem:s24+$0xFFFFFFF0];
	_ =	sdelay $0x2  }
0xef: {  	v1 =	vadd.f32 v2, v1;
	_ =	sdelay $0x1  }
0xf0: {  	v1 =	vadd.f32 v3, v1;
	_ =	sdelay $0x1  }
0xf1: {  	v1 =	vmax.f32 v1, $0.0e+00  }
0xf2: {  	[tilespmem:s20+$0xFFFFFFF0] =	vst v1  }
0xf3: {  	v1 =	vld [tilespmem:s16+$0x0]  }
.Ltmp2:
0xf4: {  	v3 =	vld [tilespmem:s11+$0x0];
	(pc) =	sbr.rel @p0 .LBB2_7-.Ltmp2, $2  }
0xf5: {  	v2 =	vld [tilespmem:s24+$0x0];
	_ =	sdelay $0x2  }
0xf6: {  	s16 =	sadd.s32 $0x50, s16;
	s11 =	sadd.s32 $0x50, s11  }
0xf7: {  	v1 =	vadd.f32 v3, v1;
	_ =	sdelay $0x1  }
0xf8: {  	s10 =	sadd.s32 s7, s14;
	s12 =	sadd.s32 $0x1, s12;
	v1 =	vadd.f32 v2, v1  }
0xf9: {  	s10 =	sshll.u32 s10, $0x1;
	p0 =	sne.s32 s12, $0x14  }
.Ltmp3:
0xfa: {  	s10 =	sand.u32 $0x1FFFFFFE, s10;
	v1 =	vmax.f32 v1, $0.0e+00;
	(pc) =	sbr.rel @p0 .LBB2_4-.Ltmp3, $4  }
0xfb: {  	s24 =	sand.u32 $0x3FFFFF80, s13;
	s21 =	sadd.s32 s8, s10;
	[tilespmem:s0+$0x0] =	vst v1  }
0xfc: {  	[hbm4b:s21+s4] =	stream.linear.scatter [tilespmem:s18], [sflag:$0x8], $0x7D0, $0x38;
	[tilespmem:$0xB680] =	vst v63  }
0xfd: {  	s0 =	sadd.s32 $0x1400, s24  }
0xfe: {  	[spmem:s3] =	stream.indirect.scatter.add.f32 [tilespmem:s18], [sflag:$0xA], $0x10, s0, s19, $0xb8;
	[tilespmem:$0xB680] =	vst v63  }
0xff: {  	s0 =	simm.s32 $0x7  }
0x100: {  	_ =	swait.ge [sflag:s0], $0x7D0  }
0x101: {  	[sflag:s0] =	ssyncset.done $0x0  }
0x102: {  	s14 =	simm.s32 $0x9;
	[sflag:s0] =	ssyncadd.s32 $0xFFFFF830  }
0x103: {  	_ =	swait.ge [sflag:s14], $0x7D0  }
0x104: {  	[sflag:s14] =	ssyncset.done $0x0  }
0x105: {  	s16 =	simm.s32 $0x8;
	[sflag:s14] =	ssyncadd.s32 $0xFFFFF830  }
0x106: {  	_ =	swait.ge [sflag:s16], $0x7D0  }
0x107: {  	[sflag:s16] =	ssyncset.done $0x0  }
0x108: {  	s17 =	simm.s32 $0xA;
	[sflag:s16] =	ssyncadd.s32 $0xFFFFF830  }
0x109: {  	_ =	swait.ge [sflag:s17], $0x7D0  }
0x10a: {  	[sflag:s17] =	ssyncset.done $0x0  }
0x10b: {  	[sflag:s17] =	ssyncadd.s32 $0xFFFFF830  }
0x10c: {  	s20 =	stileid.u32;
	[bflag:$0x0] =	sbarrier.arrive $0xFFFF  }
0x10d: {  	s0 =	sshll.u32 s20, $0x6;
	s16 =	rddreg [dreg:$0x5]  }
0x10e: {  	s0 =	sor.u32 $0x1C0B, s0;
	s11 =	rddreg [dreg:$0xa];
	s10 =	sshrl.u32 s16, $0x3  }
0x10f: {  	[hbm:s11], [sflag:s0] =	dma.local [spmem:s10], $0x500  }
0x110: {  	s11 =	simm.s32 $0xB  }
0x111: {  	_ =	swait.ge [sflag:s11], $0x500  }
0x112: {  	s21 =	rddreg [dreg:$0xb]  }
0x113: {  	s24 =	rddreg [dreg:$0x9];
	s10 =	sadd.s32 $0x1, s21  }
0x114: {  	p0 =	sne.s32 s10, s24  }
.Ltmp4:
0x115: {  	_ = 	snop;
	(pc) =	sbr.rel @p0 .LBB2_1-.Ltmp4, $3  }
0x116: {  	_ =	sdelay $0x1  }
0x117: {  	[sflag:s11] =	ssyncset.done $0x0  }
0x118: {  	[sflag:s11] =	ssyncadd.s32 $0xFFFFFB00  }
0x119: {  	_ =	sfence.sel $0x180000  }
0x11a: {  	[bflag:$0x0] =	sbarrier.arrive $0xFFFF  }
0x11b: {  	_ =	strace $0x9000004A  }
0x11c: {  	s0 =	stileid.u32;
	[bflag:$0x2] =	sbarrier.arrive $0xFFFF  }
0x11d: {  	p0 =	sne.s32 s0, $0x0;
	s0 =	rddreg [dreg:$0x4]  }
0x11e: {  	s0 =	sadd.s32 @!p0 $0x100000, s0  }
0x11f: {  	[sflag:s0] =	ssyncadd.tile.s32 @!p0 $0x1;
	_ =	shalt  }
.Lfunc_end2:
_tile_overlayer_lowered:
.L_overlay_start_2:
0x120: {  	(tag) =	ssettag $0x2  }
0x121: {  	s0 =	rddreg [dreg:$0x0];
	s2 =	stileid.u32  }
0x122: {  	s1 =	rddreg [dreg:$0x1];
	p0 =	sne.s32 s2, $0x0  }
0x123: {  	s3 =	rddreg [dreg:$0x2];
	[bflag:$0x3] =	sbarrier.arrive $0xFFFF;
	s2 =	simm.s32 @!p0 $0x1C0B  }
0x124: {  	[timem:s3], [sflag:s2] =	dma.local @!p0 [hbm:s0], s1  }
0x125: {  	s0 =	simm.s32 @!p0 $0xB  }
0x126: {  	_ =	swait.ge @!p0 [sflag:s0], s1  }
0x127: {  	s1 =	ssub.s32 @!p0 $0x0, s1;
	[sflag:s0] =	ssyncset.done @!p0 $0x0  }
0x128: {  	[sflag:s0] =	ssyncadd.s32 @!p0 s1  }
0x129: {  	[bflag:$0x3] =	sbarrier.arrive $0xFFFF  }
0x12a: {  	_ =	shalt  }

// kernel: kernel.7.cloned.1.call-start
scs
__scs_entry_jumppad:
0x0: {  	(pc) =	sbr.rel $0x88, $3  }
0x1: {  	(tag) =	ssettag $0x0;
	lr =	simm.s32 $0x1  }
0x2: {  	[smem:$0x3F9A] =	sst lr;
	_ =	strace $0xD0000000  }
0x3: {  	_ = 	snop  }
0x4: {  	_ = 	snop  }
0x5: {  	_ = 	snop  }
0x6: {  	_ = 	snop  }
0x7: {  	_ = 	snop  }
__scs_overlays_trampoline_lowered:
0x8: {  	[smem:$0x3FA9] =	sst s0  }
0x9: {  	[smem:$0x3FAA] =	sst s1  }
0xa: {  	[smem:$0x3FAB] =	sst s2  }
0xb: {  	[smem:$0x3FAC] =	sst s3  }
0xc: {  	[smem:$0x3FAD] =	sst s4  }
0xd: {  	[smem:$0x3FAE] =	sst s5  }
0xe: {  	[smem:$0x3FAF] =	sst s6  }
0xf: {  	[smem:$0x3FB0] =	sst s7  }
0x10: {  	[smem:$0x3FB1] =	sst s8  }
0x11: {  	[smem:$0x3FB2] =	sst s9;
	s0 =	simm.s32 @!p0 $0x0  }
0x12: {  	s1 =	sld [smem:$0x3F98];
	s0 =	simm.s32 @p0 $0x1  }
0x13: {  	[smem:$0x3FB3] =	sst s0;
	s0 =	simm.s32 @!p1 $0x0  }
0x14: {  	s2 =	sld [smem:$0x3F97];
	s0 =	simm.s32 @p1 $0x1  }
0x15: {  	[smem:$0x3FB4] =	sst s0;
	s0 =	simm.s32 @!p2 $0x0  }
0x16: {  	s3 =	sld [smem:$0x3FDB];
	s0 =	simm.s32 @p2 $0x1  }
0x17: {  	s4 =	simm.s32 $0x1BF5;
	[smem:$0x3FB6] =	sst s0  }
0x18: {  	s0 =	sld [smem:$0x3F99];
	_ =	swait.ge [sflag:s4], $0x0  }
0x19: {  	s7 =	sld [smem:$0x3F9A]  }
0x1a: {  	s8 =	sadd.s32 $0xFFFFE003, lr  }
0x1b: {  	s9 =	sadd.s32 $0xFFFFFEF7, lr;
	s5 =	simm.s32 $0xFFFFFFFF;
	p2 =	slt.u32 s8, $0xFFFFF086  }
0x1c: {  	p1 =	slt.u32 s9, $0xF7A;
	s5 =	simm.s32 @!p2 $0x0  }
0x1d: {  	s5 =	simm.s32 @p1 $0x1;
	p0 =	seq.s32 s7, s2  }
0x1e: {  	s7 =	smul.u32 @!p0 $0xF7A, s2;
	p2 =	seq.s32 @!p0 s5, $0x0  }
0x1f: {  	s9 =	smul.u32 $0xF7A, s1;
	s8 =	simm.s32 @!p0 $0x1BF5;
	p2 =	por !p2, p0  }
0x20: {  	[sflag:s8] =	ssyncset.s32 @!p0 $0xFFFFF086;
	s6 =	sadd.s32 @!p0 s3, s7;
	s7 =	simm.s32 @!p0 $0x108  }
0x21: {  	s3 =	sadd.s32 s3, s9;
	s6 =	sadd.s32 @!p0 $0x88, s6;
	s7 =	simm.s32 @p2 $0x1082  }
0x22: {  	[simem:s7], [sflag:s8] =	dma.local @!p0 [hbm:s6], $0xF7A  }
0x23: {  	s9 =	sor.u32 $0xD0000000, s2;
	s6 =	simm.s32 $0x108;
	_ =	swait.ge @!p0 [sflag:s8], $0x0  }
0x24: {  	s3 =	sadd.s32 $0x88, s3;
	s6 =	simm.s32 @!p1 $0x1082;
	[sflag:s4] =	ssyncset.s32 $0xFFFFF086  }
0x25: {  	[simem:s6], [sflag:s4] =	dma.local [hbm:s3], $0xF7A  }
0x26: {  	[smem:$0x3F9A] =	sst s1;
	(tag) =	ssettag s2;
	_ =	strace s9  }
0x27: {  	s1 =	sld [smem:$0x3FAA]  }
0x28: {  	s2 =	sld [smem:$0x3FAB]  }
0x29: {  	s4 =	sld [smem:$0x3FAD]  }
0x2a: {  	p0 =	seq.s32 s5, $0x0;
	s5 =	sld [smem:$0x3FAE]  }
0x2b: {  	s6 =	sld [smem:$0x3FAF]  }
0x2c: {  	s7 =	sld [smem:$0x3FB0]  }
0x2d: {  	s3 =	simm.s32 $0x108;
	s8 =	sld [smem:$0x3FB1]  }
0x2e: {  	s3 =	simm.s32 @!p0 $0x1082;
	s9 =	sld [smem:$0x3FB2]  }
0x2f: {  	lr =	sadd.s32 s0, s3;
	s0 =	sld [smem:$0x3FA9]  }
0x30: {  	s3 =	sld [smem:$0x3FAC]  }
0x31: {  	[smem:$0x3FB5] =	sst s10  }
0x32: {  	s10 =	sld [smem:$0x3FB3];
	_ =	sdelay $0x3  }
0x33: {  	p0 =	seq.s32 s10, $0x1;
	s10 =	sld [smem:$0x3FB5];
	_ =	sdelay $0x3  }
0x34: {  	[smem:$0x3FB5] =	sst s10  }
0x35: {  	s10 =	sld [smem:$0x3FB4];
	_ =	sdelay $0x3  }
0x36: {  	p1 =	seq.s32 s10, $0x1;
	s10 =	sld [smem:$0x3FB5];
	_ =	sdelay $0x3  }
0x37: {  	[smem:$0x3FB5] =	sst s10  }
0x38: {  	s10 =	sld [smem:$0x3FB6]  }
0x39: {  	_ = 	snop;
	(pc) =	sbr.ind lr, $3  }
0x3a: {  	_ = 	snop  }
0x3b: {  	_ = 	snop  }
0x3c: {  	p2 =	seq.s32 s10, $0x1;
	s10 =	sld [smem:$0x3FB5]  }
0x3d: {  	_ =	shalt  }
0x3e: {  	_ =	shalt  }
0x3f: {  	_ =	shalt  }
0x40: {  	_ =	shalt  }
0x41: {  	_ =	shalt  }
0x42: {  	_ =	shalt  }
0x43: {  	_ =	shalt  }
0x44: {  	_ =	shalt  }
0x45: {  	_ =	shalt  }
0x46: {  	_ =	shalt  }
0x47: {  	_ =	shalt  }
0x48: {  	_ =	shalt  }
0x49: {  	_ =	shalt  }
0x4a: {  	_ =	shalt  }
0x4b: {  	_ =	shalt  }
0x4c: {  	_ =	shalt  }
0x4d: {  	_ =	shalt  }
0x4e: {  	_ =	shalt  }
0x4f: {  	_ =	shalt  }
0x50: {  	_ =	shalt  }
0x51: {  	_ =	shalt  }
0x52: {  	_ =	shalt  }
0x53: {  	_ =	shalt  }
0x54: {  	_ =	shalt  }
0x55: {  	_ =	shalt  }
0x56: {  	_ =	shalt  }
0x57: {  	_ =	shalt  }
0x58: {  	_ =	shalt  }
0x59: {  	_ =	shalt  }
0x5a: {  	_ =	shalt  }
0x5b: {  	_ =	shalt  }
0x5c: {  	_ =	shalt  }
0x5d: {  	_ =	shalt  }
0x5e: {  	_ =	shalt  }
0x5f: {  	_ =	shalt  }
0x60: {  	_ =	shalt  }
0x61: {  	_ =	shalt  }
0x62: {  	_ =	shalt  }
0x63: {  	_ =	shalt  }
0x64: {  	_ =	shalt  }
0x65: {  	_ =	shalt  }
0x66: {  	_ =	shalt  }
0x67: {  	_ =	shalt  }
0x68: {  	_ =	shalt  }
0x69: {  	_ =	shalt  }
0x6a: {  	_ =	shalt  }
0x6b: {  	_ =	shalt  }
0x6c: {  	_ =	shalt  }
0x6d: {  	_ =	shalt  }
0x6e: {  	_ =	shalt  }
0x6f: {  	_ =	shalt  }
0x70: {  	_ =	shalt  }
0x71: {  	_ =	shalt  }
0x72: {  	_ =	shalt  }
0x73: {  	_ =	shalt  }
0x74: {  	_ =	shalt  }
0x75: {  	_ =	shalt  }
0x76: {  	_ =	shalt  }
0x77: {  	_ =	shalt  }
0x78: {  	_ =	shalt  }
0x79: {  	_ =	shalt  }
0x7a: {  	_ =	shalt  }
0x7b: {  	_ =	shalt  }
0x7c: {  	_ =	shalt  }
0x7d: {  	_ =	shalt  }
0x7e: {  	_ =	shalt  }
0x7f: {  	_ =	shalt  }
0x80: {  	_ =	shalt  }
0x81: {  	_ =	shalt  }
0x82: {  	_ =	shalt  }
0x83: {  	_ =	shalt  }
0x84: {  	_ =	shalt  }
0x85: {  	_ =	shalt  }
0x86: {  	_ =	shalt  }
0x87: {  	_ =	shalt  }
.Lfunc_end0:
.L_simem_size_0:
called_computation_lowered:
.L_overlay_start_0:
0x88: {  	s2 =	sld [smem:$0x3FD9]  }
0x89: {  	s3 =	sld [smem:$0x3FFE];
	_ =	sdelay $0x1  }
0x8a: {  	s1 =	srdreg.scid  }
0x8b: {  	s0 =	sand.u32 $0x1, s1  }
0x8c: {  	s14 =	sshll.u32 s0, $0xA;
	s2 =	sadd.s32 s3, s2  }
0x8d: {  	s2 =	sadd.s32 s2, s14  }
0x8e: {  	[smem:$0x3FC1] =	sst s2  }
0x8f: {  	_ = 	snop  }
0x90: {  	s2 =	sld [smem:$0x3FD0];
	_ =	sdelay $0x2  }
0x91: {  	s15 =	simm.s32 $0xB;
	s4 =	simm.s32 $0x10  }
0x92: {  	[smem:s4], [sflag:s15] =	dma.local [hbm:s2], $0x1  }
0x93: {  	_ =	swait.eq [sflag:s15], $0x1  }
0x94: {  	[sflag:s15] =	ssyncset.done $0x0  }
0x95: {  	s16 =	sld [smem:$0x10];
	[sflag:s15] =	ssyncadd.s32 $0xFFFFFFFF  }
0x96: {  	s17 =	sld [smem:$0x11];
	(tm) =	ssettm $0x1  }
0x97: {  	s18 =	sld [smem:$0x3FFB];
	_ =	sdelay $0x3  }
0x98: {  	_ =	strace s18  }
0x99: {  	s4 =	sld [smem:$0x3FFC];
	_ =	sdelay $0x3  }
0x9a: {  	_ =	strace s4  }
0x9b: {  	s4 =	sld [smem:$0x3FFD];
	_ =	sdelay $0x3  }
0x9c: {  	_ =	strace s4  }
0x9d: {  	_ =	strace $0x8FFFFFFF  }
0x9e: {  	s19 =	sld [smem:$0x3FDB];
	_ =	sdelay $0x1  }
0x9f: {  	s5 =	simm.s32 $_scs_section_size  }
0xa0: {  	s6 =	simm.s32 $_size__tile_overlayer_lowered;
	s7 =	simm.s32 $_tile_overlayer_lowered  }
0xa1: {  	s22 =	simm.s32 $0x1BFF;
	s21 =	sshll.u32 s7, $0x1;
	s4 =	sadd.s32 s5, s19  }
0xa2: {  	s8 =	simm.s32 $0x0;
	s20 =	sshll.u32 s6, $0x1;
	s6 =	sadd.s32 s21, s4  }
0xa3: {  	[timem:s8], [sflag:s22] =	dma.local [hbm:s6], s20  }
0xa4: {  	_ =	swait.ge [sflag:s22], s20  }
0xa5: {  	s5 =	ssub.s32 $0x0, s20;
	[sflag:s22] =	ssyncset.done $0x0  }
0xa6: {  	[sflag:s22] =	ssyncadd.s32 s5;
	_ =	sdelay $0x1  }
0xa7: {  	s23 =	simm.s32 $0x1B8B  }
0xa8: {  	_ =	swait.ge [sflag:s23], $0x1  }
0xa9: {  	[sflag:s23] =	ssyncset.done $0x0  }
0xaa: {  	s25 =	simm.s32 $0x1B8E;
	s24 =	sld [smem:$0x3FFE];
	[sflag:s23] =	ssyncadd.s32 $0xFFFFFFFF  }
0xab: {  	s26 =	simm.s32 $execute0_lowered;
	[smem:$0x3FD2] =	sst s25  }
0xac: {  	s6 =	sshll.u32 s26, $0x1;
	_ =	strace $0x80000046;
	[dreg:$0x1] =	wrdreg $0xFFFFFFFF  }
0xad: {  	s28 =	simm.s32 $_size_execute0_lowered;
	s4 =	sadd.s32 s4, s6;
	[dreg:$0x0] =	wrdreg $0x0  }
0xae: {  	s6 =	sshll.u32 s28, $0x1;
	[dreg:$0x2] =	wrdreg s4  }
0xaf: {  	[dreg:$0x3] =	wrdreg s6  }
0xb0: {  	[dreg:$0x4] =	wrdreg $0xC0  }
0xb1: {  	_ =	task [dreg:s8], $0x5FFFF  }
0xb2: {  	[dreg:$0x1] =	wrdreg $0xFFFFFFFF  }
0xb3: {  	[dreg:$0x0] =	wrdreg $0x60  }
0xb4: {  	[dreg:$0x2] =	wrdreg s24  }
0xb5: {  	[dreg:$0x3] =	wrdreg s17  }
0xb6: {  	[dreg:$0x4] =	wrdreg s16  }
0xb7: {  	[dreg:$0x5] =	wrdreg $0x8E800  }
0xb8: {  	[dreg:$0x6] =	wrdreg $0x9  }
0xb9: {  	_ =	task.clear_ibuf [dreg:s8], $0x7FFFF;
	_ =	strace $0x90000046  }
0xba: {  	s29 =	simm.s32 $0x9;
	_ =	strace $0x80000048  }
0xbb: {  	_ =	swait.ge [sflag:s29], $0x1  }
0xbc: {  	[sflag:s29] =	ssyncadd.s32 $0xFFFFFFFF  }
0xbd: {  	_ =	strace $0x90000048  }
0xbe: {  	_ =	sfence  }
0xbf: {  	s30 =	sld [smem:$0x0];
	_ =	sdelay $0x2  }
0xc0: {  	s31 =	sshll.u32 s1, $0xD;
	s1 =	sshrl.u32 s1, $0x2  }
0xc1: {  	s3 =	sand.u32 $0x4000, s31;
	s1 =	sadd.s32 s1, s30  }
0xc2: {  	s0 =	sor.u32 s3, s0;
	s1 =	sshll.u32 s1, $0x11  }
0xc3: {  	s0 =	sor.u32 s1, s0  }
0xc4: {  	s0 =	sadd.s32 $0x8F2B, s0  }
0xc5: {  	[sflag:s0] =	ssyncadd.remote.s32 $0x1  }
0xc6: {  	_ =	sfence.sel $0xFFFF  }
0xc7: {  	[dreg:$0x0] =	wrdreg $0xFFFFFFFF;
	(pc) =	sbr.abs _section_cstart, $3  }
0xc8: {  	[dreg:$0x1] =	wrdreg $0xFFFFFFFF  }
0xc9: {  	_ =	task.clear_ibuf [dreg:s8], $0x2FFFF;
	_ =	strace $0x9FFFFFFF  }
0xca: {  	(tm) =	ssettm $0x7FFFFFFF  }
0xcb: {  	_ =	shalt  }
tec
execute0_lowered:
.L_overlay_start_1:
0x0: {  	(tag) =	ssettag $0x1  }
0x1: {  	s0 =	rddreg [dreg:$0x0]  }
0x2: {  	s1 =	rddreg [dreg:$0x1]  }
0x3: {  	s2 =	rddreg [dreg:$0x2]  }
0x4: {  	s4 =	srdreg.scid;
	s13 =	stileid.u32  }
0x5: {  	s3 =	rddreg [dreg:$0x3];
	s18 =	simm.s32 $0x7D;
	s21 =	simm.s32 $0x4F10  }
0x6: {  	s22 =	simm.s32 $0x2FD0;
	s28 =	simm.s32 $0x5;
	s29 =	simm.s32 $0x56E0  }
0x7: {  	s30 =	simm.s32 $0x4;
	s31 =	simm.s32 $0x2;
	s8 =	sand.u32 $0x1, s4  }
0x8: {  	s5 =	sshll.u32 s13, $0x1;
	s4 =	simm.s32 $0x0;
	s6 =	sadd.s32 $0x7600, s0  }
0x9: {  	s7 =	sadd.s32 $0x20600, s0;
	s13 =	smul.u32 $0x2800, s13;
	s9 =	sor.u32 s8, s5  }
0xa: {  	[smem:$0x7FF] =	sst s4;
	s5 =	sadd.s32 $0x2600, s0;
	s12 =	smul.u32 $0x5000, s8  }
0xb: {  	s8 =	ssub.s32 $0x2, s8;
	s10 =	smul.u32 $0x280, s9;
	_ =	strace $0x80000047  }
0xc: {  	s23 =	sshrl.u32 s8, $0x1;
	s14 =	smul.u32 $0x2710, s9;
	s26 =	sshrl.u32 s13, $0x3  }
0xd: {  	s8 =	ssub.s32 s8, s23;
	s23 =	simm.s32 $0x3F70;
	s11 =	sadd.s32 s10, s0  }
0xe: {  	s0 =	sadd.s32 s12, s0;
	s12 =	sadd.s32 s13, s3;
	s2 =	sadd.s32 s2, s10  }
0xf: {  	s25 =	sadd.s32 s1, s14;
	s8 =	smax.u32 s8, $0x1;
	[dreg:$0x6] =	wrdreg s2  }
0x10: {  	s13 =	simm.s32 $0xB;
	s14 =	simm.s32 $0x5EB0;
	[dreg:$0x8] =	wrdreg s25  }
0x11: {  	s24 =	sadd.s32 $0xC600, s11;
	s11 =	smul.u32 $0x1388, s9;
	[dreg:$0x9] =	wrdreg s8  }
0x12: {  	s0 =	sadd.s32 $0x16600, s0;
	s25 =	simm.s32 $0x3;
	[dreg:$0x5] =	wrdreg s12  }
0x13: {  	s2 =	simm.s32 $0x6;
	[dreg:$0x7] =	wrdreg s24;
	s0 =	sadd.s32 s26, s0  }
0x14: {  	v0 =	vimm.f32 $0.0e+00;
	s9 =	simm.s32 $0x0;
	s26 =	simm.s32 $0x1;
	[dreg:$0xa] =	wrdreg s0  }
.LBB2_1:
0x15: {  	s0 =	simm.s32 $0x40;
	s8 =	simm.s32 $0x0  }
.LBB2_2:
0x16: {  	p0 =	sne.s32 s0, $0x9FC0;
	[tilespmem:s8+$0x6680] =	vst v0;
	s8 =	smov.u32 s0;
	s0 =	sadd.s32 $0x40, s0  }
.Ltmp0:
0x17: {  	(pc) =	sbr.rel @p0 .LBB2_2-.Ltmp0, $2  }
0x18: {  	_ =	sdelay $0x2  }
0x19: {  	s8 =	sshra.s32 s8, $0x2  }
0x1a: {  	[tilespmem:s8+$0x6680] =	vst v0;
	s0 =	simm.s32 $0x6680  }
0x1b: {  	[spmem:s12] =	stream.linear.scatter [tilespmem:s0], [sflag:$0xB], $0x2800, $0x38;
	[tilespmem:$0xB680] =	vst v63  }
0x1c: {  	_ =	swait.ge [sflag:s13], $0x2800  }
0x1d: {  	[sflag:s13] =	ssyncset.done $0x0  }
0x1e: {  	s10 =	simm.s32 $0x0;
	s12 =	rddreg [dreg:$0x6];
	[sflag:s13] =	ssyncadd.s32 $0xFFFFD800  }
0x1f: {  	[tilespmem:s10], [sflag:$0xB] =	stream.linear.gather [hbm4b:s12+s10], $0x1400, $0x38;
	[tilespmem:$0xB680] =	vst v63  }
0x20: {  	_ =	swait.ge [sflag:s13], $0x1400  }
0x21: {  	[sflag:s13] =	ssyncset.done $0x0  }
0x22: {  	s16 =	simm.s32 $0x1400;
	s15 =	rddreg [dreg:$0x7];
	[sflag:s13] =	ssyncadd.s32 $0xFFFFEC00  }
0x23: {  	[tilespmem:s16], [sflag:$0xB] =	stream.linear.gather [hbm4b:s15+s10], $0x1400, $0x38;
	[tilespmem:$0xB680] =	vst v63  }
0x24: {  	_ =	swait.ge [sflag:s13], $0x1400  }
0x25: {  	[sflag:s13] =	ssyncset.done $0x0  }
0x26: {  	[sflag:s13] =	ssyncadd.s32 $0xFFFFEC00  }
0x27: {  	[bflag:$0x0] =	sbarrier.arrive $0xFFFF  }
0x28: {  	s19 =	simm.s32 $0x4740;
	s17 =	rddreg [dreg:$0x8]  }
0x29: {  	[tilespmem:s19], [sflag:$0x3] =	stream.linear.gather [hbm4b:s17+s10], $0x7D0, $0x38;
	[tilespmem:$0xB680] =	vst v63  }
0x2a: {  	s20 =	simm.s32 $0x2800  }
0x2b: {  	[tilespmem:s20], [sflag:$0x1] =	stream.indirect.gather [hbm4b:s5+s18], $0x10, s10, s18, $0xb8;
	[tilespmem:$0xB680] =	vst v63  }
0x2c: {  	s24 =	simm.s32 $0x37A0  }
0x2d: {  	[tilespmem:s24], [sflag:$0x5] =	stream.indirect.gather [hbm4b:s6+s18], $0x10, s16, s18, $0xb8;
	[tilespmem:$0xB680] =	vst v63  }
.LBB2_4:
0x2e: {  	s0 =	sshllo.u32 s10, $0x1  }
0x2f: {  	s8 =	smul.u32 $0x7D, s0;
	_ =	sdelay $0x1  }
0x30: {  	s8 =	sadd.s32 s11, s8  }
0x31: {  	s8 =	sshll.u32 s8, $0x1  }
0x32: {  	s16 =	sand.u32 $0x1FFFFFFE, s8  }
0x33: {  	s8 =	sadd.s32 s1, s16  }
0x34: {  	[tilespmem:s21], [sflag:$0x4] =	stream.linear.gather [hbm4b:s8+s4], $0x7D0, $0x38;
	[tilespmem:$0xB680] =	vst v63  }
0x35: {  	s12 =	sshll.u32 s0, $0x7  }
0x36: {  	[tilespmem:s22], [sflag:$0x2] =	stream.indirect.gather [hbm4b:s5+s18], $0x10, s12, s18, $0xb8;
	[tilespmem:$0xB680] =	vst v63  }
0x37: {  	s0 =	sadd.s32 $0x1400, s12  }
0x38: {  	[tilespmem:s23], [sflag:$0x6] =	stream.indirect.gather [hbm4b:s6+s18], $0x10, s0, s18, $0xb8;
	[tilespmem:$0xB680] =	vst v63  }
0x39: {  	_ =	swait.ge [sflag:s25], $0x7D0  }
0x3a: {  	[sflag:s25] =	ssyncset.done $0x0  }
0x3b: {  	[sflag:s25] =	ssyncadd.s32 $0xFFFFF830  }
0x3c: {  	_ =	swait.ge [sflag:s26], $0x7D0  }
0x3d: {  	[sflag:s26] =	ssyncset.done $0x0  }
0x3e: {  	[sflag:s26] =	ssyncadd.s32 $0xFFFFF830  }
0x3f: {  	_ =	swait.ge [sflag:s28], $0x7D0  }
0x40: {  	p0 =	seq.s32 s10, $0x0;
	[sflag:s28] =	ssyncset.done $0x0  }
0x41: {  	s0 =	simm.s32 @!p0 $0x7;
	[sflag:s28] =	ssyncadd.s32 $0xFFFFF830  }
0x42: {  	_ =	swait.ge @!p0 [sflag:s0], $0x7D0  }
0x43: {  	[sflag:s0] =	ssyncset.done @!p0 $0x0  }
0x44: {  	[sflag:s0] =	ssyncadd.s32 @!p0 $0xFFFFF830;
	s0 =	simm.s32 @!p0 $0x9  }
0x45: {  	_ =	swait.ge @!p0 [sflag:s0], $0x7D0  }
0x46: {  	[sflag:s0] =	ssyncset.done @!p0 $0x0  }
0x47: {  	[sflag:s0] =	ssyncadd.s32 @!p0 $0xFFFFF830;
	s0 =	simm.s32 $0x2820  }
0x48: {  	s20 =	simm.s32 $0x4760;
	v1 =	vld [tilespmem:s0+$0xFFFFFFE0]  }
0x49: {  	v2 =	vld [tilespmem:s20+$0xFFFFFFE0]  }
0x4a: {  	s13 =	simm.s32 $0x37C0  }
0x4b: {  	v3 =	vld [tilespmem:s13+$0xFFFFFFE0];
	_ =	sdelay $0x2  }
0x4c: {  	v1 =	vadd.f32 v1, v2;
	_ =	sdelay $0x1  }
0x4d: {  	v1 =	vadd.f32 v3, v1;
	_ =	sdelay $0x1  }
0x4e: {  	s24 =	simm.s32 $0x5700;
	v1 =	vmax.f32 v1, $0.0e+00  }
0x4f: {  	[tilespmem:s24+$0xFFFFFFE0] =	vst v1  }
0x50: {  	v1 =	vld [tilespmem:s20+$0xFFFFFFF0]  }
0x51: {  	v2 =	vld [tilespmem:s0+$0xFFFFFFF0];
	_ =	sdelay $0x1  }
0x52: {  	v3 =	vld [tilespmem:s13+$0xFFFFFFF0];
	_ =	sdelay $0x2  }
0x53: {  	v1 =	vadd.f32 v2, v1;
	_ =	sdelay $0x1  }
0x54: {  	v1 =	vadd.f32 v3, v1;
	_ =	sdelay $0x1  }
0x55: {  	v1 =	vmax.f32 v1, $0.0e+00  }
0x56: {  	[tilespmem:s24+$0xFFFFFFF0] =	vst v1  }
0x57: {  	v1 =	vld [tilespmem:s20+$0x0]  }
0x58: {  	v2 =	vld [tilespmem:s0+$0x0];
	_ =	sdelay $0x1  }
0x59: {  	v3 =	vld [tilespmem:s13+$0x0];
	_ =	sdelay $0x2  }
0x5a: {  	v1 =	vadd.f32 v2, v1;
	_ =	sdelay $0x1  }
0x5b: {  	v1 =	vadd.f32 v3, v1;
	_ =	sdelay $0x1  }
0x5c: {  	v1 =	vmax.f32 v1, $0.0e+00  }
0x5d: {  	[tilespmem:s24+$0x0] =	vst v1  }
0x5e: {  	v1 =	vld [tilespmem:s20+$0x10]  }
0x5f: {  	v2 =	vld [tilespmem:s0+$0x10];
	_ =	sdelay $0x1  }
0x60: {  	v3 =	vld [tilespmem:s13+$0x10];
	_ =	sdelay $0x2  }
0x61: {  	v1 =	vadd.f32 v2, v1;
	_ =	sdelay $0x1  }
0x62: {  	v1 =	vadd.f32 v3, v1;
	_ =	sdelay $0x1  }
0x63: {  	v1 =	vmax.f32 v1, $0.0e+00  }
0x64: {  	[tilespmem:s24+$0x10] =	vst v1  }
0x65: {  	v1 =	vld [tilespmem:s20+$0x20]  }
0x66: {  	v3 =	vld [tilespmem:s0+$0x20]  }
0x67: {  	s15 =	smul.u32 $0xFA, s10  }
0x68: {  	v2 =	vld [tilespmem:s13+$0x20]  }
0x69: {  	s17 =	sshll.u32 s10, $0x1;
	s19 =	sadd.s32 s11, s15;
	s15 =	simm.s32 $0x47B0  }
0x6a: {  	s8 =	simm.s32 $0x2870;
	s20 =	simm.s32 $0x0;
	s0 =	simm.s32 $0x5700  }
.LBB2_5:
0x6b: {  	s20 =	sadd.s32 $0x5, s20;
	v1 =	vadd.f32 v3, v1;
	s24 =	sadd.s32 $0x50, s24;
	s13 =	sadd.s32 $0x50, s13  }
0x6c: {  	p1 =	slt.u32 s20, $0x78  }
0x6d: {  	v1 =	vadd.f32 v2, v1;
	_ =	sdelay $0x1  }
0x6e: {  	v1 =	vmax.f32 v1, $0.0e+00  }
0x6f: {  	[tilespmem:s0+$0x20] =	vst v1;
	s0 =	smov.u32 s24  }
0x70: {  	v1 =	vld [tilespmem:s8+$0xFFFFFFE0]  }
0x71: {  	v2 =	vld [tilespmem:s15+$0xFFFFFFE0];
	_ =	sdelay $0x1  }
0x72: {  	v3 =	vld [tilespmem:s13+$0xFFFFFFE0];
	_ =	sdelay $0x2  }
0x73: {  	v1 =	vadd.f32 v1, v2;
	_ =	sdelay $0x1  }
0x74: {  	v1 =	vadd.f32 v3, v1;
	_ =	sdelay $0x1  }
0x75: {  	v1 =	vmax.f32 v1, $0.0e+00  }
0x76: {  	[tilespmem:s24+$0xFFFFFFE0] =	vst v1  }
0x77: {  	v1 =	vld [tilespmem:s15+$0xFFFFFFF0]  }
0x78: {  	v2 =	vld [tilespmem:s8+$0xFFFFFFF0];
	_ =	sdelay $0x1  }
0x79: {  	v3 =	vld [tilespmem:s13+$0xFFFFFFF0];
	_ =	sdelay $0x2  }
0x7a: {  	v1 =	vadd.f32 v2, v1;
	_ =	sdelay $0x1  }
0x7b: {  	v1 =	vadd.f32 v3, v1;
	_ =	sdelay $0x1  }
0x7c: {  	v1 =	vmax.f32 v1, $0.0e+00  }
0x7d: {  	[tilespmem:s24+$0xFFFFFFF0] =	vst v1  }
0x7e: {  	v1 =	vld [tilespmem:s15+$0x0]  }
0x7f: {  	v2 =	vld [tilespmem:s8+$0x0];
	_ =	sdelay $0x1  }
0x80: {  	v3 =	vld [tilespmem:s13+$0x0];
	_ =	sdelay $0x2  }
0x81: {  	v1 =	vadd.f32 v2, v1;
	_ =	sdelay $0x1  }
0x82: {  	v1 =	vadd.f32 v3, v1;
	_ =	sdelay $0x1  }
0x83: {  	v1 =	vmax.f32 v1, $0.0e+00  }
0x84: {  	[tilespmem:s24+$0x0] =	vst v1  }
0x85: {  	v1 =	vld [tilespmem:s15+$0x10]  }
0x86: {  	v2 =	vld [tilespmem:s8+$0x10];
	_ =	sdelay $0x1  }
0x87: {  	v3 =	vld [tilespmem:s13+$0x10];
	_ =	sdelay $0x2  }
0x88: {  	v1 =	vadd.f32 v2, v1;
	_ =	sdelay $0x1  }
0x89: {  	v1 =	vadd.f32 v3, v1;
	_ =	sdelay $0x1  }
0x8a: {  	v1 =	vmax.f32 v1, $0.0e+00  }
0x8b: {  	[tilespmem:s24+$0x10] =	vst v1  }
0x8c: {  	v1 =	vld [tilespmem:s15+$0x20]  }
.Ltmp1:
0x8d: {  	v3 =	vld [tilespmem:s8+$0x20];
	(pc) =	sbr.rel @p1 .LBB2_5-.Ltmp1, $2  }
0x8e: {  	v2 =	vld [tilespmem:s13+$0x20];
	_ =	sdelay $0x2  }
0x8f: {  	s15 =	sadd.s32 $0x50, s15;
	s8 =	sadd.s32 $0x50, s8  }
0x90: {  	v1 =	vadd.f32 v3, v1;
	_ =	sdelay $0x1  }
0x91: {  	v1 =	vadd.f32 v2, v1;
	_ =	sdelay $0x1  }
0x92: {  	s8 =	sshll.u32 s19, $0x1;
	s15 =	sshll.u32 s10, $0x8;
	p1 =	seq.s32 s10, $0x13;
	v1 =	vmax.f32 v1, $0.0e+00  }
0x93: {  	s13 =	sadd.s32 s7, s8;
	s8 =	sadd.s32 @!p1 $0x2, s17;
	[tilespmem:s0+$0x20] =	vst v1;
	s0 =	sand.u32 $0x3FFFFF00, s15  }
0x94: {  	[hbm4b:s13+s4] =	stream.linear.scatter [tilespmem:s29], [sflag:$0x7], $0x7D0, $0x38;
	[tilespmem:$0xB680] =	vst v63  }
0x95: {  	s0 =	sadd.s32 $0x1400, s0;
	s13 =	smul.u32 @!p1 $0x7D, s8  }
0x96: {  	[spmem:s3] =	stream.indirect.scatter.add.f32 [tilespmem:s29], [sflag:$0x9], $0x10, s0, s18, $0xb8;
	[tilespmem:$0xB680] =	vst v63  }
0x97: {  	s0 =	sadd.s32 @!p1 s11, s13  }
0x98: {  	s0 =	sshll.u32 @!p1 s0, $0x1  }
0x99: {  	s0 =	sand.u32 @!p1 $0x1FFFFFFC, s0  }
0x9a: {  	s15 =	simm.s32 @!p1 $0x4740;
	s13 =	simm.s32 @!p1 $0x0;
	s0 =	sadd.s32 @!p1 s1, s0  }
0x9b: {  	[tilespmem:s15], [sflag:$0x3] =	stream.linear.gather @!p1 [hbm4b:s0+s13], $0x7D0, $0x38;
	[tilespmem:$0xB680] =	vst v63  }
0x9c: {  	s0 =	sshll.u32 @!p1 s8, $0x7;
	s8 =	simm.s32 @!p1 $0x7D;
	s13 =	simm.s32 @!p1 $0x2800  }
0x9d: {  	[tilespmem:s13], [sflag:$0x1] =	stream.indirect.gather @!p1 [hbm4b:s5+s8], $0x10, s0, s8, $0xb8;
	[tilespmem:$0xB680] =	vst v63  }
0x9e: {  	s0 =	sadd.s32 @!p1 $0x1400, s0;
	s13 =	simm.s32 @!p1 $0x37A0  }
0x9f: {  	[tilespmem:s13], [sflag:$0x5] =	stream.indirect.gather @!p1 [hbm4b:s6+s8], $0x10, s0, s8, $0xb8;
	[tilespmem:$0xB680] =	vst v63  }
0xa0: {  	_ =	swait.ge [sflag:s30], $0x7D0  }
0xa1: {  	[sflag:s30] =	ssyncset.done $0x0  }
0xa2: {  	[sflag:s30] =	ssyncadd.s32 $0xFFFFF830  }
0xa3: {  	_ =	swait.ge [sflag:s31], $0x7D0  }
0xa4: {  	[sflag:s31] =	ssyncset.done $0x0  }
0xa5: {  	[sflag:s31] =	ssyncadd.s32 $0xFFFFF830  }
0xa6: {  	_ =	swait.ge [sflag:s2], $0x7D0  }
0xa7: {  	[sflag:s2] =	ssyncset.done $0x0  }
0xa8: {  	s0 =	simm.s32 @!p0 $0x8;
	[sflag:s2] =	ssyncadd.s32 $0xFFFFF830  }
0xa9: {  	_ =	swait.ge @!p0 [sflag:s0], $0x7D0  }
0xaa: {  	[sflag:s0] =	ssyncset.done @!p0 $0x0  }
0xab: {  	[sflag:s0] =	ssyncadd.s32 @!p0 $0xFFFFF830;
	s0 =	simm.s32 @!p0 $0xA  }
0xac: {  	_ =	swait.ge @!p0 [sflag:s0], $0x7D0  }
0xad: {  	[sflag:s0] =	ssyncset.done @!p0 $0x0  }
0xae: {  	s19 =	simm.s32 $0x3010;
	[sflag:s0] =	ssyncadd.s32 @!p0 $0xFFFFF830  }
0xaf: {  	s20 =	simm.s32 $0x4F50;
	v1 =	vld [tilespmem:s19+$0xFFFFFFC0]  }
0xb0: {  	v2 =	vld [tilespmem:s20+$0xFFFFFFC0]  }
0xb1: {  	s13 =	simm.s32 $0x3FB0  }
0xb2: {  	v3 =	vld [tilespmem:s13+$0xFFFFFFC0];
	_ =	sdelay $0x2  }
0xb3: {  	v1 =	vadd.f32 v1, v2;
	_ =	sdelay $0x1  }
0xb4: {  	v1 =	vadd.f32 v3, v1;
	_ =	sdelay $0x1  }
0xb5: {  	s24 =	simm.s32 $0x5EF0;
	v1 =	vmax.f32 v1, $0.0e+00  }
0xb6: {  	[tilespmem:s24+$0xFFFFFFC0] =	vst v1  }
0xb7: {  	v1 =	vld [tilespmem:s20+$0xFFFFFFD0]  }
0xb8: {  	v2 =	vld [tilespmem:s19+$0xFFFFFFD0];
	_ =	sdelay $0x1  }
0xb9: {  	v3 =	vld [tilespmem:s13+$0xFFFFFFD0];
	_ =	sdelay $0x2  }
0xba: {  	v1 =	vadd.f32 v2, v1;
	_ =	sdelay $0x1  }
0xbb: {  	v1 =	vadd.f32 v3, v1;
	_ =	sdelay $0x1  }
0xbc: {  	v1 =	vmax.f32 v1, $0.0e+00  }
0xbd: {  	[tilespmem:s24+$0xFFFFFFD0] =	vst v1  }
0xbe: {  	v1 =	vld [tilespmem:s20+$0xFFFFFFE0]  }
0xbf: {  	v2 =	vld [tilespmem:s19+$0xFFFFFFE0];
	_ =	sdelay $0x1  }
0xc0: {  	v3 =	vld [tilespmem:s13+$0xFFFFFFE0];
	_ =	sdelay $0x2  }
0xc1: {  	v1 =	vadd.f32 v2, v1;
	_ =	sdelay $0x1  }
0xc2: {  	v1 =	vadd.f32 v3, v1;
	_ =	sdelay $0x1  }
0xc3: {  	v1 =	vmax.f32 v1, $0.0e+00  }
0xc4: {  	[tilespmem:s24+$0xFFFFFFE0] =	vst v1  }
0xc5: {  	v1 =	vld [tilespmem:s20+$0xFFFFFFF0]  }
0xc6: {  	v2 =	vld [tilespmem:s19+$0xFFFFFFF0];
	_ =	sdelay $0x1  }
0xc7: {  	v3 =	vld [tilespmem:s13+$0xFFFFFFF0];
	_ =	sdelay $0x2  }
0xc8: {  	v1 =	vadd.f32 v2, v1;
	_ =	sdelay $0x1  }
0xc9: {  	v1 =	vadd.f32 v3, v1;
	_ =	sdelay $0x1  }
0xca: {  	v1 =	vmax.f32 v1, $0.0e+00  }
0xcb: {  	[tilespmem:s24+$0xFFFFFFF0] =	vst v1  }
0xcc: {  	v1 =	vld [tilespmem:s20+$0x0]  }
0xcd: {  	v3 =	vld [tilespmem:s19+$0x0];
	_ =	sdelay $0x1  }
0xce: {  	v2 =	vld [tilespmem:s13+$0x0]  }
0xcf: {  	s17 =	simm.s32 $0x0  }
0xd0: {  	s15 =	simm.s32 $0x4FA0;
	s8 =	simm.s32 $0x3060;
	s0 =	simm.s32 $0x5EF0  }
.LBB2_7:
0xd1: {  	s17 =	sadd.s32 $0x5, s17;
	v1 =	vadd.f32 v3, v1;
	s24 =	sadd.s32 $0x50, s24;
	s13 =	sadd.s32 $0x50, s13  }
0xd2: {  	p0 =	slt.u32 s17, $0x78  }
0xd3: {  	v1 =	vadd.f32 v2, v1;
	_ =	sdelay $0x1  }
0xd4: {  	v1 =	vmax.f32 v1, $0.0e+00  }
0xd5: {  	[tilespmem:s0+$0x0] =	vst v1;
	s0 =	smov.u32 s24  }
0xd6: {  	v1 =	vld [tilespmem:s8+$0xFFFFFFC0]  }
0xd7: {  	v2 =	vld [tilespmem:s15+$0xFFFFFFC0];
	_ =	sdelay $0x1  }
0xd8: {  	v3 =	vld [tilespmem:s13+$0xFFFFFFC0];
	_ =	sdelay $0x2  }
0xd9: {  	v1 =	vadd.f32 v1, v2;
	_ =	sdelay $0x1  }
0xda: {  	v1 =	vadd.f32 v3, v1;
	_ =	sdelay $0x1  }
0xdb: {  	v1 =	vmax.f32 v1, $0.0e+00  }
0xdc: {  	[tilespmem:s24+$0xFFFFFFC0] =	vst v1  }
0xdd: {  	v1 =	vld [tilespmem:s15+$0xFFFFFFD0]  }
0xde: {  	v2 =	vld [tilespmem:s8+$0xFFFFFFD0];
	_ =	sdelay $0x1  }
0xdf: {  	v3 =	vld [tilespmem:s13+$0xFFFFFFD0];
	_ =	sdelay $0x2  }
0xe0: {  	v1 =	vadd.f32 v2, v1;
	_ =	sdelay $0x1  }
0xe1: {  	v1 =	vadd.f32 v3, v1;
	_ =	sdelay $0x1  }
0xe2: {  	v1 =	vmax.f32 v1, $0.0e+00  }
0xe3: {  	[tilespmem:s24+$0xFFFFFFD0] =	vst v1  }
0xe4: {  	v1 =	vld [tilespmem:s15+$0xFFFFFFE0]  }
0xe5: {  	v2 =	vld [tilespmem:s8+$0xFFFFFFE0];
	_ =	sdelay $0x1  }
0xe6: {  	v3 =	vld [tilespmem:s13+$0xFFFFFFE0];
	_ =	sdelay $0x2  }
0xe7: {  	v1 =	vadd.f32 v2, v1;
	_ =	sdelay $0x1  }
0xe8: {  	v1 =	vadd.f32 v3, v1;
	_ =	sdelay $0x1  }
0xe9: {  	v1 =	vmax.f32 v1, $0.0e+00  }
0xea: {  	[tilespmem:s24+$0xFFFFFFE0] =	vst v1  }
0xeb: {  	v1 =	vld [tilespmem:s15+$0xFFFFFFF0]  }
0xec: {  	v2 =	vld [tilespmem:s8+$0xFFFFFFF0];
	_ =	sdelay $0x1  }
0xed: {  	v3 =	vld [tilespmem:s13+$0xFFFFFFF0];
	_ =	sdelay $0x2  }
0xee: {  	v1 =	vadd.f32 v2, v1;
	_ =	sdelay $0x1  }
0xef: {  	v1 =	vadd.f32 v3, v1;
	_ =	sdelay $0x1  }
0xf0: {  	v1 =	vmax.f32 v1, $0.0e+00  }
0xf1: {  	[tilespmem:s24+$0xFFFFFFF0] =	vst v1  }
0xf2: {  	v1 =	vld [tilespmem:s15+$0x0]  }
.Ltmp2:
0xf3: {  	v3 =	vld [tilespmem:s8+$0x0];
	(pc) =	sbr.rel @p0 .LBB2_7-.Ltmp2, $2  }
0xf4: {  	v2 =	vld [tilespmem:s13+$0x0];
	_ =	sdelay $0x2  }
0xf5: {  	s15 =	sadd.s32 $0x50, s15;
	s8 =	sadd.s32 $0x50, s8  }
0xf6: {  	v1 =	vadd.f32 v3, v1;
	_ =	sdelay $0x1  }
0xf7: {  	s10 =	sadd.s32 $0x1, s10;
	v1 =	vadd.f32 v2, v1  }
0xf8: {  	p0 =	sne.s32 s10, $0x14  }
.Ltmp3:
0xf9: {  	v1 =	vmax.f32 v1, $0.0e+00;
	(pc) =	sbr.rel @p0 .LBB2_4-.Ltmp3, $4  }
0xfa: {  	s20 =	sadd.s32 s7, s16;
	s24 =	sand.u32 $0x3FFFFF80, s12;
	[tilespmem:s0+$0x0] =	vst v1  }
0xfb: {  	[hbm4b:s20+s4] =	stream.linear.scatter [tilespmem:s14], [sflag:$0x8], $0x7D0, $0x38;
	[tilespmem:$0xB680] =	vst v63  }
0xfc: {  	s0 =	sadd.s32 $0x1400, s24  }
0xfd: {  	[spmem:s3] =	stream.indirect.scatter.add.f32 [tilespmem:s14], [sflag:$0xA], $0x10, s0, s18, $0xb8;
	[tilespmem:$0xB680] =	vst v63  }
0xfe: {  	s0 =	simm.s32 $0x7  }
0xff: {  	_ =	swait.ge [sflag:s0], $0x7D0  }
0x100: {  	[sflag:s0] =	ssyncset.done $0x0  }
0x101: {  	s16 =	simm.s32 $0x9;
	[sflag:s0] =	ssyncadd.s32 $0xFFFFF830  }
0x102: {  	_ =	swait.ge [sflag:s16], $0x7D0  }
0x103: {  	[sflag:s16] =	ssyncset.done $0x0  }
0x104: {  	s17 =	simm.s32 $0x8;
	[sflag:s16] =	ssyncadd.s32 $0xFFFFF830  }
0x105: {  	_ =	swait.ge [sflag:s17], $0x7D0  }
0x106: {  	[sflag:s17] =	ssyncset.done $0x0  }
0x107: {  	s19 =	simm.s32 $0xA;
	[sflag:s17] =	ssyncadd.s32 $0xFFFFF830  }
0x108: {  	_ =	swait.ge [sflag:s19], $0x7D0  }
0x109: {  	[sflag:s19] =	ssyncset.done $0x0  }
0x10a: {  	[sflag:s19] =	ssyncadd.s32 $0xFFFFF830  }
0x10b: {  	s20 =	stileid.u32;
	[bflag:$0x0] =	sbarrier.arrive $0xFFFF  }
0x10c: {  	s13 =	simm.s32 $0xB;
	s0 =	sshll.u32 s20, $0x6;
	s12 =	rddreg [dreg:$0x5]  }
0x10d: {  	s0 =	sor.u32 $0x1C0B, s0;
	s10 =	rddreg [dreg:$0xa];
	s8 =	sshrl.u32 s12, $0x3  }
0x10e: {  	[hbm:s10], [sflag:s0] =	dma.local [spmem:s8], $0x500  }
0x10f: {  	_ =	swait.ge [sflag:s13], $0x500  }
0x110: {  	s9 =	sadd.s32 $0x1, s9;
	s24 =	rddreg [dreg:$0x9]  }
0x111: {  	p0 =	sne.s32 s9, s24  }
.Ltmp4:
0x112: {  	_ = 	snop;
	(pc) =	sbr.rel @p0 .LBB2_1-.Ltmp4, $3  }
0x113: {  	_ =	sdelay $0x1  }
0x114: {  	[sflag:s13] =	ssyncset.done $0x0  }
0x115: {  	[sflag:s13] =	ssyncadd.s32 $0xFFFFFB00  }
0x116: {  	_ =	sfence.sel $0x180000  }
0x117: {  	[bflag:$0x0] =	sbarrier.arrive $0xFFFF  }
0x118: {  	_ =	strace $0x90000047  }
0x119: {  	s0 =	stileid.u32;
	[bflag:$0x2] =	sbarrier.arrive $0xFFFF  }
0x11a: {  	p0 =	sne.s32 s0, $0x0;
	s0 =	rddreg [dreg:$0x4]  }
0x11b: {  	s0 =	sadd.s32 @!p0 $0x100000, s0  }
0x11c: {  	[sflag:s0] =	ssyncadd.tile.s32 @!p0 $0x1;
	_ =	shalt  }
.Lfunc_end2:
_tile_overlayer_lowered:
.L_overlay_start_2:
0x11d: {  	(tag) =	ssettag $0x2  }
0x11e: {  	s0 =	rddreg [dreg:$0x0];
	s2 =	stileid.u32  }
0x11f: {  	s1 =	rddreg [dreg:$0x1];
	p0 =	sne.s32 s2, $0x0  }
0x120: {  	s3 =	rddreg [dreg:$0x2];
	[bflag:$0x3] =	sbarrier.arrive $0xFFFF;
	s2 =	simm.s32 @!p0 $0x1C0B  }
0x121: {  	[timem:s3], [sflag:s2] =	dma.local @!p0 [hbm:s0], s1  }
0x122: {  	s0 =	simm.s32 @!p0 $0xB  }
0x123: {  	_ =	swait.ge @!p0 [sflag:s0], s1  }
0x124: {  	s1 =	ssub.s32 @!p0 $0x0, s1;
	[sflag:s0] =	ssyncset.done @!p0 $0x0  }
0x125: {  	[sflag:s0] =	ssyncadd.s32 @!p0 s1  }
0x126: {  	[bflag:$0x3] =	sbarrier.arrive $0xFFFF  }
0x127: {  	_ =	shalt  }

</sc_bundles>
